<compile_context>
chip_gen: v7x
topology: tpu7x:2x2x1
jax: 0.10.2.dev20260603
libtpu: 0.0.44.dev20260713+nightly
codegen_flags: <defaults>
</compile_context>

<pallas_src>
import functools

import jax
import jax.numpy as jnp
from jax import lax
from jax.experimental import pallas as pl
from jax.experimental.pallas import tpu as pltpu
from jax.experimental.pallas import tpu_sc as plsc

P = 160000
T = 320000
D = 128
GEOM = 4

NC = 2
NS = 16
L = 16
HALF = P // NC
NPASS = 9
PADH = 80640
PAD0 = PADH - HALF
R = PADH // NPASS
RT = R // NS
TSH = T // NS
W = 800
NWIN = TSH // W
C = 64
ZR = 80
NJUNK = 8
TRASH = 2 * C - L

BLK = 640
BLKP = 2000
BLKG = 4000



def _proj_body(h_ref, w_ref, pa_ref, pb_ref, pc_ref):
    r = h_ref[...] @ w_ref[...]
    pa_ref[...] = r[:, :D]
    pb_ref[...] = r[:, D:2 * D]
    pc_ref[...] = r[:, 2 * D:]


def _gp_body(g_ref, wg_ref, b1_ref, gp_ref):
    gp_ref[...] = g_ref[...] @ wg_ref[...] + b1_ref[...]


def _final_body(h_ref, s_ref, w2_ref, v1a_ref, v1b_ref, c1_ref, v2_ref,
                c2_ref, out_ref):
    h = h_ref[...]
    agg = s_ref[...] @ w2_ref[...]
    u = h @ v1a_ref[...] + agg @ v1b_ref[...] + c1_ref[...]
    u = u * jax.nn.sigmoid(u)
    out_ref[...] = h + (u @ v2_ref[...] + c2_ref[...])



def _silu16(x):
    return x / (1.0 + jnp.exp(-x))


def _sc_body(vw_hbm, vu_hbm, uw_hbm, pa_hbm, pb_hbm, pc_hbm, gp_hbm, s_hbm,
             vw_w, vu_w, uw_w, tid_c, dst_c, vu_c, uw_c, dst_cc, vwg_c,
             ga, gb, gc, gpr, zbuf, pbuf, acc, sem_w, sem_g):
    cid = lax.axis_index("c")
    sid = lax.axis_index("s")
    sc_base = cid * PADH
    tstart = pl.multiple_of(sid * TSH, 8)

    zero16 = jnp.zeros((L,), jnp.float32)

    def zinit(j, carry):
        for v in range(D // L):
            zbuf[j, pl.ds(v * L, L)] = zero16
        return carry

    lax.fori_loop(0, ZR, zinit, 0)

    iota16 = lax.iota(jnp.int32, L)
    shift_idx = [jnp.maximum(iota16 - d, 0) for d in (1, 2, 4, 8)]
    zeros16i = jnp.zeros((L,), jnp.int32)
    dstjunk = R + (iota16 & (NJUNK - 1))

    def process_chunk(pass_base):
        cs = pl.ds(0, C)
        g1 = pltpu.async_copy(pa_hbm.at[vu_c.at[cs]], ga, sem_g)
        g2 = pltpu.async_copy(pb_hbm.at[uw_c.at[cs]], gb, sem_g)
        g4 = pltpu.async_copy(gp_hbm.at[tid_c.at[cs]], gpr, sem_g)
        for k in range(C // L):
            d16 = dst_c[pl.ds(k * L, L)]
            dst_cc[pl.ds(k * L, L)] = d16
            vrow = d16 + pass_base
            vworig = vrow - jnp.where(vrow >= PADH, PAD0, 0)
            vwg_c[pl.ds(k * L, L)] = jnp.minimum(vworig, P - 1)
        g3 = pltpu.async_copy(pc_hbm.at[vwg_c], gc, sem_g)
        g1.wait()
        g2.wait()
        g3.wait()
        g4.wait()

        def row_body(j, rcarry):
            for v in range(D // L):
                sl = pl.ds(v * L, L)
                x = ga[j, sl] + gb[j, sl] + gc[j, sl] + gpr[j, sl]
                ga[j, sl] = _silu16(x)
            return rcarry

        lax.fori_loop(0, C, row_body, 0)
        pltpu.sync_copy(ga, acc.at[dst_cc], add=True)

    def pass_body(p, carry):
        pass_base = sc_base + p * R

        for z in range(RT // ZR):
            pltpu.sync_copy(
                zbuf, acc.at[pl.ds(pl.multiple_of(sid * RT + z * ZR, 8), ZR)])
        plsc.subcore_barrier()

        for src, dstb in ((vw_hbm, vw_w), (vu_hbm, vu_w), (uw_hbm, uw_w)):
            pltpu.async_copy(src.at[pl.ds(tstart, W)], dstb.at[pl.ds(0, W)],
                             sem_w)

        def win_body(w, nbuf):
            cur = pl.multiple_of((w % 2) * W, 8)
            nxt = pl.multiple_of(((w + 1) % 2) * W, 8)
            for src, dstb in ((vw_hbm, vw_w), (vu_hbm, vu_w),
                              (uw_hbm, uw_w)):
                pltpu.make_async_copy(src.at[pl.ds(0, W)],
                                      dstb.at[pl.ds(cur, W)], sem_w).wait()

            @pl.when(w + 1 < NWIN)
            def _():
                nb = pl.multiple_of(tstart + (w + 1) * W, 8)
                for src, dstb in ((vw_hbm, vw_w), (vu_hbm, vu_w),
                                  (uw_hbm, uw_w)):
                    pltpu.async_copy(src.at[pl.ds(nb, W)],
                                     dstb.at[pl.ds(nxt, W)], sem_w)

            def scan_body(i, nbuf):
                off = pl.multiple_of(w * W + i * 2 * L, 8)
                woff0 = pl.multiple_of(cur + i * 2 * L, 8)
                vwa = vw_w[pl.ds(woff0, L)]
                vwb = vw_w[pl.ds(woff0 + L, L)]
                rela = vwa + jnp.where(vwa >= HALF, PAD0, 0) - pass_base
                relb = vwb + jnp.where(vwb >= HALF, PAD0, 0) - pass_base
                maska = (rela >= 0) & (rela < R)
                maskb = (relb >= 0) & (relb < R)
                cnta = plsc.all_reduce_population_count(maska)[0]
                cntb = plsc.all_reduce_population_count(maskb)[0]
                cnt = cnta + cntb

                @pl.when(cnt > 0)
                def _():
                    woff = pl.multiple_of(cur + i * 2 * L, 8)
                    xa = jnp.where(maska, 1, 0).astype(jnp.int32)
                    xb = jnp.where(maskb, 1, 0).astype(jnp.int32)
                    for r, d in enumerate((1, 2, 4, 8)):
                        pbuf[pl.ds(0, L)] = xa
                        pbuf[pl.ds(L, L)] = xb
                        sga = plsc.load_gather(pbuf, [shift_idx[r]])
                        sgb = plsc.load_gather(pbuf, [shift_idx[r] + L])
                        sel = iota16 >= d
                        xa = xa + jnp.where(sel, sga, 0)
                        xb = xb + jnp.where(sel, sgb, 0)
                    tida = tstart + off + iota16
                    posa = jnp.where(maska, nbuf + xa - 1, TRASH + iota16)
                    posb = jnp.where(maskb, nbuf + cnta + xb - 1,
                                     TRASH + iota16)
                    plsc.store_scatter(tid_c, [posa], tida)
                    plsc.store_scatter(dst_c, [posa], rela)
                    plsc.store_scatter(vu_c, [posa], vu_w[pl.ds(woff, L)])
                    plsc.store_scatter(uw_c, [posa], uw_w[pl.ds(woff, L)])
                    plsc.store_scatter(tid_c, [posb], tida + L)
                    plsc.store_scatter(dst_c, [posb], relb)
                    plsc.store_scatter(vu_c, [posb],
                                       vu_w[pl.ds(woff + L, L)])
                    plsc.store_scatter(uw_c, [posb],
                                       uw_w[pl.ds(woff + L, L)])

                nbuf = nbuf + cnt

                @pl.when(nbuf >= C)
                def _():
                    process_chunk(pass_base)
                    for buf in (tid_c, dst_c, vu_c, uw_c):
                        t16 = buf[pl.ds(C, L)]
                        s16 = buf[pl.ds(C + L, L)]
                        buf[pl.ds(0, L)] = t16
                        buf[pl.ds(L, L)] = s16

                return jnp.where(nbuf >= C, nbuf - C, nbuf)

            return lax.fori_loop(0, W // (2 * L), scan_body, nbuf)

        nbuf = lax.fori_loop(0, NWIN, win_body, jnp.int32(0))

        @pl.when(nbuf > 0)
        def _():
            for k in range(C // L):
                pos = nbuf + k * L + iota16
                plsc.store_scatter(tid_c, [pos], zeros16i)
                plsc.store_scatter(dst_c, [pos], dstjunk)
                plsc.store_scatter(vu_c, [pos], zeros16i)
                plsc.store_scatter(uw_c, [pos], zeros16i)
            process_chunk(pass_base)

        plsc.subcore_barrier()
        out_base = pl.multiple_of(pass_base + sid * RT, 8)
        pltpu.sync_copy(acc.at[pl.ds(pl.multiple_of(sid * RT, 8), RT)],
                        s_hbm.at[pl.ds(out_base, RT)])
        plsc.subcore_barrier()
        return carry

    lax.fori_loop(0, NPASS, pass_body, 0)


def _sc_scatter(vw_idx, vu_idx, uw_idx, pa, pb, pc, gp):
    mesh = plsc.VectorSubcoreMesh(core_axis_name="c", subcore_axis_name="s")
    f = pl.kernel(
        _sc_body,
        out_type=jax.ShapeDtypeStruct((NC * PADH, D), jnp.float32),
        mesh=mesh,
        compiler_params=pltpu.CompilerParams(needs_layout_passes=False),
        scratch_types=[
            pltpu.VMEM((2 * W,), jnp.int32),
            pltpu.VMEM((2 * W,), jnp.int32),
            pltpu.VMEM((2 * W,), jnp.int32),
            pltpu.VMEM((2 * C,), jnp.int32),
            pltpu.VMEM((2 * C,), jnp.int32),
            pltpu.VMEM((2 * C,), jnp.int32),
            pltpu.VMEM((2 * C,), jnp.int32),
            pltpu.VMEM((C,), jnp.int32),
            pltpu.VMEM((C,), jnp.int32),
            pltpu.VMEM((C, D), jnp.float32),
            pltpu.VMEM((C, D), jnp.float32),
            pltpu.VMEM((C, D), jnp.float32),
            pltpu.VMEM((C, D), jnp.float32),
            pltpu.VMEM((ZR, D), jnp.float32),
            pltpu.VMEM((2 * L,), jnp.int32),
            pltpu.VMEM_SHARED((R + NJUNK, D), jnp.float32),
            pltpu.SemaphoreType.DMA,
            pltpu.SemaphoreType.DMA,
        ],
    )
    return f(vw_idx, vu_idx, uw_idx, pa, pb, pc, gp)



def kernel(h_pair, pair_vu_idx, pair_uw_idx, pair_vw_idx, geom_features,
           psi_W1, psi_b1, psi_W2, psi_b2, phi_W1, phi_b1, phi_W2, phi_b2):
    i32 = jnp.int32
    vu = pair_vu_idx.astype(i32)
    uw = pair_uw_idx.astype(i32)
    vw = pair_vw_idx.astype(i32)

    w1cat = jnp.concatenate(
        [psi_W1[:D], psi_W1[D:2 * D], psi_W1[2 * D:3 * D]], axis=1)

    pa, pb, pc = pl.pallas_call(
        _proj_body,
        grid=(P // BLKP,),
        in_specs=[
            pl.BlockSpec((BLKP, D), lambda i: (i, 0)),
            pl.BlockSpec((D, 3 * D), lambda i: (0, 0)),
        ],
        out_specs=[
            pl.BlockSpec((BLKP, D), lambda i: (i, 0)),
            pl.BlockSpec((BLKP, D), lambda i: (i, 0)),
            pl.BlockSpec((BLKP, D), lambda i: (i, 0)),
        ],
        out_shape=[
            jax.ShapeDtypeStruct((P, D), jnp.float32),
            jax.ShapeDtypeStruct((P, D), jnp.float32),
            jax.ShapeDtypeStruct((P, D), jnp.float32),
        ],
    )(h_pair, w1cat)

    gp = pl.pallas_call(
        _gp_body,
        grid=(T // BLKG,),
        in_specs=[
            pl.BlockSpec((BLKG, GEOM), lambda i: (i, 0)),
            pl.BlockSpec((GEOM, D), lambda i: (0, 0)),
            pl.BlockSpec((D,), lambda i: (0,)),
        ],
        out_specs=pl.BlockSpec((BLKG, D), lambda i: (i, 0)),
        out_shape=jax.ShapeDtypeStruct((T, D), jnp.float32),
    )(geom_features, psi_W1[3 * D:], psi_b1)

    s_acc = _sc_scatter(vw, vu, uw, pa, pb, pc, gp)

    out = pl.pallas_call(
        _final_body,
        grid=(P // BLK,),
        in_specs=[
            pl.BlockSpec((BLK, D), lambda i: (i, 0)),
            pl.BlockSpec((BLK, D), lambda i: (jnp.where(i >= PADH // BLK - 1,
                                                        i + 1, i), 0)),
            pl.BlockSpec((D, D), lambda i: (0, 0)),
            pl.BlockSpec((D, D), lambda i: (0, 0)),
            pl.BlockSpec((D, D), lambda i: (0, 0)),
            pl.BlockSpec((D,), lambda i: (0,)),
            pl.BlockSpec((D, D), lambda i: (0, 0)),
            pl.BlockSpec((D,), lambda i: (0,)),
        ],
        out_specs=pl.BlockSpec((BLK, D), lambda i: (i, 0)),
        out_shape=jax.ShapeDtypeStruct((P, D), jnp.float32),
    )(h_pair, s_acc, psi_W2, phi_W1[:D], phi_W1[D:], phi_b1, phi_W2, phi_b2)
    return out

# --- scband reference (transcript-rebuilt; emitter-appended) ---
"""Pipeline reference for scband-local2-fwlgat-12051678233186 (READ-ONLY COPY).

The authoritative reference and input builder live on the scoring server;
editing this copy changes nothing except your own understanding.
"""

import jax, jax.numpy as jnp
import numpy as np

P = 160000
T = 320000
D = 128
GEOM = 4


def _mlp(x, W1, b1, W2, b2):
    h = x @ W1 + b1
    h = h * jax.nn.sigmoid(h)  # SiLU
    return h @ W2 + b2


def setup_inputs(seed: int = 0) -> dict:
    key = jax.random.key(seed)
    ks = jax.random.split(key, 10)
    s = 0.05
    return {
        "h_pair": jax.random.normal(ks[0], (P, D), dtype=jnp.float32),
        "pair_vu_idx": jax.random.randint(ks[1], (T,), 0, P),
        "pair_uw_idx": jax.random.randint(ks[2], (T,), 0, P),
        "pair_vw_idx": jax.random.randint(ks[3], (T,), 0, P),
        "geom_features": jax.random.uniform(ks[4], (T, GEOM), dtype=jnp.float32),
        "psi_W1": jax.random.normal(ks[5], (3 * D + GEOM, D), dtype=jnp.float32) * s,
        "psi_b1": jnp.zeros((D,), dtype=jnp.float32),
        "psi_W2": jax.random.normal(ks[6], (D, D), dtype=jnp.float32) * s,
        "psi_b2": jnp.zeros((D,), dtype=jnp.float32),
        "phi_W1": jax.random.normal(ks[7], (2 * D, D), dtype=jnp.float32) * s,
        "phi_b1": jnp.zeros((D,), dtype=jnp.float32),
        "phi_W2": jax.random.normal(ks[8], (D, D), dtype=jnp.float32) * s,
        "phi_b2": jnp.zeros((D,), dtype=jnp.float32),
    }


def reference(h_pair, pair_vu_idx, pair_uw_idx, pair_vw_idx, geom_features,
              psi_W1, psi_b1, psi_W2, psi_b2, phi_W1, phi_b1, phi_W2, phi_b2):
    # Faithful jax translation of Local2FWLUpdate.forward (the 2-FWL pair-update kernel)
    h_vu = jnp.take(h_pair, pair_vu_idx, axis=0)
    h_uw = jnp.take(h_pair, pair_uw_idx, axis=0)
    h_vw = jnp.take(h_pair, pair_vw_idx, axis=0)
    triplet_input = jnp.concatenate([h_vu, h_uw, h_vw, geom_features], axis=-1)
    m_triplet = _mlp(triplet_input, psi_W1, psi_b1, psi_W2, psi_b2)
    agg = jnp.zeros_like(h_pair).at[pair_vw_idx].add(m_triplet)  # index_add_
    updated = _mlp(jnp.concatenate([h_pair, agg], axis=-1), phi_W1, phi_b1, phi_W2, phi_b2)
    return h_pair + updated

if __name__ == "__main__":
    import jax
    _d = setup_inputs()
    print(jax.jit(kernel)(*tuple(_d.values())))

</pallas_src>

<mosaic_0001>
#map = affine_map<(d0, d1) -> (0)>
#map1 = affine_map<(d0, d1) -> (0, 0)>
module attributes {stable_mosaic.version = 14 : i64} {
  func.func @_sc_body(%arg0: i32, %arg1: i32, %arg2: memref<320000xi32, #tpu.memory_space<hbm>>, %arg3: memref<320000xi32, #tpu.memory_space<hbm>>, %arg4: memref<320000xi32, #tpu.memory_space<hbm>>, %arg5: memref<160000x128xf32, #tpu.memory_space<hbm>>, %arg6: memref<160000x128xf32, #tpu.memory_space<hbm>>, %arg7: memref<160000x128xf32, #tpu.memory_space<hbm>>, %arg8: memref<320000x128xf32, #tpu.memory_space<hbm>>, %arg9: memref<161280x128xf32, #tpu.memory_space<hbm>>, %arg10: memref<1600xi32, #tpu.memory_space<vmem>>, %arg11: memref<1600xi32, #tpu.memory_space<vmem>>, %arg12: memref<1600xi32, #tpu.memory_space<vmem>>, %arg13: memref<128xi32, #tpu.memory_space<vmem>>, %arg14: memref<128xi32, #tpu.memory_space<vmem>>, %arg15: memref<128xi32, #tpu.memory_space<vmem>>, %arg16: memref<128xi32, #tpu.memory_space<vmem>>, %arg17: memref<64xi32, #tpu.memory_space<vmem>>, %arg18: memref<64xi32, #tpu.memory_space<vmem>>, %arg19: memref<64x128xf32, #tpu.memory_space<vmem>>, %arg20: memref<64x128xf32, #tpu.memory_space<vmem>>, %arg21: memref<64x128xf32, #tpu.memory_space<vmem>>, %arg22: memref<64x128xf32, #tpu.memory_space<vmem>>, %arg23: memref<80x128xf32, #tpu.memory_space<vmem>>, %arg24: memref<32xi32, #tpu.memory_space<vmem>>, %arg25: memref<8968x128xf32, #tpu.memory_space<vmem_shared>>, %arg26: memref<!tpu.dma_semaphore, #tpu.memory_space<semaphore_mem>>, %arg27: memref<!tpu.dma_semaphore, #tpu.memory_space<semaphore_mem>>) attributes {dimension_semantics = [#tpu.dimension_semantics<core_parallel>, #tpu.dimension_semantics<subcore_parallel>], iteration_bounds = array<i64: 2, 16>, scalar_prefetch = 0 : i64, scratch_operands = 18 : i64, tpu.core_type = #tpu.core_type<sc_vector_subcore>, window_params = [{transform_indices = #map}, {transform_indices = #map}, {transform_indices = #map}, {transform_indices = #map1}, {transform_indices = #map1}, {transform_indices = #map1}, {transform_indices = #map1}, {transform_indices = #map1}]} {
    %mul3A = arith.constant 80640 : i32
    %mul3A_0 = arith.muli %arg0, %mul3A : i32
    %mul3A_1 = arith.constant 20000 : i32
    %mul3A_2 = arith.muli %arg1, %mul3A_1 : i32
    %multiple_of3A = tpu.assume_multiple %mul3A_2, 8 : i32
    %broadcast_in_dim3A = arith.constant 0.000000e+00 : f32
    %broadcast_in_dim3A_3 = vector.broadcast %broadcast_in_dim3A : f32 to vector<16xf32>
    %scan3A = arith.constant 0 : i32
    %scan3A_4 = arith.constant 0 : i32
    %scan3A_5 = arith.constant 80 : i32
    %scan3A_6 = arith.addi %scan3A_4, %scan3A_5 : i32
    %scan3A_7 = arith.constant 1 : i32
    scf.for %scan3A_43 = %scan3A_4 to %scan3A_6 step %scan3A_7  : i32 {
      %swap3A = arith.index_cast %scan3A_43 : i32 to index
      %swap3A_44 = arith.constant 0 : index
      %swap3A_45 = tpu.vector_load %arg23[%swap3A, %swap3A_44] {strides = array<i32>} : memref<80x128xf32, #tpu.memory_space<vmem>>, vector<16xf32>,
      tpu.vector_store %arg23[%swap3A, %swap3A_44], %broadcast_in_dim3A_3 {strides = array<i32>} : memref<80x128xf32, #tpu.memory_space<vmem>>, vector<16xf32>,
      %swap3A_46 = arith.index_cast %scan3A_43 : i32 to index
      %swap3A_47 = arith.constant 16 : index
      %swap3A_48 = tpu.vector_load %arg23[%swap3A_46, %swap3A_47] {strides = array<i32>} : memref<80x128xf32, #tpu.memory_space<vmem>>, vector<16xf32>,
      tpu.vector_store %arg23[%swap3A_46, %swap3A_47], %broadcast_in_dim3A_3 {strides = array<i32>} : memref<80x128xf32, #tpu.memory_space<vmem>>, vector<16xf32>,
      %swap3A_49 = arith.index_cast %scan3A_43 : i32 to index
      %swap3A_50 = arith.constant 32 : index
      %swap3A_51 = tpu.vector_load %arg23[%swap3A_49, %swap3A_50] {strides = array<i32>} : memref<80x128xf32, #tpu.memory_space<vmem>>, vector<16xf32>,
      tpu.vector_store %arg23[%swap3A_49, %swap3A_50], %broadcast_in_dim3A_3 {strides = array<i32>} : memref<80x128xf32, #tpu.memory_space<vmem>>, vector<16xf32>,
      %swap3A_52 = arith.index_cast %scan3A_43 : i32 to index
      %swap3A_53 = arith.constant 48 : index
      %swap3A_54 = tpu.vector_load %arg23[%swap3A_52, %swap3A_53] {strides = array<i32>} : memref<80x128xf32, #tpu.memory_space<vmem>>, vector<16xf32>,
      tpu.vector_store %arg23[%swap3A_52, %swap3A_53], %broadcast_in_dim3A_3 {strides = array<i32>} : memref<80x128xf32, #tpu.memory_space<vmem>>, vector<16xf32>,
      %swap3A_55 = arith.index_cast %scan3A_43 : i32 to index
      %swap3A_56 = arith.constant 64 : index
      %swap3A_57 = tpu.vector_load %arg23[%swap3A_55, %swap3A_56] {strides = array<i32>} : memref<80x128xf32, #tpu.memory_space<vmem>>, vector<16xf32>,
      tpu.vector_store %arg23[%swap3A_55, %swap3A_56], %broadcast_in_dim3A_3 {strides = array<i32>} : memref<80x128xf32, #tpu.memory_space<vmem>>, vector<16xf32>,
      %swap3A_58 = arith.index_cast %scan3A_43 : i32 to index
      %swap3A_59 = arith.constant 80 : index
      %swap3A_60 = tpu.vector_load %arg23[%swap3A_58, %swap3A_59] {strides = array<i32>} : memref<80x128xf32, #tpu.memory_space<vmem>>, vector<16xf32>,
      tpu.vector_store %arg23[%swap3A_58, %swap3A_59], %broadcast_in_dim3A_3 {strides = array<i32>} : memref<80x128xf32, #tpu.memory_space<vmem>>, vector<16xf32>,
      %swap3A_61 = arith.index_cast %scan3A_43 : i32 to index
      %swap3A_62 = arith.constant 96 : index
      %swap3A_63 = tpu.vector_load %arg23[%swap3A_61, %swap3A_62] {strides = array<i32>} : memref<80x128xf32, #tpu.memory_space<vmem>>, vector<16xf32>,
      tpu.vector_store %arg23[%swap3A_61, %swap3A_62], %broadcast_in_dim3A_3 {strides = array<i32>} : memref<80x128xf32, #tpu.memory_space<vmem>>, vector<16xf32>,
      %swap3A_64 = arith.index_cast %scan3A_43 : i32 to index
      %swap3A_65 = arith.constant 112 : index
      %swap3A_66 = tpu.vector_load %arg23[%swap3A_64, %swap3A_65] {strides = array<i32>} : memref<80x128xf32, #tpu.memory_space<vmem>>, vector<16xf32>,
      tpu.vector_store %arg23[%swap3A_64, %swap3A_65], %broadcast_in_dim3A_3 {strides = array<i32>} : memref<80x128xf32, #tpu.memory_space<vmem>>, vector<16xf32>,
    }
    %scan3A_8 = arith.constant 80 : i32
    %iota3A = tpu.iota {dimensions = array<i32: 0>} : vector<16xi32>
    %sub3A = arith.constant 1 : i32
    %sub3A_9 = vector.broadcast %sub3A : i32 to vector<16xi32>
    %sub3A_10 = arith.subi %iota3A, %sub3A_9 : vector<16xi32>
    %max3A = arith.constant 0 : i32
    %max3A_11 = vector.broadcast %max3A : i32 to vector<16xi32>
    %max3A_12 = arith.maxsi %sub3A_10, %max3A_11 : vector<16xi32>
    %sub3A_13 = arith.constant 2 : i32
    %sub3A_14 = vector.broadcast %sub3A_13 : i32 to vector<16xi32>
    %sub3A_15 = arith.subi %iota3A, %sub3A_14 : vector<16xi32>
    %max3A_16 = arith.constant 0 : i32
    %max3A_17 = vector.broadcast %max3A_16 : i32 to vector<16xi32>
    %max3A_18 = arith.maxsi %sub3A_15, %max3A_17 : vector<16xi32>
    %sub3A_19 = arith.constant 4 : i32
    %sub3A_20 = vector.broadcast %sub3A_19 : i32 to vector<16xi32>
    %sub3A_21 = arith.subi %iota3A, %sub3A_20 : vector<16xi32>
    %max3A_22 = arith.constant 0 : i32
    %max3A_23 = vector.broadcast %max3A_22 : i32 to vector<16xi32>
    %max3A_24 = arith.maxsi %sub3A_21, %max3A_23 : vector<16xi32>
    %sub3A_25 = arith.constant 8 : i32
    %sub3A_26 = vector.broadcast %sub3A_25 : i32 to vector<16xi32>
    %sub3A_27 = arith.subi %iota3A, %sub3A_26 : vector<16xi32>
    %max3A_28 = arith.constant 0 : i32
    %max3A_29 = vector.broadcast %max3A_28 : i32 to vector<16xi32>
    %max3A_30 = arith.maxsi %sub3A_27, %max3A_29 : vector<16xi32>
    %broadcast_in_dim3A_31 = arith.constant 0 : i32
    %broadcast_in_dim3A_32 = vector.broadcast %broadcast_in_dim3A_31 : i32 to vector<16xi32>
    %and3A = arith.constant 7 : i32
    %and3A_33 = vector.broadcast %and3A : i32 to vector<16xi32>
    %and3A_34 = arith.andi %iota3A, %and3A_33 : vector<16xi32>
    %add3A = arith.constant 8960 : i32
    %add3A_35 = vector.broadcast %add3A : i32 to vector<16xi32>
    %add3A_36 = arith.addi %add3A_35, %and3A_34 : vector<16xi32>
    %scan3A_37 = arith.constant 0 : i32
    %scan3A_38 = arith.constant 0 : i32
    %scan3A_39 = arith.constant 9 : i32
    %scan3A_40 = arith.addi %scan3A_38, %scan3A_39 : i32
    %scan3A_41 = arith.constant 1 : i32
    scf.for %scan3A_43 = %scan3A_38 to %scan3A_40 step %scan3A_41  : i32 {
      %mul3A_44 = arith.constant 8960 : i32
      %mul3A_45 = arith.muli %scan3A_43, %mul3A_44 : i32
      %add3A_46 = arith.addi %mul3A_0, %mul3A_45 : i32
      %mul3A_47 = arith.constant 560 : i32
      %mul3A_48 = arith.muli %arg1, %mul3A_47 : i32
      %add3A_49 = arith.constant 0 : i32
      %add3A_50 = arith.addi %mul3A_48, %add3A_49 : i32
      %multiple_of3A_51 = tpu.assume_multiple %add3A_50, 8 : i32
      "tpu.region"() ({
        %run_scoped3A = tpu.sem_alloc : memref<!tpu.dma_semaphore, #tpu.memory_space<semaphore_mem>>
        %dma_start3A_117 = arith.constant 0 : i32
        %dma_start3A_118 = tpu.memref_slice %arg25[%multiple_of3A_51, %dma_start3A_117] : memref<8968x128xf32, #tpu.memory_space<vmem_shared>> -> memref<80x128xf32, #tpu.memory_space<vmem_shared>>
        %dma_start3A_119 = arith.constant 0 : i32
        %dma_start3A_120 = tpu.memref_slice %arg25[%multiple_of3A_51, %dma_start3A_119] : memref<8968x128xf32, #tpu.memory_space<vmem_shared>> -> memref<80x128xf32, #tpu.memory_space<vmem_shared>>
        tpu.enqueue_dma source(%arg23 : memref<80x128xf32, #tpu.memory_space<vmem>>) target(%dma_start3A_120 : memref<80x128xf32, #tpu.memory_space<vmem_shared>>) target_semaphore(%run_scoped3A : memref<!tpu.dma_semaphore, #tpu.memory_space<semaphore_mem>>)
        %dma_wait3A = arith.constant 0 : i32
        %dma_wait3A_121 = tpu.memref_slice %arg25[%multiple_of3A_51, %dma_wait3A] : memref<8968x128xf32, #tpu.memory_space<vmem_shared>> -> memref<80x128xf32, #tpu.memory_space<vmem_shared>>
        %dma_wait3A_122 = arith.constant 0 : i32
        %dma_wait3A_123 = tpu.memref_slice %arg25[%multiple_of3A_51, %dma_wait3A_122] : memref<8968x128xf32, #tpu.memory_space<vmem_shared>> -> memref<80x128xf32, #tpu.memory_space<vmem_shared>>
        tpu.wait_dma2 semaphore(%run_scoped3A : memref<!tpu.dma_semaphore, #tpu.memory_space<semaphore_mem>>) src(%arg23 : memref<80x128xf32, #tpu.memory_space<vmem>>) dst(%dma_wait3A_123 : memref<80x128xf32, #tpu.memory_space<vmem_shared>>)
        tpu.yield
      }) : () -> ()
      %mul3A_52 = arith.constant 560 : i32
      %mul3A_53 = arith.muli %arg1, %mul3A_52 : i32
      %add3A_54 = arith.constant 80 : i32
      %add3A_55 = arith.addi %mul3A_53, %add3A_54 : i32
      %multiple_of3A_56 = tpu.assume_multiple %add3A_55, 8 : i32
      "tpu.region"() ({
        %run_scoped3A = tpu.sem_alloc : memref<!tpu.dma_semaphore, #tpu.memory_space<semaphore_mem>>
        %dma_start3A_117 = arith.constant 0 : i32
        %dma_start3A_118 = tpu.memref_slice %arg25[%multiple_of3A_56, %dma_start3A_117] : memref<8968x128xf32, #tpu.memory_space<vmem_shared>> -> memref<80x128xf32, #tpu.memory_space<vmem_shared>>
        %dma_start3A_119 = arith.constant 0 : i32
        %dma_start3A_120 = tpu.memref_slice %arg25[%multiple_of3A_56, %dma_start3A_119] : memref<8968x128xf32, #tpu.memory_space<vmem_shared>> -> memref<80x128xf32, #tpu.memory_space<vmem_shared>>
        tpu.enqueue_dma source(%arg23 : memref<80x128xf32, #tpu.memory_space<vmem>>) target(%dma_start3A_120 : memref<80x128xf32, #tpu.memory_space<vmem_shared>>) target_semaphore(%run_scoped3A : memref<!tpu.dma_semaphore, #tpu.memory_space<semaphore_mem>>)
        %dma_wait3A = arith.constant 0 : i32
        %dma_wait3A_121 = tpu.memref_slice %arg25[%multiple_of3A_56, %dma_wait3A] : memref<8968x128xf32, #tpu.memory_space<vmem_shared>> -> memref<80x128xf32, #tpu.memory_space<vmem_shared>>
        %dma_wait3A_122 = arith.constant 0 : i32
        %dma_wait3A_123 = tpu.memref_slice %arg25[%multiple_of3A_56, %dma_wait3A_122] : memref<8968x128xf32, #tpu.memory_space<vmem_shared>> -> memref<80x128xf32, #tpu.memory_space<vmem_shared>>
        tpu.wait_dma2 semaphore(%run_scoped3A : memref<!tpu.dma_semaphore, #tpu.memory_space<semaphore_mem>>) src(%arg23 : memref<80x128xf32, #tpu.memory_space<vmem>>) dst(%dma_wait3A_123 : memref<80x128xf32, #tpu.memory_space<vmem_shared>>)
        tpu.yield
      }) : () -> ()
      %mul3A_57 = arith.constant 560 : i32
      %mul3A_58 = arith.muli %arg1, %mul3A_57 : i32
      %add3A_59 = arith.constant 160 : i32
      %add3A_60 = arith.addi %mul3A_58, %add3A_59 : i32
      %multiple_of3A_61 = tpu.assume_multiple %add3A_60, 8 : i32
      "tpu.region"() ({
        %run_scoped3A = tpu.sem_alloc : memref<!tpu.dma_semaphore, #tpu.memory_space<semaphore_mem>>
        %dma_start3A_117 = arith.constant 0 : i32
        %dma_start3A_118 = tpu.memref_slice %arg25[%multiple_of3A_61, %dma_start3A_117] : memref<8968x128xf32, #tpu.memory_space<vmem_shared>> -> memref<80x128xf32, #tpu.memory_space<vmem_shared>>
        %dma_start3A_119 = arith.constant 0 : i32
        %dma_start3A_120 = tpu.memref_slice %arg25[%multiple_of3A_61, %dma_start3A_119] : memref<8968x128xf32, #tpu.memory_space<vmem_shared>> -> memref<80x128xf32, #tpu.memory_space<vmem_shared>>
        tpu.enqueue_dma source(%arg23 : memref<80x128xf32, #tpu.memory_space<vmem>>) target(%dma_start3A_120 : memref<80x128xf32, #tpu.memory_space<vmem_shared>>) target_semaphore(%run_scoped3A : memref<!tpu.dma_semaphore, #tpu.memory_space<semaphore_mem>>)
        %dma_wait3A = arith.constant 0 : i32
        %dma_wait3A_121 = tpu.memref_slice %arg25[%multiple_of3A_61, %dma_wait3A] : memref<8968x128xf32, #tpu.memory_space<vmem_shared>> -> memref<80x128xf32, #tpu.memory_space<vmem_shared>>
        %dma_wait3A_122 = arith.constant 0 : i32
        %dma_wait3A_123 = tpu.memref_slice %arg25[%multiple_of3A_61, %dma_wait3A_122] : memref<8968x128xf32, #tpu.memory_space<vmem_shared>> -> memref<80x128xf32, #tpu.memory_space<vmem_shared>>
        tpu.wait_dma2 semaphore(%run_scoped3A : memref<!tpu.dma_semaphore, #tpu.memory_space<semaphore_mem>>) src(%arg23 : memref<80x128xf32, #tpu.memory_space<vmem>>) dst(%dma_wait3A_123 : memref<80x128xf32, #tpu.memory_space<vmem_shared>>)
        tpu.yield
      }) : () -> ()
      %mul3A_62 = arith.constant 560 : i32
      %mul3A_63 = arith.muli %arg1, %mul3A_62 : i32
      %add3A_64 = arith.constant 240 : i32
      %add3A_65 = arith.addi %mul3A_63, %add3A_64 : i32
      %multiple_of3A_66 = tpu.assume_multiple %add3A_65, 8 : i32
      "tpu.region"() ({
        %run_scoped3A = tpu.sem_alloc : memref<!tpu.dma_semaphore, #tpu.memory_space<semaphore_mem>>
        %dma_start3A_117 = arith.constant 0 : i32
        %dma_start3A_118 = tpu.memref_slice %arg25[%multiple_of3A_66, %dma_start3A_117] : memref<8968x128xf32, #tpu.memory_space<vmem_shared>> -> memref<80x128xf32, #tpu.memory_space<vmem_shared>>
        %dma_start3A_119 = arith.constant 0 : i32
        %dma_start3A_120 = tpu.memref_slice %arg25[%multiple_of3A_66, %dma_start3A_119] : memref<8968x128xf32, #tpu.memory_space<vmem_shared>> -> memref<80x128xf32, #tpu.memory_space<vmem_shared>>
        tpu.enqueue_dma source(%arg23 : memref<80x128xf32, #tpu.memory_space<vmem>>) target(%dma_start3A_120 : memref<80x128xf32, #tpu.memory_space<vmem_shared>>) target_semaphore(%run_scoped3A : memref<!tpu.dma_semaphore, #tpu.memory_space<semaphore_mem>>)
        %dma_wait3A = arith.constant 0 : i32
        %dma_wait3A_121 = tpu.memref_slice %arg25[%multiple_of3A_66, %dma_wait3A] : memref<8968x128xf32, #tpu.memory_space<vmem_shared>> -> memref<80x128xf32, #tpu.memory_space<vmem_shared>>
        %dma_wait3A_122 = arith.constant 0 : i32
        %dma_wait3A_123 = tpu.memref_slice %arg25[%multiple_of3A_66, %dma_wait3A_122] : memref<8968x128xf32, #tpu.memory_space<vmem_shared>> -> memref<80x128xf32, #tpu.memory_space<vmem_shared>>
        tpu.wait_dma2 semaphore(%run_scoped3A : memref<!tpu.dma_semaphore, #tpu.memory_space<semaphore_mem>>) src(%arg23 : memref<80x128xf32, #tpu.memory_space<vmem>>) dst(%dma_wait3A_123 : memref<80x128xf32, #tpu.memory_space<vmem_shared>>)
        tpu.yield
      }) : () -> ()
      %mul3A_67 = arith.constant 560 : i32
      %mul3A_68 = arith.muli %arg1, %mul3A_67 : i32
      %add3A_69 = arith.constant 320 : i32
      %add3A_70 = arith.addi %mul3A_68, %add3A_69 : i32
      %multiple_of3A_71 = tpu.assume_multiple %add3A_70, 8 : i32
      "tpu.region"() ({
        %run_scoped3A = tpu.sem_alloc : memref<!tpu.dma_semaphore, #tpu.memory_space<semaphore_mem>>
        %dma_start3A_117 = arith.constant 0 : i32
        %dma_start3A_118 = tpu.memref_slice %arg25[%multiple_of3A_71, %dma_start3A_117] : memref<8968x128xf32, #tpu.memory_space<vmem_shared>> -> memref<80x128xf32, #tpu.memory_space<vmem_shared>>
        %dma_start3A_119 = arith.constant 0 : i32
        %dma_start3A_120 = tpu.memref_slice %arg25[%multiple_of3A_71, %dma_start3A_119] : memref<8968x128xf32, #tpu.memory_space<vmem_shared>> -> memref<80x128xf32, #tpu.memory_space<vmem_shared>>
        tpu.enqueue_dma source(%arg23 : memref<80x128xf32, #tpu.memory_space<vmem>>) target(%dma_start3A_120 : memref<80x128xf32, #tpu.memory_space<vmem_shared>>) target_semaphore(%run_scoped3A : memref<!tpu.dma_semaphore, #tpu.memory_space<semaphore_mem>>)
        %dma_wait3A = arith.constant 0 : i32
        %dma_wait3A_121 = tpu.memref_slice %arg25[%multiple_of3A_71, %dma_wait3A] : memref<8968x128xf32, #tpu.memory_space<vmem_shared>> -> memref<80x128xf32, #tpu.memory_space<vmem_shared>>
        %dma_wait3A_122 = arith.constant 0 : i32
        %dma_wait3A_123 = tpu.memref_slice %arg25[%multiple_of3A_71, %dma_wait3A_122] : memref<8968x128xf32, #tpu.memory_space<vmem_shared>> -> memref<80x128xf32, #tpu.memory_space<vmem_shared>>
        tpu.wait_dma2 semaphore(%run_scoped3A : memref<!tpu.dma_semaphore, #tpu.memory_space<semaphore_mem>>) src(%arg23 : memref<80x128xf32, #tpu.memory_space<vmem>>) dst(%dma_wait3A_123 : memref<80x128xf32, #tpu.memory_space<vmem_shared>>)
        tpu.yield
      }) : () -> ()
      %mul3A_72 = arith.constant 560 : i32
      %mul3A_73 = arith.muli %arg1, %mul3A_72 : i32
      %add3A_74 = arith.constant 400 : i32
      %add3A_75 = arith.addi %mul3A_73, %add3A_74 : i32
      %multiple_of3A_76 = tpu.assume_multiple %add3A_75, 8 : i32
      "tpu.region"() ({
        %run_scoped3A = tpu.sem_alloc : memref<!tpu.dma_semaphore, #tpu.memory_space<semaphore_mem>>
        %dma_start3A_117 = arith.constant 0 : i32
        %dma_start3A_118 = tpu.memref_slice %arg25[%multiple_of3A_76, %dma_start3A_117] : memref<8968x128xf32, #tpu.memory_space<vmem_shared>> -> memref<80x128xf32, #tpu.memory_space<vmem_shared>>
        %dma_start3A_119 = arith.constant 0 : i32
        %dma_start3A_120 = tpu.memref_slice %arg25[%multiple_of3A_76, %dma_start3A_119] : memref<8968x128xf32, #tpu.memory_space<vmem_shared>> -> memref<80x128xf32, #tpu.memory_space<vmem_shared>>
        tpu.enqueue_dma source(%arg23 : memref<80x128xf32, #tpu.memory_space<vmem>>) target(%dma_start3A_120 : memref<80x128xf32, #tpu.memory_space<vmem_shared>>) target_semaphore(%run_scoped3A : memref<!tpu.dma_semaphore, #tpu.memory_space<semaphore_mem>>)
        %dma_wait3A = arith.constant 0 : i32
        %dma_wait3A_121 = tpu.memref_slice %arg25[%multiple_of3A_76, %dma_wait3A] : memref<8968x128xf32, #tpu.memory_space<vmem_shared>> -> memref<80x128xf32, #tpu.memory_space<vmem_shared>>
        %dma_wait3A_122 = arith.constant 0 : i32
        %dma_wait3A_123 = tpu.memref_slice %arg25[%multiple_of3A_76, %dma_wait3A_122] : memref<8968x128xf32, #tpu.memory_space<vmem_shared>> -> memref<80x128xf32, #tpu.memory_space<vmem_shared>>
        tpu.wait_dma2 semaphore(%run_scoped3A : memref<!tpu.dma_semaphore, #tpu.memory_space<semaphore_mem>>) src(%arg23 : memref<80x128xf32, #tpu.memory_space<vmem>>) dst(%dma_wait3A_123 : memref<80x128xf32, #tpu.memory_space<vmem_shared>>)
        tpu.yield
      }) : () -> ()
      %mul3A_77 = arith.constant 560 : i32
      %mul3A_78 = arith.muli %arg1, %mul3A_77 : i32
      %add3A_79 = arith.constant 480 : i32
      %add3A_80 = arith.addi %mul3A_78, %add3A_79 : i32
      %multiple_of3A_81 = tpu.assume_multiple %add3A_80, 8 : i32
      "tpu.region"() ({
        %run_scoped3A = tpu.sem_alloc : memref<!tpu.dma_semaphore, #tpu.memory_space<semaphore_mem>>
        %dma_start3A_117 = arith.constant 0 : i32
        %dma_start3A_118 = tpu.memref_slice %arg25[%multiple_of3A_81, %dma_start3A_117] : memref<8968x128xf32, #tpu.memory_space<vmem_shared>> -> memref<80x128xf32, #tpu.memory_space<vmem_shared>>
        %dma_start3A_119 = arith.constant 0 : i32
        %dma_start3A_120 = tpu.memref_slice %arg25[%multiple_of3A_81, %dma_start3A_119] : memref<8968x128xf32, #tpu.memory_space<vmem_shared>> -> memref<80x128xf32, #tpu.memory_space<vmem_shared>>
        tpu.enqueue_dma source(%arg23 : memref<80x128xf32, #tpu.memory_space<vmem>>) target(%dma_start3A_120 : memref<80x128xf32, #tpu.memory_space<vmem_shared>>) target_semaphore(%run_scoped3A : memref<!tpu.dma_semaphore, #tpu.memory_space<semaphore_mem>>)
        %dma_wait3A = arith.constant 0 : i32
        %dma_wait3A_121 = tpu.memref_slice %arg25[%multiple_of3A_81, %dma_wait3A] : memref<8968x128xf32, #tpu.memory_space<vmem_shared>> -> memref<80x128xf32, #tpu.memory_space<vmem_shared>>
        %dma_wait3A_122 = arith.constant 0 : i32
        %dma_wait3A_123 = tpu.memref_slice %arg25[%multiple_of3A_81, %dma_wait3A_122] : memref<8968x128xf32, #tpu.memory_space<vmem_shared>> -> memref<80x128xf32, #tpu.memory_space<vmem_shared>>
        tpu.wait_dma2 semaphore(%run_scoped3A : memref<!tpu.dma_semaphore, #tpu.memory_space<semaphore_mem>>) src(%arg23 : memref<80x128xf32, #tpu.memory_space<vmem>>) dst(%dma_wait3A_123 : memref<80x128xf32, #tpu.memory_space<vmem_shared>>)
        tpu.yield
      }) : () -> ()
      %barrier3A = arith.constant 0 : index
      tpu.barrier barrier_id(%barrier3A)
      %dma_start3A = arith.constant 0 : i32
      %dma_start3A_82 = tpu.memref_slice %arg10[%dma_start3A] : memref<1600xi32, #tpu.memory_space<vmem>> -> memref<800xi32, #tpu.memory_space<vmem>>
      %dma_start3A_83 = tpu.memref_slice %arg2[%multiple_of3A] : memref<320000xi32, #tpu.memory_space<hbm>> -> memref<800xi32, #tpu.memory_space<hbm>>
      %dma_start3A_84 = arith.constant 0 : i32
      %dma_start3A_85 = tpu.memref_slice %arg10[%dma_start3A_84] : memref<1600xi32, #tpu.memory_space<vmem>> -> memref<800xi32, #tpu.memory_space<vmem>>
      %dma_start3A_86 = tpu.memref_slice %arg2[%multiple_of3A] : memref<320000xi32, #tpu.memory_space<hbm>> -> memref<800xi32, #tpu.memory_space<hbm>>
      tpu.enqueue_dma source(%dma_start3A_86 : memref<800xi32, #tpu.memory_space<hbm>>) target(%dma_start3A_85 : memref<800xi32, #tpu.memory_space<vmem>>) target_semaphore(%arg26 : memref<!tpu.dma_semaphore, #tpu.memory_space<semaphore_mem>>)
      %dma_start3A_87 = arith.constant 0 : i32
      %dma_start3A_88 = tpu.memref_slice %arg11[%dma_start3A_87] : memref<1600xi32, #tpu.memory_space<vmem>> -> memref<800xi32, #tpu.memory_space<vmem>>
      %dma_start3A_89 = tpu.memref_slice %arg3[%multiple_of3A] : memref<320000xi32, #tpu.memory_space<hbm>> -> memref<800xi32, #tpu.memory_space<hbm>>
      %dma_start3A_90 = arith.constant 0 : i32
      %dma_start3A_91 = tpu.memref_slice %arg11[%dma_start3A_90] : memref<1600xi32, #tpu.memory_space<vmem>> -> memref<800xi32, #tpu.memory_space<vmem>>
      %dma_start3A_92 = tpu.memref_slice %arg3[%multiple_of3A] : memref<320000xi32, #tpu.memory_space<hbm>> -> memref<800xi32, #tpu.memory_space<hbm>>
      tpu.enqueue_dma source(%dma_start3A_92 : memref<800xi32, #tpu.memory_space<hbm>>) target(%dma_start3A_91 : memref<800xi32, #tpu.memory_space<vmem>>) target_semaphore(%arg26 : memref<!tpu.dma_semaphore, #tpu.memory_space<semaphore_mem>>)
      %dma_start3A_93 = arith.constant 0 : i32
      %dma_start3A_94 = tpu.memref_slice %arg12[%dma_start3A_93] : memref<1600xi32, #tpu.memory_space<vmem>> -> memref<800xi32, #tpu.memory_space<vmem>>
      %dma_start3A_95 = tpu.memref_slice %arg4[%multiple_of3A] : memref<320000xi32, #tpu.memory_space<hbm>> -> memref<800xi32, #tpu.memory_space<hbm>>
      %dma_start3A_96 = arith.constant 0 : i32
      %dma_start3A_97 = tpu.memref_slice %arg12[%dma_start3A_96] : memref<1600xi32, #tpu.memory_space<vmem>> -> memref<800xi32, #tpu.memory_space<vmem>>
      %dma_start3A_98 = tpu.memref_slice %arg4[%multiple_of3A] : memref<320000xi32, #tpu.memory_space<hbm>> -> memref<800xi32, #tpu.memory_space<hbm>>
      tpu.enqueue_dma source(%dma_start3A_98 : memref<800xi32, #tpu.memory_space<hbm>>) target(%dma_start3A_97 : memref<800xi32, #tpu.memory_space<vmem>>) target_semaphore(%arg26 : memref<!tpu.dma_semaphore, #tpu.memory_space<semaphore_mem>>)
      %scan3A_99 = arith.constant 0 : i32
      %scan3A_100 = arith.constant 0 : i32
      %scan3A_101 = arith.constant 25 : i32
      %scan3A_102 = arith.addi %scan3A_100, %scan3A_101 : i32
      %scan3A_103 = arith.constant 1 : i32
      %scan3A_104 = scf.for %scan3A_117 = %scan3A_100 to %scan3A_102 step %scan3A_103 iter_args(%scan3A_118 = %scan3A_99) -> (i32)  : i32 {
        %jit3A = arith.constant 2 : i32
        %eq3A = arith.constant 0 : i32
        %eq3A_119 = arith.cmpi eq, %jit3A, %eq3A : i32
        %jit3A_120 = arith.constant 1 : i32
        %select_n3A = arith.select %eq3A_119, %jit3A_120, %jit3A : i32
        %rem3A = arith.remsi %scan3A_117, %select_n3A : i32
        %ne3A = arith.constant 0 : i32
        %ne3A_121 = arith.cmpi ne, %rem3A, %ne3A : i32
        %lt3A = arith.constant 0 : i32
        %lt3A_122 = arith.cmpi slt, %rem3A, %lt3A : i32
        %lt3A_123 = arith.constant 0 : i32
        %lt3A_124 = arith.cmpi slt, %select_n3A, %lt3A_123 : i32
        %ne3A_125 = arith.xori %lt3A_122, %lt3A_124 : i1
        %and3A_126 = arith.andi %ne3A_125, %ne3A_121 : i1
        %add3A_127 = arith.addi %rem3A, %select_n3A : i32
        %select_n3A_128 = arith.select %and3A_126, %add3A_127, %rem3A : i32
        %mul3A_129 = arith.constant 800 : i32
        %mul3A_130 = arith.muli %select_n3A_128, %mul3A_129 : i32
        %multiple_of3A_131 = tpu.assume_multiple %mul3A_130, 8 : i32
        %add3A_132 = arith.constant 1 : i32
        %add3A_133 = arith.addi %scan3A_117, %add3A_132 : i32
        %jit3A_134 = arith.constant 2 : i32
        %eq3A_135 = arith.constant 0 : i32
        %eq3A_136 = arith.cmpi eq, %jit3A_134, %eq3A_135 : i32
        %jit3A_137 = arith.constant 1 : i32
        %select_n3A_138 = arith.select %eq3A_136, %jit3A_137, %jit3A_134 : i32
        %rem3A_139 = arith.remsi %add3A_133, %select_n3A_138 : i32
        %ne3A_140 = arith.constant 0 : i32
        %ne3A_141 = arith.cmpi ne, %rem3A_139, %ne3A_140 : i32
        %lt3A_142 = arith.constant 0 : i32
        %lt3A_143 = arith.cmpi slt, %rem3A_139, %lt3A_142 : i32
        %lt3A_144 = arith.constant 0 : i32
        %lt3A_145 = arith.cmpi slt, %select_n3A_138, %lt3A_144 : i32
        %ne3A_146 = arith.xori %lt3A_143, %lt3A_145 : i1
        %and3A_147 = arith.andi %ne3A_146, %ne3A_141 : i1
        %add3A_148 = arith.addi %rem3A_139, %select_n3A_138 : i32
        %select_n3A_149 = arith.select %and3A_147, %add3A_148, %rem3A_139 : i32
        %mul3A_150 = arith.constant 800 : i32
        %mul3A_151 = arith.muli %select_n3A_149, %mul3A_150 : i32
        %multiple_of3A_152 = tpu.assume_multiple %mul3A_151, 8 : i32
        %dma_wait3A = tpu.memref_slice %arg10[%multiple_of3A_131] : memref<1600xi32, #tpu.memory_space<vmem>> -> memref<800xi32, #tpu.memory_space<vmem>>
        %dma_wait3A_153 = arith.constant 0 : i32
        %dma_wait3A_154 = tpu.memref_slice %arg2[%dma_wait3A_153] : memref<320000xi32, #tpu.memory_space<hbm>> -> memref<800xi32, #tpu.memory_space<hbm>>
        %dma_wait3A_155 = tpu.memref_slice %arg10[%multiple_of3A_131] : memref<1600xi32, #tpu.memory_space<vmem>> -> memref<800xi32, #tpu.memory_space<vmem>>
        %dma_wait3A_156 = arith.constant 0 : i32
        %dma_wait3A_157 = tpu.memref_slice %arg2[%dma_wait3A_156] : memref<320000xi32, #tpu.memory_space<hbm>> -> memref<800xi32, #tpu.memory_space<hbm>>
        tpu.wait_dma2 semaphore(%arg26 : memref<!tpu.dma_semaphore, #tpu.memory_space<semaphore_mem>>) src(%dma_wait3A_157 : memref<800xi32, #tpu.memory_space<hbm>>) dst(%dma_wait3A_155 : memref<800xi32, #tpu.memory_space<vmem>>)
        %dma_wait3A_158 = tpu.memref_slice %arg11[%multiple_of3A_131] : memref<1600xi32, #tpu.memory_space<vmem>> -> memref<800xi32, #tpu.memory_space<vmem>>
        %dma_wait3A_159 = arith.constant 0 : i32
        %dma_wait3A_160 = tpu.memref_slice %arg3[%dma_wait3A_159] : memref<320000xi32, #tpu.memory_space<hbm>> -> memref<800xi32, #tpu.memory_space<hbm>>
        %dma_wait3A_161 = tpu.memref_slice %arg11[%multiple_of3A_131] : memref<1600xi32, #tpu.memory_space<vmem>> -> memref<800xi32, #tpu.memory_space<vmem>>
        %dma_wait3A_162 = arith.constant 0 : i32
        %dma_wait3A_163 = tpu.memref_slice %arg3[%dma_wait3A_162] : memref<320000xi32, #tpu.memory_space<hbm>> -> memref<800xi32, #tpu.memory_space<hbm>>
        tpu.wait_dma2 semaphore(%arg26 : memref<!tpu.dma_semaphore, #tpu.memory_space<semaphore_mem>>) src(%dma_wait3A_163 : memref<800xi32, #tpu.memory_space<hbm>>) dst(%dma_wait3A_161 : memref<800xi32, #tpu.memory_space<vmem>>)
        %dma_wait3A_164 = tpu.memref_slice %arg12[%multiple_of3A_131] : memref<1600xi32, #tpu.memory_space<vmem>> -> memref<800xi32, #tpu.memory_space<vmem>>
        %dma_wait3A_165 = arith.constant 0 : i32
        %dma_wait3A_166 = tpu.memref_slice %arg4[%dma_wait3A_165] : memref<320000xi32, #tpu.memory_space<hbm>> -> memref<800xi32, #tpu.memory_space<hbm>>
        %dma_wait3A_167 = tpu.memref_slice %arg12[%multiple_of3A_131] : memref<1600xi32, #tpu.memory_space<vmem>> -> memref<800xi32, #tpu.memory_space<vmem>>
        %dma_wait3A_168 = arith.constant 0 : i32
        %dma_wait3A_169 = tpu.memref_slice %arg4[%dma_wait3A_168] : memref<320000xi32, #tpu.memory_space<hbm>> -> memref<800xi32, #tpu.memory_space<hbm>>
        tpu.wait_dma2 semaphore(%arg26 : memref<!tpu.dma_semaphore, #tpu.memory_space<semaphore_mem>>) src(%dma_wait3A_169 : memref<800xi32, #tpu.memory_space<hbm>>) dst(%dma_wait3A_167 : memref<800xi32, #tpu.memory_space<vmem>>)
        %add3A_170 = arith.constant 1 : i32
        %add3A_171 = arith.addi %scan3A_117, %add3A_170 : i32
        %lt3A_172 = arith.constant 25 : i32
        %lt3A_173 = arith.cmpi slt, %add3A_171, %lt3A_172 : i32
        %convert_element_type3A_174 = arith.extui %lt3A_173 : i1 to i32
        %cond3A_175 = arith.constant 0 : i32
        %cond3A_176 = arith.cmpi ne, %convert_element_type3A_174, %cond3A_175 : i32
        scf.if %cond3A_176 {
          %add3A_183 = arith.constant 1 : i32
          %add3A_184 = arith.addi %scan3A_117, %add3A_183 : i32
          %mul3A_185 = arith.constant 800 : i32
          %mul3A_186 = arith.muli %add3A_184, %mul3A_185 : i32
          %add3A_187 = arith.addi %multiple_of3A, %mul3A_186 : i32
          %multiple_of3A_188 = tpu.assume_multiple %add3A_187, 8 : i32
          %dma_start3A_189 = tpu.memref_slice %arg10[%multiple_of3A_152] : memref<1600xi32, #tpu.memory_space<vmem>> -> memref<800xi32, #tpu.memory_space<vmem>>
          %dma_start3A_190 = tpu.memref_slice %arg2[%multiple_of3A_188] : memref<320000xi32, #tpu.memory_space<hbm>> -> memref<800xi32, #tpu.memory_space<hbm>>
          %dma_start3A_191 = tpu.memref_slice %arg10[%multiple_of3A_152] : memref<1600xi32, #tpu.memory_space<vmem>> -> memref<800xi32, #tpu.memory_space<vmem>>
          %dma_start3A_192 = tpu.memref_slice %arg2[%multiple_of3A_188] : memref<320000xi32, #tpu.memory_space<hbm>> -> memref<800xi32, #tpu.memory_space<hbm>>
          tpu.enqueue_dma source(%dma_start3A_192 : memref<800xi32, #tpu.memory_space<hbm>>) target(%dma_start3A_191 : memref<800xi32, #tpu.memory_space<vmem>>) target_semaphore(%arg26 : memref<!tpu.dma_semaphore, #tpu.memory_space<semaphore_mem>>)
          %dma_start3A_193 = tpu.memref_slice %arg11[%multiple_of3A_152] : memref<1600xi32, #tpu.memory_space<vmem>> -> memref<800xi32, #tpu.memory_space<vmem>>
          %dma_start3A_194 = tpu.memref_slice %arg3[%multiple_of3A_188] : memref<320000xi32, #tpu.memory_space<hbm>> -> memref<800xi32, #tpu.memory_space<hbm>>
          %dma_start3A_195 = tpu.memref_slice %arg11[%multiple_of3A_152] : memref<1600xi32, #tpu.memory_space<vmem>> -> memref<800xi32, #tpu.memory_space<vmem>>
          %dma_start3A_196 = tpu.memref_slice %arg3[%multiple_of3A_188] : memref<320000xi32, #tpu.memory_space<hbm>> -> memref<800xi32, #tpu.memory_space<hbm>>
          tpu.enqueue_dma source(%dma_start3A_196 : memref<800xi32, #tpu.memory_space<hbm>>) target(%dma_start3A_195 : memref<800xi32, #tpu.memory_space<vmem>>) target_semaphore(%arg26 : memref<!tpu.dma_semaphore, #tpu.memory_space<semaphore_mem>>)
          %dma_start3A_197 = tpu.memref_slice %arg12[%multiple_of3A_152] : memref<1600xi32, #tpu.memory_space<vmem>> -> memref<800xi32, #tpu.memory_space<vmem>>
          %dma_start3A_198 = tpu.memref_slice %arg4[%multiple_of3A_188] : memref<320000xi32, #tpu.memory_space<hbm>> -> memref<800xi32, #tpu.memory_space<hbm>>
          %dma_start3A_199 = tpu.memref_slice %arg12[%multiple_of3A_152] : memref<1600xi32, #tpu.memory_space<vmem>> -> memref<800xi32, #tpu.memory_space<vmem>>
          %dma_start3A_200 = tpu.memref_slice %arg4[%multiple_of3A_188] : memref<320000xi32, #tpu.memory_space<hbm>> -> memref<800xi32, #tpu.memory_space<hbm>>
          tpu.enqueue_dma source(%dma_start3A_200 : memref<800xi32, #tpu.memory_space<hbm>>) target(%dma_start3A_199 : memref<800xi32, #tpu.memory_space<vmem>>) target_semaphore(%arg26 : memref<!tpu.dma_semaphore, #tpu.memory_space<semaphore_mem>>)
        } else {
        }
        %scan3A_177 = arith.constant 0 : i32
        %scan3A_178 = arith.constant 25 : i32
        %scan3A_179 = arith.addi %scan3A_177, %scan3A_178 : i32
        %scan3A_180 = arith.constant 1 : i32
        %scan3A_181 = scf.for %scan3A_183 = %scan3A_177 to %scan3A_179 step %scan3A_180 iter_args(%scan3A_184 = %scan3A_118) -> (i32)  : i32 {
          %mul3A_185 = arith.constant 800 : i32
          %mul3A_186 = arith.muli %scan3A_117, %mul3A_185 : i32
          %mul3A_187 = arith.constant 2 : i32
          %mul3A_188 = arith.muli %scan3A_183, %mul3A_187 : i32
          %mul3A_189 = arith.constant 16 : i32
          %mul3A_190 = arith.muli %mul3A_188, %mul3A_189 : i32
          %add3A_191 = arith.addi %mul3A_186, %mul3A_190 : i32
          %multiple_of3A_192 = tpu.assume_multiple %add3A_191, 8 : i32
          %mul3A_193 = arith.constant 2 : i32
          %mul3A_194 = arith.muli %scan3A_183, %mul3A_193 : i32
          %mul3A_195 = arith.constant 16 : i32
          %mul3A_196 = arith.muli %mul3A_194, %mul3A_195 : i32
          %add3A_197 = arith.addi %multiple_of3A_131, %mul3A_196 : i32
          %multiple_of3A_198 = tpu.assume_multiple %add3A_197, 8 : i32
          %get3A = arith.index_cast %multiple_of3A_198 : i32 to index
          %get3A_199 = tpu.vector_load %arg10[%get3A] {strides = array<i32>} : memref<1600xi32, #tpu.memory_space<vmem>>, vector<16xi32>,
          %add3A_200 = arith.constant 16 : i32
          %add3A_201 = arith.addi %multiple_of3A_198, %add3A_200 : i32
          %get3A_202 = arith.index_cast %add3A_201 : i32 to index
          %get3A_203 = tpu.vector_load %arg10[%get3A_202] {strides = array<i32>} : memref<1600xi32, #tpu.memory_space<vmem>>, vector<16xi32>,
          %ge3A = arith.constant 80000 : i32
          %ge3A_204 = vector.broadcast %ge3A : i32 to vector<16xi32>
          %ge3A_205 = arith.cmpi sge, %get3A_199, %ge3A_204 : vector<16xi32>
          %jit3A_206 = arith.constant 640 : i32
          %jit3A_207 = arith.constant 0 : i32
          %broadcast_in_dim3A_208 = vector.broadcast %jit3A_206 : i32 to vector<16xi32>
          %broadcast_in_dim3A_209 = vector.broadcast %jit3A_207 : i32 to vector<16xi32>
          %select_n3A_210 = arith.select %ge3A_205, %broadcast_in_dim3A_208, %broadcast_in_dim3A_209 : vector<16xi1>, vector<16xi32>
          %add3A_211 = arith.addi %get3A_199, %select_n3A_210 : vector<16xi32>
          %sub3A_212 = vector.broadcast %add3A_46 : i32 to vector<16xi32>
          %sub3A_213 = arith.subi %add3A_211, %sub3A_212 : vector<16xi32>
          %ge3A_214 = arith.constant 80000 : i32
          %ge3A_215 = vector.broadcast %ge3A_214 : i32 to vector<16xi32>
          %ge3A_216 = arith.cmpi sge, %get3A_203, %ge3A_215 : vector<16xi32>
          %jit3A_217 = arith.constant 640 : i32
          %jit3A_218 = arith.constant 0 : i32
          %broadcast_in_dim3A_219 = vector.broadcast %jit3A_217 : i32 to vector<16xi32>
          %broadcast_in_dim3A_220 = vector.broadcast %jit3A_218 : i32 to vector<16xi32>
          %select_n3A_221 = arith.select %ge3A_216, %broadcast_in_dim3A_219, %broadcast_in_dim3A_220 : vector<16xi1>, vector<16xi32>
          %add3A_222 = arith.addi %get3A_203, %select_n3A_221 : vector<16xi32>
          %sub3A_223 = vector.broadcast %add3A_46 : i32 to vector<16xi32>
          %sub3A_224 = arith.subi %add3A_222, %sub3A_223 : vector<16xi32>
          %ge3A_225 = arith.constant 0 : i32
          %ge3A_226 = vector.broadcast %ge3A_225 : i32 to vector<16xi32>
          %ge3A_227 = arith.cmpi sge, %sub3A_213, %ge3A_226 : vector<16xi32>
          %lt3A_228 = arith.constant 8960 : i32
          %lt3A_229 = vector.broadcast %lt3A_228 : i32 to vector<16xi32>
          %lt3A_230 = arith.cmpi slt, %sub3A_213, %lt3A_229 : vector<16xi32>
          %and3A_231 = arith.andi %ge3A_227, %lt3A_230 : vector<16xi1>
          %ge3A_232 = arith.constant 0 : i32
          %ge3A_233 = vector.broadcast %ge3A_232 : i32 to vector<16xi32>
          %ge3A_234 = arith.cmpi sge, %sub3A_224, %ge3A_233 : vector<16xi32>
          %lt3A_235 = arith.constant 8960 : i32
          %lt3A_236 = vector.broadcast %lt3A_235 : i32 to vector<16xi32>
          %lt3A_237 = arith.cmpi slt, %sub3A_224, %lt3A_236 : vector<16xi32>
          %and3A_238 = arith.andi %ge3A_234, %lt3A_237 : vector<16xi1>
          %all_reduce_population_count3A = tpu.all_reduce %and3A_231 {dim = 0 : i64, kind = #tpu.reduction_kind<sum>} : vector<16xi1> -> vector<16xi32>
          %slice3A = vector.extract_strided_slice %all_reduce_population_count3A {offsets = [0], sizes = [1], strides = [1]} : vector<16xi32> to vector<1xi32>
          %squeeze3A = vector.extract %slice3A[0] : i32 from vector<1xi32>
          %all_reduce_population_count3A_239 = tpu.all_reduce %and3A_238 {dim = 0 : i64, kind = #tpu.reduction_kind<sum>} : vector<16xi1> -> vector<16xi32>
          %slice3A_240 = vector.extract_strided_slice %all_reduce_population_count3A_239 {offsets = [0], sizes = [1], strides = [1]} : vector<16xi32> to vector<1xi32>
          %squeeze3A_241 = vector.extract %slice3A_240[0] : i32 from vector<1xi32>
          %add3A_242 = arith.addi %squeeze3A, %squeeze3A_241 : i32
          %gt3A_243 = arith.constant 0 : i32
          %gt3A_244 = arith.cmpi sgt, %add3A_242, %gt3A_243 : i32
          %convert_element_type3A_245 = arith.extui %gt3A_244 : i1 to i32
          %cond3A_246 = arith.constant 0 : i32
          %cond3A_247 = arith.cmpi ne, %convert_element_type3A_245, %cond3A_246 : i32
          scf.if %cond3A_247 {
            %mul3A_259 = arith.constant 2 : i32
            %mul3A_260 = arith.muli %scan3A_183, %mul3A_259 : i32
            %mul3A_261 = arith.constant 16 : i32
            %mul3A_262 = arith.muli %mul3A_260, %mul3A_261 : i32
            %add3A_263 = arith.addi %multiple_of3A_131, %mul3A_262 : i32
            %multiple_of3A_264 = tpu.assume_multiple %add3A_263, 8 : i32
            %jit3A_265 = arith.constant 1 : i32
            %jit3A_266 = arith.constant 0 : i32
            %broadcast_in_dim3A_267 = vector.broadcast %jit3A_265 : i32 to vector<16xi32>
            %broadcast_in_dim3A_268 = vector.broadcast %jit3A_266 : i32 to vector<16xi32>
            %select_n3A_269 = arith.select %and3A_231, %broadcast_in_dim3A_267, %broadcast_in_dim3A_268 : vector<16xi1>, vector<16xi32>
            %jit3A_270 = arith.constant 1 : i32
            %jit3A_271 = arith.constant 0 : i32
            %broadcast_in_dim3A_272 = vector.broadcast %jit3A_270 : i32 to vector<16xi32>
            %broadcast_in_dim3A_273 = vector.broadcast %jit3A_271 : i32 to vector<16xi32>
            %select_n3A_274 = arith.select %and3A_238, %broadcast_in_dim3A_272, %broadcast_in_dim3A_273 : vector<16xi1>, vector<16xi32>
            %swap3A = arith.constant 0 : index
            %swap3A_275 = tpu.vector_load %arg24[%swap3A] {strides = array<i32>} : memref<32xi32, #tpu.memory_space<vmem>>, vector<16xi32>,
            tpu.vector_store %arg24[%swap3A], %select_n3A_269 {strides = array<i32>} : memref<32xi32, #tpu.memory_space<vmem>>, vector<16xi32>,
            %swap3A_276 = arith.constant 16 : index
            %swap3A_277 = tpu.vector_load %arg24[%swap3A_276] {strides = array<i32>} : memref<32xi32, #tpu.memory_space<vmem>>, vector<16xi32>,
            tpu.vector_store %arg24[%swap3A_276], %select_n3A_274 {strides = array<i32>} : memref<32xi32, #tpu.memory_space<vmem>>, vector<16xi32>,
            %gather3A = tpu.vector_load_idx %arg24[%max3A_12] : memref<32xi32, #tpu.memory_space<vmem>>[vector<16xi32>], vector<16xi32>,
            %add3A_278 = arith.constant 16 : i32
            %add3A_279 = vector.broadcast %add3A_278 : i32 to vector<16xi32>
            %add3A_280 = arith.addi %max3A_12, %add3A_279 : vector<16xi32>
            %gather3A_281 = tpu.vector_load_idx %arg24[%add3A_280] : memref<32xi32, #tpu.memory_space<vmem>>[vector<16xi32>], vector<16xi32>,
            %ge3A_282 = arith.constant 1 : i32
            %ge3A_283 = vector.broadcast %ge3A_282 : i32 to vector<16xi32>
            %ge3A_284 = arith.cmpi sge, %iota3A, %ge3A_283 : vector<16xi32>
            %jit3A_285 = arith.constant 0 : i32
            %broadcast_in_dim3A_286 = vector.broadcast %jit3A_285 : i32 to vector<16xi32>
            %select_n3A_287 = arith.select %ge3A_284, %gather3A, %broadcast_in_dim3A_286 : vector<16xi1>, vector<16xi32>
            %add3A_288 = arith.addi %select_n3A_269, %select_n3A_287 : vector<16xi32>
            %jit3A_289 = arith.constant 0 : i32
            %broadcast_in_dim3A_290 = vector.broadcast %jit3A_289 : i32 to vector<16xi32>
            %select_n3A_291 = arith.select %ge3A_284, %gather3A_281, %broadcast_in_dim3A_290 : vector<16xi1>, vector<16xi32>
            %add3A_292 = arith.addi %select_n3A_274, %select_n3A_291 : vector<16xi32>
            %swap3A_293 = arith.constant 0 : index
            %swap3A_294 = tpu.vector_load %arg24[%swap3A_293] {strides = array<i32>} : memref<32xi32, #tpu.memory_space<vmem>>, vector<16xi32>,
            tpu.vector_store %arg24[%swap3A_293], %add3A_288 {strides = array<i32>} : memref<32xi32, #tpu.memory_space<vmem>>, vector<16xi32>,
            %swap3A_295 = arith.constant 16 : index
            %swap3A_296 = tpu.vector_load %arg24[%swap3A_295] {strides = array<i32>} : memref<32xi32, #tpu.memory_space<vmem>>, vector<16xi32>,
            tpu.vector_store %arg24[%swap3A_295], %add3A_292 {strides = array<i32>} : memref<32xi32, #tpu.memory_space<vmem>>, vector<16xi32>,
            %gather3A_297 = tpu.vector_load_idx %arg24[%max3A_18] : memref<32xi32, #tpu.memory_space<vmem>>[vector<16xi32>], vector<16xi32>,
            %add3A_298 = arith.constant 16 : i32
            %add3A_299 = vector.broadcast %add3A_298 : i32 to vector<16xi32>
            %add3A_300 = arith.addi %max3A_18, %add3A_299 : vector<16xi32>
            %gather3A_301 = tpu.vector_load_idx %arg24[%add3A_300] : memref<32xi32, #tpu.memory_space<vmem>>[vector<16xi32>], vector<16xi32>,
            %ge3A_302 = arith.constant 2 : i32
            %ge3A_303 = vector.broadcast %ge3A_302 : i32 to vector<16xi32>
            %ge3A_304 = arith.cmpi sge, %iota3A, %ge3A_303 : vector<16xi32>
            %jit3A_305 = arith.constant 0 : i32
            %broadcast_in_dim3A_306 = vector.broadcast %jit3A_305 : i32 to vector<16xi32>
            %select_n3A_307 = arith.select %ge3A_304, %gather3A_297, %broadcast_in_dim3A_306 : vector<16xi1>, vector<16xi32>
            %add3A_308 = arith.addi %add3A_288, %select_n3A_307 : vector<16xi32>
            %jit3A_309 = arith.constant 0 : i32
            %broadcast_in_dim3A_310 = vector.broadcast %jit3A_309 : i32 to vector<16xi32>
            %select_n3A_311 = arith.select %ge3A_304, %gather3A_301, %broadcast_in_dim3A_310 : vector<16xi1>, vector<16xi32>
            %add3A_312 = arith.addi %add3A_292, %select_n3A_311 : vector<16xi32>
            %swap3A_313 = arith.constant 0 : index
            %swap3A_314 = tpu.vector_load %arg24[%swap3A_313] {strides = array<i32>} : memref<32xi32, #tpu.memory_space<vmem>>, vector<16xi32>,
            tpu.vector_store %arg24[%swap3A_313], %add3A_308 {strides = array<i32>} : memref<32xi32, #tpu.memory_space<vmem>>, vector<16xi32>,
            %swap3A_315 = arith.constant 16 : index
            %swap3A_316 = tpu.vector_load %arg24[%swap3A_315] {strides = array<i32>} : memref<32xi32, #tpu.memory_space<vmem>>, vector<16xi32>,
            tpu.vector_store %arg24[%swap3A_315], %add3A_312 {strides = array<i32>} : memref<32xi32, #tpu.memory_space<vmem>>, vector<16xi32>,
            %gather3A_317 = tpu.vector_load_idx %arg24[%max3A_24] : memref<32xi32, #tpu.memory_space<vmem>>[vector<16xi32>], vector<16xi32>,
            %add3A_318 = arith.constant 16 : i32
            %add3A_319 = vector.broadcast %add3A_318 : i32 to vector<16xi32>
            %add3A_320 = arith.addi %max3A_24, %add3A_319 : vector<16xi32>
            %gather3A_321 = tpu.vector_load_idx %arg24[%add3A_320] : memref<32xi32, #tpu.memory_space<vmem>>[vector<16xi32>], vector<16xi32>,
            %ge3A_322 = arith.constant 4 : i32
            %ge3A_323 = vector.broadcast %ge3A_322 : i32 to vector<16xi32>
            %ge3A_324 = arith.cmpi sge, %iota3A, %ge3A_323 : vector<16xi32>
            %jit3A_325 = arith.constant 0 : i32
            %broadcast_in_dim3A_326 = vector.broadcast %jit3A_325 : i32 to vector<16xi32>
            %select_n3A_327 = arith.select %ge3A_324, %gather3A_317, %broadcast_in_dim3A_326 : vector<16xi1>, vector<16xi32>
            %add3A_328 = arith.addi %add3A_308, %select_n3A_327 : vector<16xi32>
            %jit3A_329 = arith.constant 0 : i32
            %broadcast_in_dim3A_330 = vector.broadcast %jit3A_329 : i32 to vector<16xi32>
            %select_n3A_331 = arith.select %ge3A_324, %gather3A_321, %broadcast_in_dim3A_330 : vector<16xi1>, vector<16xi32>
            %add3A_332 = arith.addi %add3A_312, %select_n3A_331 : vector<16xi32>
            %swap3A_333 = arith.constant 0 : index
            %swap3A_334 = tpu.vector_load %arg24[%swap3A_333] {strides = array<i32>} : memref<32xi32, #tpu.memory_space<vmem>>, vector<16xi32>,
            tpu.vector_store %arg24[%swap3A_333], %add3A_328 {strides = array<i32>} : memref<32xi32, #tpu.memory_space<vmem>>, vector<16xi32>,
            %swap3A_335 = arith.constant 16 : index
            %swap3A_336 = tpu.vector_load %arg24[%swap3A_335] {strides = array<i32>} : memref<32xi32, #tpu.memory_space<vmem>>, vector<16xi32>,
            tpu.vector_store %arg24[%swap3A_335], %add3A_332 {strides = array<i32>} : memref<32xi32, #tpu.memory_space<vmem>>, vector<16xi32>,
            %gather3A_337 = tpu.vector_load_idx %arg24[%max3A_30] : memref<32xi32, #tpu.memory_space<vmem>>[vector<16xi32>], vector<16xi32>,
            %add3A_338 = arith.constant 16 : i32
            %add3A_339 = vector.broadcast %add3A_338 : i32 to vector<16xi32>
            %add3A_340 = arith.addi %max3A_30, %add3A_339 : vector<16xi32>
            %gather3A_341 = tpu.vector_load_idx %arg24[%add3A_340] : memref<32xi32, #tpu.memory_space<vmem>>[vector<16xi32>], vector<16xi32>,
            %ge3A_342 = arith.constant 8 : i32
            %ge3A_343 = vector.broadcast %ge3A_342 : i32 to vector<16xi32>
            %ge3A_344 = arith.cmpi sge, %iota3A, %ge3A_343 : vector<16xi32>
            %jit3A_345 = arith.constant 0 : i32
            %broadcast_in_dim3A_346 = vector.broadcast %jit3A_345 : i32 to vector<16xi32>
            %select_n3A_347 = arith.select %ge3A_344, %gather3A_337, %broadcast_in_dim3A_346 : vector<16xi1>, vector<16xi32>
            %add3A_348 = arith.addi %add3A_328, %select_n3A_347 : vector<16xi32>
            %jit3A_349 = arith.constant 0 : i32
            %broadcast_in_dim3A_350 = vector.broadcast %jit3A_349 : i32 to vector<16xi32>
            %select_n3A_351 = arith.select %ge3A_344, %gather3A_341, %broadcast_in_dim3A_350 : vector<16xi1>, vector<16xi32>
            %add3A_352 = arith.addi %add3A_332, %select_n3A_351 : vector<16xi32>
            %add3A_353 = arith.addi %multiple_of3A, %multiple_of3A_192 : i32
            %add3A_354 = vector.broadcast %add3A_353 : i32 to vector<16xi32>
            %add3A_355 = arith.addi %add3A_354, %iota3A : vector<16xi32>
            %add3A_356 = vector.broadcast %scan3A_184 : i32 to vector<16xi32>
            %add3A_357 = arith.addi %add3A_356, %add3A_348 : vector<16xi32>
            %sub3A_358 = arith.constant 1 : i32
            %sub3A_359 = vector.broadcast %sub3A_358 : i32 to vector<16xi32>
            %sub3A_360 = arith.subi %add3A_357, %sub3A_359 : vector<16xi32>
            %add3A_361 = arith.constant 112 : i32
            %add3A_362 = vector.broadcast %add3A_361 : i32 to vector<16xi32>
            %add3A_363 = arith.addi %add3A_362, %iota3A : vector<16xi32>
            %select_n3A_364 = arith.select %and3A_231, %sub3A_360, %add3A_363 : vector<16xi1>, vector<16xi32>
            %add3A_365 = arith.addi %scan3A_184, %squeeze3A : i32
            %add3A_366 = vector.broadcast %add3A_365 : i32 to vector<16xi32>
            %add3A_367 = arith.addi %add3A_366, %add3A_352 : vector<16xi32>
            %sub3A_368 = arith.constant 1 : i32
            %sub3A_369 = vector.broadcast %sub3A_368 : i32 to vector<16xi32>
            %sub3A_370 = arith.subi %add3A_367, %sub3A_369 : vector<16xi32>
            %add3A_371 = arith.constant 112 : i32
            %add3A_372 = vector.broadcast %add3A_371 : i32 to vector<16xi32>
            %add3A_373 = arith.addi %add3A_372, %iota3A : vector<16xi32>
            %select_n3A_374 = arith.select %and3A_238, %sub3A_370, %add3A_373 : vector<16xi1>, vector<16xi32>
            tpu.vector_store_idx %arg13[%select_n3A_364], %add3A_355 : memref<128xi32, #tpu.memory_space<vmem>>[vector<16xi32>], vector<16xi32>,
            tpu.vector_store_idx %arg14[%select_n3A_364], %sub3A_213 : memref<128xi32, #tpu.memory_space<vmem>>[vector<16xi32>], vector<16xi32>,
            %get3A_375 = arith.index_cast %multiple_of3A_264 : i32 to index
            %get3A_376 = tpu.vector_load %arg11[%get3A_375] {strides = array<i32>} : memref<1600xi32, #tpu.memory_space<vmem>>, vector<16xi32>,
            tpu.vector_store_idx %arg15[%select_n3A_364], %get3A_376 : memref<128xi32, #tpu.memory_space<vmem>>[vector<16xi32>], vector<16xi32>,
            %get3A_377 = arith.index_cast %multiple_of3A_264 : i32 to index
            %get3A_378 = tpu.vector_load %arg12[%get3A_377] {strides = array<i32>} : memref<1600xi32, #tpu.memory_space<vmem>>, vector<16xi32>,
            tpu.vector_store_idx %arg16[%select_n3A_364], %get3A_378 : memref<128xi32, #tpu.memory_space<vmem>>[vector<16xi32>], vector<16xi32>,
            %add3A_379 = arith.constant 16 : i32
            %add3A_380 = vector.broadcast %add3A_379 : i32 to vector<16xi32>
            %add3A_381 = arith.addi %add3A_355, %add3A_380 : vector<16xi32>
            tpu.vector_store_idx %arg13[%select_n3A_374], %add3A_381 : memref<128xi32, #tpu.memory_space<vmem>>[vector<16xi32>], vector<16xi32>,
            tpu.vector_store_idx %arg14[%select_n3A_374], %sub3A_224 : memref<128xi32, #tpu.memory_space<vmem>>[vector<16xi32>], vector<16xi32>,
            %add3A_382 = arith.constant 16 : i32
            %add3A_383 = arith.addi %multiple_of3A_264, %add3A_382 : i32
            %get3A_384 = arith.index_cast %add3A_383 : i32 to index
            %get3A_385 = tpu.vector_load %arg11[%get3A_384] {strides = array<i32>} : memref<1600xi32, #tpu.memory_space<vmem>>, vector<16xi32>,
            tpu.vector_store_idx %arg15[%select_n3A_374], %get3A_385 : memref<128xi32, #tpu.memory_space<vmem>>[vector<16xi32>], vector<16xi32>,
            %add3A_386 = arith.constant 16 : i32
            %add3A_387 = arith.addi %multiple_of3A_264, %add3A_386 : i32
            %get3A_388 = arith.index_cast %add3A_387 : i32 to index
            %get3A_389 = tpu.vector_load %arg12[%get3A_388] {strides = array<i32>} : memref<1600xi32, #tpu.memory_space<vmem>>, vector<16xi32>,
            tpu.vector_store_idx %arg16[%select_n3A_374], %get3A_389 : memref<128xi32, #tpu.memory_space<vmem>>[vector<16xi32>], vector<16xi32>,
          } else {
          }
          %add3A_248 = arith.addi %scan3A_184, %add3A_242 : i32
          %ge3A_249 = arith.constant 64 : i32
          %ge3A_250 = arith.cmpi sge, %add3A_248, %ge3A_249 : i32
          %convert_element_type3A_251 = arith.extui %ge3A_250 : i1 to i32
          %cond3A_252 = arith.constant 0 : i32
          %cond3A_253 = arith.cmpi ne, %convert_element_type3A_251, %cond3A_252 : i32
          scf.if %cond3A_253 {
            %dma_start3A_259 = arith.constant 0 : i32
            %dma_start3A_260 = tpu.memref_slice %arg15[%dma_start3A_259] : memref<128xi32, #tpu.memory_space<vmem>> -> memref<64xi32, #tpu.memory_space<vmem>>
            %dma_start3A_261 = arith.constant 0 : i32
            %dma_start3A_262 = arith.constant 0 : i32
            %dma_start3A_263 = tpu.memref_slice %arg5[%dma_start3A_261, %dma_start3A_262] : memref<160000x128xf32, #tpu.memory_space<hbm>> -> memref<160000x128xf32, #tpu.memory_space<hbm>>
            tpu.enqueue_indirect_dma source(%dma_start3A_263 : memref<160000x128xf32, #tpu.memory_space<hbm>>) target(%arg19 : memref<64x128xf32, #tpu.memory_space<vmem>>) offsets(%dma_start3A_260 : memref<64xi32, #tpu.memory_space<vmem>>) semaphore(%arg27 : memref<!tpu.dma_semaphore, #tpu.memory_space<semaphore_mem>>)
            %dma_start3A_264 = arith.constant 0 : i32
            %dma_start3A_265 = tpu.memref_slice %arg16[%dma_start3A_264] : memref<128xi32, #tpu.memory_space<vmem>> -> memref<64xi32, #tpu.memory_space<vmem>>
            %dma_start3A_266 = arith.constant 0 : i32
            %dma_start3A_267 = arith.constant 0 : i32
            %dma_start3A_268 = tpu.memref_slice %arg6[%dma_start3A_266, %dma_start3A_267] : memref<160000x128xf32, #tpu.memory_space<hbm>> -> memref<160000x128xf32, #tpu.memory_space<hbm>>
            tpu.enqueue_indirect_dma source(%dma_start3A_268 : memref<160000x128xf32, #tpu.memory_space<hbm>>) target(%arg20 : memref<64x128xf32, #tpu.memory_space<vmem>>) offsets(%dma_start3A_265 : memref<64xi32, #tpu.memory_space<vmem>>) semaphore(%arg27 : memref<!tpu.dma_semaphore, #tpu.memory_space<semaphore_mem>>)
            %dma_start3A_269 = arith.constant 0 : i32
            %dma_start3A_270 = tpu.memref_slice %arg13[%dma_start3A_269] : memref<128xi32, #tpu.memory_space<vmem>> -> memref<64xi32, #tpu.memory_space<vmem>>
            %dma_start3A_271 = arith.constant 0 : i32
            %dma_start3A_272 = arith.constant 0 : i32
            %dma_start3A_273 = tpu.memref_slice %arg8[%dma_start3A_271, %dma_start3A_272] : memref<320000x128xf32, #tpu.memory_space<hbm>> -> memref<320000x128xf32, #tpu.memory_space<hbm>>
            tpu.enqueue_indirect_dma source(%dma_start3A_273 : memref<320000x128xf32, #tpu.memory_space<hbm>>) target(%arg22 : memref<64x128xf32, #tpu.memory_space<vmem>>) offsets(%dma_start3A_270 : memref<64xi32, #tpu.memory_space<vmem>>) semaphore(%arg27 : memref<!tpu.dma_semaphore, #tpu.memory_space<semaphore_mem>>)
            %get3A_274 = arith.constant 0 : index
            %get3A_275 = tpu.vector_load %arg14[%get3A_274] {strides = array<i32>} : memref<128xi32, #tpu.memory_space<vmem>>, vector<16xi32>,
            %swap3A = arith.constant 0 : index
            %swap3A_276 = tpu.vector_load %arg17[%swap3A] {strides = array<i32>} : memref<64xi32, #tpu.memory_space<vmem>>, vector<16xi32>,
            tpu.vector_store %arg17[%swap3A], %get3A_275 {strides = array<i32>} : memref<64xi32, #tpu.memory_space<vmem>>, vector<16xi32>,
            %add3A_277 = vector.broadcast %add3A_46 : i32 to vector<16xi32>
            %add3A_278 = arith.addi %get3A_275, %add3A_277 : vector<16xi32>
            %ge3A_279 = arith.constant 80640 : i32
            %ge3A_280 = vector.broadcast %ge3A_279 : i32 to vector<16xi32>
            %ge3A_281 = arith.cmpi sge, %add3A_278, %ge3A_280 : vector<16xi32>
            %jit3A_282 = arith.constant 640 : i32
            %jit3A_283 = arith.constant 0 : i32
            %broadcast_in_dim3A_284 = vector.broadcast %jit3A_282 : i32 to vector<16xi32>
            %broadcast_in_dim3A_285 = vector.broadcast %jit3A_283 : i32 to vector<16xi32>
            %select_n3A_286 = arith.select %ge3A_281, %broadcast_in_dim3A_284, %broadcast_in_dim3A_285 : vector<16xi1>, vector<16xi32>
            %sub3A_287 = arith.subi %add3A_278, %select_n3A_286 : vector<16xi32>
            %min3A = arith.constant 159999 : i32
            %min3A_288 = vector.broadcast %min3A : i32 to vector<16xi32>
            %min3A_289 = arith.minsi %sub3A_287, %min3A_288 : vector<16xi32>
            %swap3A_290 = arith.constant 0 : index
            %swap3A_291 = tpu.vector_load %arg18[%swap3A_290] {strides = array<i32>} : memref<64xi32, #tpu.memory_space<vmem>>, vector<16xi32>,
            tpu.vector_store %arg18[%swap3A_290], %min3A_289 {strides = array<i32>} : memref<64xi32, #tpu.memory_space<vmem>>, vector<16xi32>,
            %get3A_292 = arith.constant 16 : index
            %get3A_293 = tpu.vector_load %arg14[%get3A_292] {strides = array<i32>} : memref<128xi32, #tpu.memory_space<vmem>>, vector<16xi32>,
            %swap3A_294 = arith.constant 16 : index
            %swap3A_295 = tpu.vector_load %arg17[%swap3A_294] {strides = array<i32>} : memref<64xi32, #tpu.memory_space<vmem>>, vector<16xi32>,
            tpu.vector_store %arg17[%swap3A_294], %get3A_293 {strides = array<i32>} : memref<64xi32, #tpu.memory_space<vmem>>, vector<16xi32>,
            %add3A_296 = vector.broadcast %add3A_46 : i32 to vector<16xi32>
            %add3A_297 = arith.addi %get3A_293, %add3A_296 : vector<16xi32>
            %ge3A_298 = arith.constant 80640 : i32
            %ge3A_299 = vector.broadcast %ge3A_298 : i32 to vector<16xi32>
            %ge3A_300 = arith.cmpi sge, %add3A_297, %ge3A_299 : vector<16xi32>
            %jit3A_301 = arith.constant 640 : i32
            %jit3A_302 = arith.constant 0 : i32
            %broadcast_in_dim3A_303 = vector.broadcast %jit3A_301 : i32 to vector<16xi32>
            %broadcast_in_dim3A_304 = vector.broadcast %jit3A_302 : i32 to vector<16xi32>
            %select_n3A_305 = arith.select %ge3A_300, %broadcast_in_dim3A_303, %broadcast_in_dim3A_304 : vector<16xi1>, vector<16xi32>
            %sub3A_306 = arith.subi %add3A_297, %select_n3A_305 : vector<16xi32>
            %min3A_307 = arith.constant 159999 : i32
            %min3A_308 = vector.broadcast %min3A_307 : i32 to vector<16xi32>
            %min3A_309 = arith.minsi %sub3A_306, %min3A_308 : vector<16xi32>
            %swap3A_310 = arith.constant 16 : index
            %swap3A_311 = tpu.vector_load %arg18[%swap3A_310] {strides = array<i32>} : memref<64xi32, #tpu.memory_space<vmem>>, vector<16xi32>,
            tpu.vector_store %arg18[%swap3A_310], %min3A_309 {strides = array<i32>} : memref<64xi32, #tpu.memory_space<vmem>>, vector<16xi32>,
            %get3A_312 = arith.constant 32 : index
            %get3A_313 = tpu.vector_load %arg14[%get3A_312] {strides = array<i32>} : memref<128xi32, #tpu.memory_space<vmem>>, vector<16xi32>,
            %swap3A_314 = arith.constant 32 : index
            %swap3A_315 = tpu.vector_load %arg17[%swap3A_314] {strides = array<i32>} : memref<64xi32, #tpu.memory_space<vmem>>, vector<16xi32>,
            tpu.vector_store %arg17[%swap3A_314], %get3A_313 {strides = array<i32>} : memref<64xi32, #tpu.memory_space<vmem>>, vector<16xi32>,
            %add3A_316 = vector.broadcast %add3A_46 : i32 to vector<16xi32>
            %add3A_317 = arith.addi %get3A_313, %add3A_316 : vector<16xi32>
            %ge3A_318 = arith.constant 80640 : i32
            %ge3A_319 = vector.broadcast %ge3A_318 : i32 to vector<16xi32>
            %ge3A_320 = arith.cmpi sge, %add3A_317, %ge3A_319 : vector<16xi32>
            %jit3A_321 = arith.constant 640 : i32
            %jit3A_322 = arith.constant 0 : i32
            %broadcast_in_dim3A_323 = vector.broadcast %jit3A_321 : i32 to vector<16xi32>
            %broadcast_in_dim3A_324 = vector.broadcast %jit3A_322 : i32 to vector<16xi32>
            %select_n3A_325 = arith.select %ge3A_320, %broadcast_in_dim3A_323, %broadcast_in_dim3A_324 : vector<16xi1>, vector<16xi32>
            %sub3A_326 = arith.subi %add3A_317, %select_n3A_325 : vector<16xi32>
            %min3A_327 = arith.constant 159999 : i32
            %min3A_328 = vector.broadcast %min3A_327 : i32 to vector<16xi32>
            %min3A_329 = arith.minsi %sub3A_326, %min3A_328 : vector<16xi32>
            %swap3A_330 = arith.constant 32 : index
            %swap3A_331 = tpu.vector_load %arg18[%swap3A_330] {strides = array<i32>} : memref<64xi32, #tpu.memory_space<vmem>>, vector<16xi32>,
            tpu.vector_store %arg18[%swap3A_330], %min3A_329 {strides = array<i32>} : memref<64xi32, #tpu.memory_space<vmem>>, vector<16xi32>,
            %get3A_332 = arith.constant 48 : index
            %get3A_333 = tpu.vector_load %arg14[%get3A_332] {strides = array<i32>} : memref<128xi32, #tpu.memory_space<vmem>>, vector<16xi32>,
            %swap3A_334 = arith.constant 48 : index
            %swap3A_335 = tpu.vector_load %arg17[%swap3A_334] {strides = array<i32>} : memref<64xi32, #tpu.memory_space<vmem>>, vector<16xi32>,
            tpu.vector_store %arg17[%swap3A_334], %get3A_333 {strides = array<i32>} : memref<64xi32, #tpu.memory_space<vmem>>, vector<16xi32>,
            %add3A_336 = vector.broadcast %add3A_46 : i32 to vector<16xi32>
            %add3A_337 = arith.addi %get3A_333, %add3A_336 : vector<16xi32>
            %ge3A_338 = arith.constant 80640 : i32
            %ge3A_339 = vector.broadcast %ge3A_338 : i32 to vector<16xi32>
            %ge3A_340 = arith.cmpi sge, %add3A_337, %ge3A_339 : vector<16xi32>
            %jit3A_341 = arith.constant 640 : i32
            %jit3A_342 = arith.constant 0 : i32
            %broadcast_in_dim3A_343 = vector.broadcast %jit3A_341 : i32 to vector<16xi32>
            %broadcast_in_dim3A_344 = vector.broadcast %jit3A_342 : i32 to vector<16xi32>
            %select_n3A_345 = arith.select %ge3A_340, %broadcast_in_dim3A_343, %broadcast_in_dim3A_344 : vector<16xi1>, vector<16xi32>
            %sub3A_346 = arith.subi %add3A_337, %select_n3A_345 : vector<16xi32>
            %min3A_347 = arith.constant 159999 : i32
            %min3A_348 = vector.broadcast %min3A_347 : i32 to vector<16xi32>
            %min3A_349 = arith.minsi %sub3A_346, %min3A_348 : vector<16xi32>
            %swap3A_350 = arith.constant 48 : index
            %swap3A_351 = tpu.vector_load %arg18[%swap3A_350] {strides = array<i32>} : memref<64xi32, #tpu.memory_space<vmem>>, vector<16xi32>,
            tpu.vector_store %arg18[%swap3A_350], %min3A_349 {strides = array<i32>} : memref<64xi32, #tpu.memory_space<vmem>>, vector<16xi32>,
            %dma_start3A_352 = arith.constant 0 : i32
            %dma_start3A_353 = arith.constant 0 : i32
            %dma_start3A_354 = tpu.memref_slice %arg7[%dma_start3A_352, %dma_start3A_353] : memref<160000x128xf32, #tpu.memory_space<hbm>> -> memref<160000x128xf32, #tpu.memory_space<hbm>>
            tpu.enqueue_indirect_dma source(%dma_start3A_354 : memref<160000x128xf32, #tpu.memory_space<hbm>>) target(%arg21 : memref<64x128xf32, #tpu.memory_space<vmem>>) offsets(%arg18 : memref<64xi32, #tpu.memory_space<vmem>>) semaphore(%arg27 : memref<!tpu.dma_semaphore, #tpu.memory_space<semaphore_mem>>)
            %dma_wait3A_355 = arith.constant 0 : i32
            %dma_wait3A_356 = tpu.memref_slice %arg15[%dma_wait3A_355] : memref<128xi32, #tpu.memory_space<vmem>> -> memref<64xi32, #tpu.memory_space<vmem>>
            %dma_wait3A_357 = arith.constant 0 : i32
            %dma_wait3A_358 = arith.constant 0 : i32
            %dma_wait3A_359 = tpu.memref_slice %arg5[%dma_wait3A_357, %dma_wait3A_358] : memref<160000x128xf32, #tpu.memory_space<hbm>> -> memref<160000x128xf32, #tpu.memory_space<hbm>>
            tpu.wait_indirect_dma semaphore(%arg27 : memref<!tpu.dma_semaphore, #tpu.memory_space<semaphore_mem>>) src(%dma_wait3A_359 : memref<160000x128xf32, #tpu.memory_space<hbm>>) dst(%arg19 : memref<64x128xf32, #tpu.memory_space<vmem>>)
            %dma_wait3A_360 = arith.constant 0 : i32
            %dma_wait3A_361 = tpu.memref_slice %arg16[%dma_wait3A_360] : memref<128xi32, #tpu.memory_space<vmem>> -> memref<64xi32, #tpu.memory_space<vmem>>
            %dma_wait3A_362 = arith.constant 0 : i32
            %dma_wait3A_363 = arith.constant 0 : i32
            %dma_wait3A_364 = tpu.memref_slice %arg6[%dma_wait3A_362, %dma_wait3A_363] : memref<160000x128xf32, #tpu.memory_space<hbm>> -> memref<160000x128xf32, #tpu.memory_space<hbm>>
            tpu.wait_indirect_dma semaphore(%arg27 : memref<!tpu.dma_semaphore, #tpu.memory_space<semaphore_mem>>) src(%dma_wait3A_364 : memref<160000x128xf32, #tpu.memory_space<hbm>>) dst(%arg20 : memref<64x128xf32, #tpu.memory_space<vmem>>)
            %dma_wait3A_365 = arith.constant 0 : i32
            %dma_wait3A_366 = arith.constant 0 : i32
            %dma_wait3A_367 = tpu.memref_slice %arg7[%dma_wait3A_365, %dma_wait3A_366] : memref<160000x128xf32, #tpu.memory_space<hbm>> -> memref<160000x128xf32, #tpu.memory_space<hbm>>
            tpu.wait_indirect_dma semaphore(%arg27 : memref<!tpu.dma_semaphore, #tpu.memory_space<semaphore_mem>>) src(%dma_wait3A_367 : memref<160000x128xf32, #tpu.memory_space<hbm>>) dst(%arg21 : memref<64x128xf32, #tpu.memory_space<vmem>>)
            %dma_wait3A_368 = arith.constant 0 : i32
            %dma_wait3A_369 = tpu.memref_slice %arg13[%dma_wait3A_368] : memref<128xi32, #tpu.memory_space<vmem>> -> memref<64xi32, #tpu.memory_space<vmem>>
            %dma_wait3A_370 = arith.constant 0 : i32
            %dma_wait3A_371 = arith.constant 0 : i32
            %dma_wait3A_372 = tpu.memref_slice %arg8[%dma_wait3A_370, %dma_wait3A_371] : memref<320000x128xf32, #tpu.memory_space<hbm>> -> memref<320000x128xf32, #tpu.memory_space<hbm>>
            tpu.wait_indirect_dma semaphore(%arg27 : memref<!tpu.dma_semaphore, #tpu.memory_space<semaphore_mem>>) src(%dma_wait3A_372 : memref<320000x128xf32, #tpu.memory_space<hbm>>) dst(%arg22 : memref<64x128xf32, #tpu.memory_space<vmem>>)
            %scan3A_373 = arith.constant 0 : i32
            %scan3A_374 = arith.constant 0 : i32
            %scan3A_375 = arith.constant 64 : i32
            %scan3A_376 = arith.addi %scan3A_374, %scan3A_375 : i32
            %scan3A_377 = arith.constant 1 : i32
            scf.for %scan3A_411 = %scan3A_374 to %scan3A_376 step %scan3A_377  : i32 {
              %get3A_412 = arith.index_cast %scan3A_411 : i32 to index
              %get3A_413 = arith.constant 0 : index
              %get3A_414 = tpu.vector_load %arg19[%get3A_412, %get3A_413] {strides = array<i32>} : memref<64x128xf32, #tpu.memory_space<vmem>>, vector<16xf32>,
              %get3A_415 = arith.index_cast %scan3A_411 : i32 to index
              %get3A_416 = arith.constant 0 : index
              %get3A_417 = tpu.vector_load %arg20[%get3A_415, %get3A_416] {strides = array<i32>} : memref<64x128xf32, #tpu.memory_space<vmem>>, vector<16xf32>,
              %add3A_418 = arith.addf %get3A_414, %get3A_417 : vector<16xf32>
              %get3A_419 = arith.index_cast %scan3A_411 : i32 to index
              %get3A_420 = arith.constant 0 : index
              %get3A_421 = tpu.vector_load %arg21[%get3A_419, %get3A_420] {strides = array<i32>} : memref<64x128xf32, #tpu.memory_space<vmem>>, vector<16xf32>,
              %add3A_422 = arith.addf %add3A_418, %get3A_421 : vector<16xf32>
              %get3A_423 = arith.index_cast %scan3A_411 : i32 to index
              %get3A_424 = arith.constant 0 : index
              %get3A_425 = tpu.vector_load %arg22[%get3A_423, %get3A_424] {strides = array<i32>} : memref<64x128xf32, #tpu.memory_space<vmem>>, vector<16xf32>,
              %add3A_426 = arith.addf %add3A_422, %get3A_425 : vector<16xf32>
              %neg3A = arith.constant 0.000000e+00 : f32
              %neg3A_427 = vector.broadcast %neg3A : f32 to vector<16xf32>
              %neg3A_428 = arith.subf %neg3A_427, %add3A_426 : vector<16xf32>
              %exp3A = math.exp %neg3A_428 : vector<16xf32>
              %add3A_429 = arith.constant 1.000000e+00 : f32
              %add3A_430 = vector.broadcast %add3A_429 : f32 to vector<16xf32>
              %add3A_431 = arith.addf %add3A_430, %exp3A : vector<16xf32>
              %div3A = arith.divf %add3A_426, %add3A_431 : vector<16xf32>
              %swap3A_432 = arith.index_cast %scan3A_411 : i32 to index
              %swap3A_433 = arith.constant 0 : index
              %swap3A_434 = tpu.vector_load %arg19[%swap3A_432, %swap3A_433] {strides = array<i32>} : memref<64x128xf32, #tpu.memory_space<vmem>>, vector<16xf32>,
              tpu.vector_store %arg19[%swap3A_432, %swap3A_433], %div3A {strides = array<i32>} : memref<64x128xf32, #tpu.memory_space<vmem>>, vector<16xf32>,
              %get3A_435 = arith.index_cast %scan3A_411 : i32 to index
              %get3A_436 = arith.constant 16 : index
              %get3A_437 = tpu.vector_load %arg19[%get3A_435, %get3A_436] {strides = array<i32>} : memref<64x128xf32, #tpu.memory_space<vmem>>, vector<16xf32>,
              %get3A_438 = arith.index_cast %scan3A_411 : i32 to index
              %get3A_439 = arith.constant 16 : index
              %get3A_440 = tpu.vector_load %arg20[%get3A_438, %get3A_439] {strides = array<i32>} : memref<64x128xf32, #tpu.memory_space<vmem>>, vector<16xf32>,
              %add3A_441 = arith.addf %get3A_437, %get3A_440 : vector<16xf32>
              %get3A_442 = arith.index_cast %scan3A_411 : i32 to index
              %get3A_443 = arith.constant 16 : index
              %get3A_444 = tpu.vector_load %arg21[%get3A_442, %get3A_443] {strides = array<i32>} : memref<64x128xf32, #tpu.memory_space<vmem>>, vector<16xf32>,
              %add3A_445 = arith.addf %add3A_441, %get3A_444 : vector<16xf32>
              %get3A_446 = arith.index_cast %scan3A_411 : i32 to index
              %get3A_447 = arith.constant 16 : index
              %get3A_448 = tpu.vector_load %arg22[%get3A_446, %get3A_447] {strides = array<i32>} : memref<64x128xf32, #tpu.memory_space<vmem>>, vector<16xf32>,
              %add3A_449 = arith.addf %add3A_445, %get3A_448 : vector<16xf32>
              %neg3A_450 = arith.constant 0.000000e+00 : f32
              %neg3A_451 = vector.broadcast %neg3A_450 : f32 to vector<16xf32>
              %neg3A_452 = arith.subf %neg3A_451, %add3A_449 : vector<16xf32>
              %exp3A_453 = math.exp %neg3A_452 : vector<16xf32>
              %add3A_454 = arith.constant 1.000000e+00 : f32
              %add3A_455 = vector.broadcast %add3A_454 : f32 to vector<16xf32>
              %add3A_456 = arith.addf %add3A_455, %exp3A_453 : vector<16xf32>
              %div3A_457 = arith.divf %add3A_449, %add3A_456 : vector<16xf32>
              %swap3A_458 = arith.index_cast %scan3A_411 : i32 to index
              %swap3A_459 = arith.constant 16 : index
              %swap3A_460 = tpu.vector_load %arg19[%swap3A_458, %swap3A_459] {strides = array<i32>} : memref<64x128xf32, #tpu.memory_space<vmem>>, vector<16xf32>,
              tpu.vector_store %arg19[%swap3A_458, %swap3A_459], %div3A_457 {strides = array<i32>} : memref<64x128xf32, #tpu.memory_space<vmem>>, vector<16xf32>,
              %get3A_461 = arith.index_cast %scan3A_411 : i32 to index
              %get3A_462 = arith.constant 32 : index
              %get3A_463 = tpu.vector_load %arg19[%get3A_461, %get3A_462] {strides = array<i32>} : memref<64x128xf32, #tpu.memory_space<vmem>>, vector<16xf32>,
              %get3A_464 = arith.index_cast %scan3A_411 : i32 to index
              %get3A_465 = arith.constant 32 : index
              %get3A_466 = tpu.vector_load %arg20[%get3A_464, %get3A_465] {strides = array<i32>} : memref<64x128xf32, #tpu.memory_space<vmem>>, vector<16xf32>,
              %add3A_467 = arith.addf %get3A_463, %get3A_466 : vector<16xf32>
              %get3A_468 = arith.index_cast %scan3A_411 : i32 to index
              %get3A_469 = arith.constant 32 : index
              %get3A_470 = tpu.vector_load %arg21[%get3A_468, %get3A_469] {strides = array<i32>} : memref<64x128xf32, #tpu.memory_space<vmem>>, vector<16xf32>,
              %add3A_471 = arith.addf %add3A_467, %get3A_470 : vector<16xf32>
              %get3A_472 = arith.index_cast %scan3A_411 : i32 to index
              %get3A_473 = arith.constant 32 : index
              %get3A_474 = tpu.vector_load %arg22[%get3A_472, %get3A_473] {strides = array<i32>} : memref<64x128xf32, #tpu.memory_space<vmem>>, vector<16xf32>,
              %add3A_475 = arith.addf %add3A_471, %get3A_474 : vector<16xf32>
              %neg3A_476 = arith.constant 0.000000e+00 : f32
              %neg3A_477 = vector.broadcast %neg3A_476 : f32 to vector<16xf32>
              %neg3A_478 = arith.subf %neg3A_477, %add3A_475 : vector<16xf32>
              %exp3A_479 = math.exp %neg3A_478 : vector<16xf32>
              %add3A_480 = arith.constant 1.000000e+00 : f32
              %add3A_481 = vector.broadcast %add3A_480 : f32 to vector<16xf32>
              %add3A_482 = arith.addf %add3A_481, %exp3A_479 : vector<16xf32>
              %div3A_483 = arith.divf %add3A_475, %add3A_482 : vector<16xf32>
              %swap3A_484 = arith.index_cast %scan3A_411 : i32 to index
              %swap3A_485 = arith.constant 32 : index
              %swap3A_486 = tpu.vector_load %arg19[%swap3A_484, %swap3A_485] {strides = array<i32>} : memref<64x128xf32, #tpu.memory_space<vmem>>, vector<16xf32>,
              tpu.vector_store %arg19[%swap3A_484, %swap3A_485], %div3A_483 {strides = array<i32>} : memref<64x128xf32, #tpu.memory_space<vmem>>, vector<16xf32>,
              %get3A_487 = arith.index_cast %scan3A_411 : i32 to index
              %get3A_488 = arith.constant 48 : index
              %get3A_489 = tpu.vector_load %arg19[%get3A_487, %get3A_488] {strides = array<i32>} : memref<64x128xf32, #tpu.memory_space<vmem>>, vector<16xf32>,
              %get3A_490 = arith.index_cast %scan3A_411 : i32 to index
              %get3A_491 = arith.constant 48 : index
              %get3A_492 = tpu.vector_load %arg20[%get3A_490, %get3A_491] {strides = array<i32>} : memref<64x128xf32, #tpu.memory_space<vmem>>, vector<16xf32>,
              %add3A_493 = arith.addf %get3A_489, %get3A_492 : vector<16xf32>
              %get3A_494 = arith.index_cast %scan3A_411 : i32 to index
              %get3A_495 = arith.constant 48 : index
              %get3A_496 = tpu.vector_load %arg21[%get3A_494, %get3A_495] {strides = array<i32>} : memref<64x128xf32, #tpu.memory_space<vmem>>, vector<16xf32>,
              %add3A_497 = arith.addf %add3A_493, %get3A_496 : vector<16xf32>
              %get3A_498 = arith.index_cast %scan3A_411 : i32 to index
              %get3A_499 = arith.constant 48 : index
              %get3A_500 = tpu.vector_load %arg22[%get3A_498, %get3A_499] {strides = array<i32>} : memref<64x128xf32, #tpu.memory_space<vmem>>, vector<16xf32>,
              %add3A_501 = arith.addf %add3A_497, %get3A_500 : vector<16xf32>
              %neg3A_502 = arith.constant 0.000000e+00 : f32
              %neg3A_503 = vector.broadcast %neg3A_502 : f32 to vector<16xf32>
              %neg3A_504 = arith.subf %neg3A_503, %add3A_501 : vector<16xf32>
              %exp3A_505 = math.exp %neg3A_504 : vector<16xf32>
              %add3A_506 = arith.constant 1.000000e+00 : f32
              %add3A_507 = vector.broadcast %add3A_506 : f32 to vector<16xf32>
              %add3A_508 = arith.addf %add3A_507, %exp3A_505 : vector<16xf32>
              %div3A_509 = arith.divf %add3A_501, %add3A_508 : vector<16xf32>
              %swap3A_510 = arith.index_cast %scan3A_411 : i32 to index
              %swap3A_511 = arith.constant 48 : index
              %swap3A_512 = tpu.vector_load %arg19[%swap3A_510, %swap3A_511] {strides = array<i32>} : memref<64x128xf32, #tpu.memory_space<vmem>>, vector<16xf32>,
              tpu.vector_store %arg19[%swap3A_510, %swap3A_511], %div3A_509 {strides = array<i32>} : memref<64x128xf32, #tpu.memory_space<vmem>>, vector<16xf32>,
              %get3A_513 = arith.index_cast %scan3A_411 : i32 to index
              %get3A_514 = arith.constant 64 : index
              %get3A_515 = tpu.vector_load %arg19[%get3A_513, %get3A_514] {strides = array<i32>} : memref<64x128xf32, #tpu.memory_space<vmem>>, vector<16xf32>,
              %get3A_516 = arith.index_cast %scan3A_411 : i32 to index
              %get3A_517 = arith.constant 64 : index
              %get3A_518 = tpu.vector_load %arg20[%get3A_516, %get3A_517] {strides = array<i32>} : memref<64x128xf32, #tpu.memory_space<vmem>>, vector<16xf32>,
              %add3A_519 = arith.addf %get3A_515, %get3A_518 : vector<16xf32>
              %get3A_520 = arith.index_cast %scan3A_411 : i32 to index
              %get3A_521 = arith.constant 64 : index
              %get3A_522 = tpu.vector_load %arg21[%get3A_520, %get3A_521] {strides = array<i32>} : memref<64x128xf32, #tpu.memory_space<vmem>>, vector<16xf32>,
              %add3A_523 = arith.addf %add3A_519, %get3A_522 : vector<16xf32>
              %get3A_524 = arith.index_cast %scan3A_411 : i32 to index
              %get3A_525 = arith.constant 64 : index
              %get3A_526 = tpu.vector_load %arg22[%get3A_524, %get3A_525] {strides = array<i32>} : memref<64x128xf32, #tpu.memory_space<vmem>>, vector<16xf32>,
              %add3A_527 = arith.addf %add3A_523, %get3A_526 : vector<16xf32>
              %neg3A_528 = arith.constant 0.000000e+00 : f32
              %neg3A_529 = vector.broadcast %neg3A_528 : f32 to vector<16xf32>
              %neg3A_530 = arith.subf %neg3A_529, %add3A_527 : vector<16xf32>
              %exp3A_531 = math.exp %neg3A_530 : vector<16xf32>
              %add3A_532 = arith.constant 1.000000e+00 : f32
              %add3A_533 = vector.broadcast %add3A_532 : f32 to vector<16xf32>
              %add3A_534 = arith.addf %add3A_533, %exp3A_531 : vector<16xf32>
              %div3A_535 = arith.divf %add3A_527, %add3A_534 : vector<16xf32>
              %swap3A_536 = arith.index_cast %scan3A_411 : i32 to index
              %swap3A_537 = arith.constant 64 : index
              %swap3A_538 = tpu.vector_load %arg19[%swap3A_536, %swap3A_537] {strides = array<i32>} : memref<64x128xf32, #tpu.memory_space<vmem>>, vector<16xf32>,
              tpu.vector_store %arg19[%swap3A_536, %swap3A_537], %div3A_535 {strides = array<i32>} : memref<64x128xf32, #tpu.memory_space<vmem>>, vector<16xf32>,
              %get3A_539 = arith.index_cast %scan3A_411 : i32 to index
              %get3A_540 = arith.constant 80 : index
              %get3A_541 = tpu.vector_load %arg19[%get3A_539, %get3A_540] {strides = array<i32>} : memref<64x128xf32, #tpu.memory_space<vmem>>, vector<16xf32>,
              %get3A_542 = arith.index_cast %scan3A_411 : i32 to index
              %get3A_543 = arith.constant 80 : index
              %get3A_544 = tpu.vector_load %arg20[%get3A_542, %get3A_543] {strides = array<i32>} : memref<64x128xf32, #tpu.memory_space<vmem>>, vector<16xf32>,
              %add3A_545 = arith.addf %get3A_541, %get3A_544 : vector<16xf32>
              %get3A_546 = arith.index_cast %scan3A_411 : i32 to index
              %get3A_547 = arith.constant 80 : index
              %get3A_548 = tpu.vector_load %arg21[%get3A_546, %get3A_547] {strides = array<i32>} : memref<64x128xf32, #tpu.memory_space<vmem>>, vector<16xf32>,
              %add3A_549 = arith.addf %add3A_545, %get3A_548 : vector<16xf32>
              %get3A_550 = arith.index_cast %scan3A_411 : i32 to index
              %get3A_551 = arith.constant 80 : index
              %get3A_552 = tpu.vector_load %arg22[%get3A_550, %get3A_551] {strides = array<i32>} : memref<64x128xf32, #tpu.memory_space<vmem>>, vector<16xf32>,
              %add3A_553 = arith.addf %add3A_549, %get3A_552 : vector<16xf32>
              %neg3A_554 = arith.constant 0.000000e+00 : f32
              %neg3A_555 = vector.broadcast %neg3A_554 : f32 to vector<16xf32>
              %neg3A_556 = arith.subf %neg3A_555, %add3A_553 : vector<16xf32>
              %exp3A_557 = math.exp %neg3A_556 : vector<16xf32>
              %add3A_558 = arith.constant 1.000000e+00 : f32
              %add3A_559 = vector.broadcast %add3A_558 : f32 to vector<16xf32>
              %add3A_560 = arith.addf %add3A_559, %exp3A_557 : vector<16xf32>
              %div3A_561 = arith.divf %add3A_553, %add3A_560 : vector<16xf32>
              %swap3A_562 = arith.index_cast %scan3A_411 : i32 to index
              %swap3A_563 = arith.constant 80 : index
              %swap3A_564 = tpu.vector_load %arg19[%swap3A_562, %swap3A_563] {strides = array<i32>} : memref<64x128xf32, #tpu.memory_space<vmem>>, vector<16xf32>,
              tpu.vector_store %arg19[%swap3A_562, %swap3A_563], %div3A_561 {strides = array<i32>} : memref<64x128xf32, #tpu.memory_space<vmem>>, vector<16xf32>,
              %get3A_565 = arith.index_cast %scan3A_411 : i32 to index
              %get3A_566 = arith.constant 96 : index
              %get3A_567 = tpu.vector_load %arg19[%get3A_565, %get3A_566] {strides = array<i32>} : memref<64x128xf32, #tpu.memory_space<vmem>>, vector<16xf32>,
              %get3A_568 = arith.index_cast %scan3A_411 : i32 to index
              %get3A_569 = arith.constant 96 : index
              %get3A_570 = tpu.vector_load %arg20[%get3A_568, %get3A_569] {strides = array<i32>} : memref<64x128xf32, #tpu.memory_space<vmem>>, vector<16xf32>,
              %add3A_571 = arith.addf %get3A_567, %get3A_570 : vector<16xf32>
              %get3A_572 = arith.index_cast %scan3A_411 : i32 to index
              %get3A_573 = arith.constant 96 : index
              %get3A_574 = tpu.vector_load %arg21[%get3A_572, %get3A_573] {strides = array<i32>} : memref<64x128xf32, #tpu.memory_space<vmem>>, vector<16xf32>,
              %add3A_575 = arith.addf %add3A_571, %get3A_574 : vector<16xf32>
              %get3A_576 = arith.index_cast %scan3A_411 : i32 to index
              %get3A_577 = arith.constant 96 : index
              %get3A_578 = tpu.vector_load %arg22[%get3A_576, %get3A_577] {strides = array<i32>} : memref<64x128xf32, #tpu.memory_space<vmem>>, vector<16xf32>,
              %add3A_579 = arith.addf %add3A_575, %get3A_578 : vector<16xf32>
              %neg3A_580 = arith.constant 0.000000e+00 : f32
              %neg3A_581 = vector.broadcast %neg3A_580 : f32 to vector<16xf32>
              %neg3A_582 = arith.subf %neg3A_581, %add3A_579 : vector<16xf32>
              %exp3A_583 = math.exp %neg3A_582 : vector<16xf32>
              %add3A_584 = arith.constant 1.000000e+00 : f32
              %add3A_585 = vector.broadcast %add3A_584 : f32 to vector<16xf32>
              %add3A_586 = arith.addf %add3A_585, %exp3A_583 : vector<16xf32>
              %div3A_587 = arith.divf %add3A_579, %add3A_586 : vector<16xf32>
              %swap3A_588 = arith.index_cast %scan3A_411 : i32 to index
              %swap3A_589 = arith.constant 96 : index
              %swap3A_590 = tpu.vector_load %arg19[%swap3A_588, %swap3A_589] {strides = array<i32>} : memref<64x128xf32, #tpu.memory_space<vmem>>, vector<16xf32>,
              tpu.vector_store %arg19[%swap3A_588, %swap3A_589], %div3A_587 {strides = array<i32>} : memref<64x128xf32, #tpu.memory_space<vmem>>, vector<16xf32>,
              %get3A_591 = arith.index_cast %scan3A_411 : i32 to index
              %get3A_592 = arith.constant 112 : index
              %get3A_593 = tpu.vector_load %arg19[%get3A_591, %get3A_592] {strides = array<i32>} : memref<64x128xf32, #tpu.memory_space<vmem>>, vector<16xf32>,
              %get3A_594 = arith.index_cast %scan3A_411 : i32 to index
              %get3A_595 = arith.constant 112 : index
              %get3A_596 = tpu.vector_load %arg20[%get3A_594, %get3A_595] {strides = array<i32>} : memref<64x128xf32, #tpu.memory_space<vmem>>, vector<16xf32>,
              %add3A_597 = arith.addf %get3A_593, %get3A_596 : vector<16xf32>
              %get3A_598 = arith.index_cast %scan3A_411 : i32 to index
              %get3A_599 = arith.constant 112 : index
              %get3A_600 = tpu.vector_load %arg21[%get3A_598, %get3A_599] {strides = array<i32>} : memref<64x128xf32, #tpu.memory_space<vmem>>, vector<16xf32>,
              %add3A_601 = arith.addf %add3A_597, %get3A_600 : vector<16xf32>
              %get3A_602 = arith.index_cast %scan3A_411 : i32 to index
              %get3A_603 = arith.constant 112 : index
              %get3A_604 = tpu.vector_load %arg22[%get3A_602, %get3A_603] {strides = array<i32>} : memref<64x128xf32, #tpu.memory_space<vmem>>, vector<16xf32>,
              %add3A_605 = arith.addf %add3A_601, %get3A_604 : vector<16xf32>
              %neg3A_606 = arith.constant 0.000000e+00 : f32
              %neg3A_607 = vector.broadcast %neg3A_606 : f32 to vector<16xf32>
              %neg3A_608 = arith.subf %neg3A_607, %add3A_605 : vector<16xf32>
              %exp3A_609 = math.exp %neg3A_608 : vector<16xf32>
              %add3A_610 = arith.constant 1.000000e+00 : f32
              %add3A_611 = vector.broadcast %add3A_610 : f32 to vector<16xf32>
              %add3A_612 = arith.addf %add3A_611, %exp3A_609 : vector<16xf32>
              %div3A_613 = arith.divf %add3A_605, %add3A_612 : vector<16xf32>
              %swap3A_614 = arith.index_cast %scan3A_411 : i32 to index
              %swap3A_615 = arith.constant 112 : index
              %swap3A_616 = tpu.vector_load %arg19[%swap3A_614, %swap3A_615] {strides = array<i32>} : memref<64x128xf32, #tpu.memory_space<vmem>>, vector<16xf32>,
              tpu.vector_store %arg19[%swap3A_614, %swap3A_615], %div3A_613 {strides = array<i32>} : memref<64x128xf32, #tpu.memory_space<vmem>>, vector<16xf32>,
            }
            %scan3A_378 = arith.constant 64 : i32
            "tpu.region"() ({
              %run_scoped3A = tpu.sem_alloc : memref<!tpu.dma_semaphore, #tpu.memory_space<semaphore_mem>>
              %dma_start3A_411 = arith.constant 0 : i32
              %dma_start3A_412 = arith.constant 0 : i32
              %dma_start3A_413 = tpu.memref_slice %arg25[%dma_start3A_411, %dma_start3A_412] : memref<8968x128xf32, #tpu.memory_space<vmem_shared>> -> memref<8968x128xf32, #tpu.memory_space<vmem_shared>>
              tpu.enqueue_indirect_dma source(%arg19 : memref<64x128xf32, #tpu.memory_space<vmem>>) target(%dma_start3A_413 : memref<8968x128xf32, #tpu.memory_space<vmem_shared>>) offsets(%arg17 : memref<64xi32, #tpu.memory_space<vmem>>) semaphore(%run_scoped3A : memref<!tpu.dma_semaphore, #tpu.memory_space<semaphore_mem>>) {add = true}
              %dma_wait3A_414 = arith.constant 0 : i32
              %dma_wait3A_415 = arith.constant 0 : i32
              %dma_wait3A_416 = tpu.memref_slice %arg25[%dma_wait3A_414, %dma_wait3A_415] : memref<8968x128xf32, #tpu.memory_space<vmem_shared>> -> memref<8968x128xf32, #tpu.memory_space<vmem_shared>>
              tpu.wait_indirect_dma semaphore(%run_scoped3A : memref<!tpu.dma_semaphore, #tpu.memory_space<semaphore_mem>>) src(%arg19 : memref<64x128xf32, #tpu.memory_space<vmem>>) dst(%dma_wait3A_416 : memref<8968x128xf32, #tpu.memory_space<vmem_shared>>)
              tpu.yield
            }) : () -> ()
            %get3A_379 = arith.constant 64 : index
            %get3A_380 = tpu.vector_load %arg13[%get3A_379] {strides = array<i32>} : memref<128xi32, #tpu.memory_space<vmem>>, vector<16xi32>,
            %get3A_381 = arith.constant 80 : index
            %get3A_382 = tpu.vector_load %arg13[%get3A_381] {strides = array<i32>} : memref<128xi32, #tpu.memory_space<vmem>>, vector<16xi32>,
            %swap3A_383 = arith.constant 0 : index
            %swap3A_384 = tpu.vector_load %arg13[%swap3A_383] {strides = array<i32>} : memref<128xi32, #tpu.memory_space<vmem>>, vector<16xi32>,
            tpu.vector_store %arg13[%swap3A_383], %get3A_380 {strides = array<i32>} : memref<128xi32, #tpu.memory_space<vmem>>, vector<16xi32>,
            %swap3A_385 = arith.constant 16 : index
            %swap3A_386 = tpu.vector_load %arg13[%swap3A_385] {strides = array<i32>} : memref<128xi32, #tpu.memory_space<vmem>>, vector<16xi32>,
            tpu.vector_store %arg13[%swap3A_385], %get3A_382 {strides = array<i32>} : memref<128xi32, #tpu.memory_space<vmem>>, vector<16xi32>,
            %get3A_387 = arith.constant 64 : index
            %get3A_388 = tpu.vector_load %arg14[%get3A_387] {strides = array<i32>} : memref<128xi32, #tpu.memory_space<vmem>>, vector<16xi32>,
            %get3A_389 = arith.constant 80 : index
            %get3A_390 = tpu.vector_load %arg14[%get3A_389] {strides = array<i32>} : memref<128xi32, #tpu.memory_space<vmem>>, vector<16xi32>,
            %swap3A_391 = arith.constant 0 : index
            %swap3A_392 = tpu.vector_load %arg14[%swap3A_391] {strides = array<i32>} : memref<128xi32, #tpu.memory_space<vmem>>, vector<16xi32>,
            tpu.vector_store %arg14[%swap3A_391], %get3A_388 {strides = array<i32>} : memref<128xi32, #tpu.memory_space<vmem>>, vector<16xi32>,
            %swap3A_393 = arith.constant 16 : index
            %swap3A_394 = tpu.vector_load %arg14[%swap3A_393] {strides = array<i32>} : memref<128xi32, #tpu.memory_space<vmem>>, vector<16xi32>,
            tpu.vector_store %arg14[%swap3A_393], %get3A_390 {strides = array<i32>} : memref<128xi32, #tpu.memory_space<vmem>>, vector<16xi32>,
            %get3A_395 = arith.constant 64 : index
            %get3A_396 = tpu.vector_load %arg15[%get3A_395] {strides = array<i32>} : memref<128xi32, #tpu.memory_space<vmem>>, vector<16xi32>,
            %get3A_397 = arith.constant 80 : index
            %get3A_398 = tpu.vector_load %arg15[%get3A_397] {strides = array<i32>} : memref<128xi32, #tpu.memory_space<vmem>>, vector<16xi32>,
            %swap3A_399 = arith.constant 0 : index
            %swap3A_400 = tpu.vector_load %arg15[%swap3A_399] {strides = array<i32>} : memref<128xi32, #tpu.memory_space<vmem>>, vector<16xi32>,
            tpu.vector_store %arg15[%swap3A_399], %get3A_396 {strides = array<i32>} : memref<128xi32, #tpu.memory_space<vmem>>, vector<16xi32>,
            %swap3A_401 = arith.constant 16 : index
            %swap3A_402 = tpu.vector_load %arg15[%swap3A_401] {strides = array<i32>} : memref<128xi32, #tpu.memory_space<vmem>>, vector<16xi32>,
            tpu.vector_store %arg15[%swap3A_401], %get3A_398 {strides = array<i32>} : memref<128xi32, #tpu.memory_space<vmem>>, vector<16xi32>,
            %get3A_403 = arith.constant 64 : index
            %get3A_404 = tpu.vector_load %arg16[%get3A_403] {strides = array<i32>} : memref<128xi32, #tpu.memory_space<vmem>>, vector<16xi32>,
            %get3A_405 = arith.constant 80 : index
            %get3A_406 = tpu.vector_load %arg16[%get3A_405] {strides = array<i32>} : memref<128xi32, #tpu.memory_space<vmem>>, vector<16xi32>,
            %swap3A_407 = arith.constant 0 : index
            %swap3A_408 = tpu.vector_load %arg16[%swap3A_407] {strides = array<i32>} : memref<128xi32, #tpu.memory_space<vmem>>, vector<16xi32>,
            tpu.vector_store %arg16[%swap3A_407], %get3A_404 {strides = array<i32>} : memref<128xi32, #tpu.memory_space<vmem>>, vector<16xi32>,
            %swap3A_409 = arith.constant 16 : index
            %swap3A_410 = tpu.vector_load %arg16[%swap3A_409] {strides = array<i32>} : memref<128xi32, #tpu.memory_space<vmem>>, vector<16xi32>,
            tpu.vector_store %arg16[%swap3A_409], %get3A_406 {strides = array<i32>} : memref<128xi32, #tpu.memory_space<vmem>>, vector<16xi32>,
          } else {
          }
          %ge3A_254 = arith.constant 64 : i32
          %ge3A_255 = arith.cmpi sge, %add3A_248, %ge3A_254 : i32
          %sub3A_256 = arith.constant 64 : i32
          %sub3A_257 = arith.subi %add3A_248, %sub3A_256 : i32
          %select_n3A_258 = arith.select %ge3A_255, %sub3A_257, %add3A_248 : i32
          scf.yield %select_n3A_258 : i32
        }
        %scan3A_182 = arith.constant 25 : i32
        scf.yield %scan3A_181 : i32
      }
      %scan3A_105 = arith.constant 25 : i32
      %gt3A = arith.constant 0 : i32
      %gt3A_106 = arith.cmpi sgt, %scan3A_104, %gt3A : i32
      %convert_element_type3A = arith.extui %gt3A_106 : i1 to i32
      %cond3A = arith.constant 0 : i32
      %cond3A_107 = arith.cmpi ne, %convert_element_type3A, %cond3A : i32
      scf.if %cond3A_107 {
        %add3A_117 = arith.constant 0 : i32
        %add3A_118 = arith.addi %scan3A_104, %add3A_117 : i32
        %add3A_119 = vector.broadcast %add3A_118 : i32 to vector<16xi32>
        %add3A_120 = arith.addi %add3A_119, %iota3A : vector<16xi32>
        tpu.vector_store_idx %arg13[%add3A_120], %broadcast_in_dim3A_32 : memref<128xi32, #tpu.memory_space<vmem>>[vector<16xi32>], vector<16xi32>,
        tpu.vector_store_idx %arg14[%add3A_120], %add3A_36 : memref<128xi32, #tpu.memory_space<vmem>>[vector<16xi32>], vector<16xi32>,
        tpu.vector_store_idx %arg15[%add3A_120], %broadcast_in_dim3A_32 : memref<128xi32, #tpu.memory_space<vmem>>[vector<16xi32>], vector<16xi32>,
        tpu.vector_store_idx %arg16[%add3A_120], %broadcast_in_dim3A_32 : memref<128xi32, #tpu.memory_space<vmem>>[vector<16xi32>], vector<16xi32>,
        %add3A_121 = arith.constant 16 : i32
        %add3A_122 = arith.addi %scan3A_104, %add3A_121 : i32
        %add3A_123 = vector.broadcast %add3A_122 : i32 to vector<16xi32>
        %add3A_124 = arith.addi %add3A_123, %iota3A : vector<16xi32>
        tpu.vector_store_idx %arg13[%add3A_124], %broadcast_in_dim3A_32 : memref<128xi32, #tpu.memory_space<vmem>>[vector<16xi32>], vector<16xi32>,
        tpu.vector_store_idx %arg14[%add3A_124], %add3A_36 : memref<128xi32, #tpu.memory_space<vmem>>[vector<16xi32>], vector<16xi32>,
        tpu.vector_store_idx %arg15[%add3A_124], %broadcast_in_dim3A_32 : memref<128xi32, #tpu.memory_space<vmem>>[vector<16xi32>], vector<16xi32>,
        tpu.vector_store_idx %arg16[%add3A_124], %broadcast_in_dim3A_32 : memref<128xi32, #tpu.memory_space<vmem>>[vector<16xi32>], vector<16xi32>,
        %add3A_125 = arith.constant 32 : i32
        %add3A_126 = arith.addi %scan3A_104, %add3A_125 : i32
        %add3A_127 = vector.broadcast %add3A_126 : i32 to vector<16xi32>
        %add3A_128 = arith.addi %add3A_127, %iota3A : vector<16xi32>
        tpu.vector_store_idx %arg13[%add3A_128], %broadcast_in_dim3A_32 : memref<128xi32, #tpu.memory_space<vmem>>[vector<16xi32>], vector<16xi32>,
        tpu.vector_store_idx %arg14[%add3A_128], %add3A_36 : memref<128xi32, #tpu.memory_space<vmem>>[vector<16xi32>], vector<16xi32>,
        tpu.vector_store_idx %arg15[%add3A_128], %broadcast_in_dim3A_32 : memref<128xi32, #tpu.memory_space<vmem>>[vector<16xi32>], vector<16xi32>,
        tpu.vector_store_idx %arg16[%add3A_128], %broadcast_in_dim3A_32 : memref<128xi32, #tpu.memory_space<vmem>>[vector<16xi32>], vector<16xi32>,
        %add3A_129 = arith.constant 48 : i32
        %add3A_130 = arith.addi %scan3A_104, %add3A_129 : i32
        %add3A_131 = vector.broadcast %add3A_130 : i32 to vector<16xi32>
        %add3A_132 = arith.addi %add3A_131, %iota3A : vector<16xi32>
        tpu.vector_store_idx %arg13[%add3A_132], %broadcast_in_dim3A_32 : memref<128xi32, #tpu.memory_space<vmem>>[vector<16xi32>], vector<16xi32>,
        tpu.vector_store_idx %arg14[%add3A_132], %add3A_36 : memref<128xi32, #tpu.memory_space<vmem>>[vector<16xi32>], vector<16xi32>,
        tpu.vector_store_idx %arg15[%add3A_132], %broadcast_in_dim3A_32 : memref<128xi32, #tpu.memory_space<vmem>>[vector<16xi32>], vector<16xi32>,
        tpu.vector_store_idx %arg16[%add3A_132], %broadcast_in_dim3A_32 : memref<128xi32, #tpu.memory_space<vmem>>[vector<16xi32>], vector<16xi32>,
        %dma_start3A_133 = arith.constant 0 : i32
        %dma_start3A_134 = tpu.memref_slice %arg15[%dma_start3A_133] : memref<128xi32, #tpu.memory_space<vmem>> -> memref<64xi32, #tpu.memory_space<vmem>>
        %dma_start3A_135 = arith.constant 0 : i32
        %dma_start3A_136 = arith.constant 0 : i32
        %dma_start3A_137 = tpu.memref_slice %arg5[%dma_start3A_135, %dma_start3A_136] : memref<160000x128xf32, #tpu.memory_space<hbm>> -> memref<160000x128xf32, #tpu.memory_space<hbm>>
        tpu.enqueue_indirect_dma source(%dma_start3A_137 : memref<160000x128xf32, #tpu.memory_space<hbm>>) target(%arg19 : memref<64x128xf32, #tpu.memory_space<vmem>>) offsets(%dma_start3A_134 : memref<64xi32, #tpu.memory_space<vmem>>) semaphore(%arg27 : memref<!tpu.dma_semaphore, #tpu.memory_space<semaphore_mem>>)
        %dma_start3A_138 = arith.constant 0 : i32
        %dma_start3A_139 = tpu.memref_slice %arg16[%dma_start3A_138] : memref<128xi32, #tpu.memory_space<vmem>> -> memref<64xi32, #tpu.memory_space<vmem>>
        %dma_start3A_140 = arith.constant 0 : i32
        %dma_start3A_141 = arith.constant 0 : i32
        %dma_start3A_142 = tpu.memref_slice %arg6[%dma_start3A_140, %dma_start3A_141] : memref<160000x128xf32, #tpu.memory_space<hbm>> -> memref<160000x128xf32, #tpu.memory_space<hbm>>
        tpu.enqueue_indirect_dma source(%dma_start3A_142 : memref<160000x128xf32, #tpu.memory_space<hbm>>) target(%arg20 : memref<64x128xf32, #tpu.memory_space<vmem>>) offsets(%dma_start3A_139 : memref<64xi32, #tpu.memory_space<vmem>>) semaphore(%arg27 : memref<!tpu.dma_semaphore, #tpu.memory_space<semaphore_mem>>)
        %dma_start3A_143 = arith.constant 0 : i32
        %dma_start3A_144 = tpu.memref_slice %arg13[%dma_start3A_143] : memref<128xi32, #tpu.memory_space<vmem>> -> memref<64xi32, #tpu.memory_space<vmem>>
        %dma_start3A_145 = arith.constant 0 : i32
        %dma_start3A_146 = arith.constant 0 : i32
        %dma_start3A_147 = tpu.memref_slice %arg8[%dma_start3A_145, %dma_start3A_146] : memref<320000x128xf32, #tpu.memory_space<hbm>> -> memref<320000x128xf32, #tpu.memory_space<hbm>>
        tpu.enqueue_indirect_dma source(%dma_start3A_147 : memref<320000x128xf32, #tpu.memory_space<hbm>>) target(%arg22 : memref<64x128xf32, #tpu.memory_space<vmem>>) offsets(%dma_start3A_144 : memref<64xi32, #tpu.memory_space<vmem>>) semaphore(%arg27 : memref<!tpu.dma_semaphore, #tpu.memory_space<semaphore_mem>>)
        %get3A = arith.constant 0 : index
        %get3A_148 = tpu.vector_load %arg14[%get3A] {strides = array<i32>} : memref<128xi32, #tpu.memory_space<vmem>>, vector<16xi32>,
        %swap3A = arith.constant 0 : index
        %swap3A_149 = tpu.vector_load %arg17[%swap3A] {strides = array<i32>} : memref<64xi32, #tpu.memory_space<vmem>>, vector<16xi32>,
        tpu.vector_store %arg17[%swap3A], %get3A_148 {strides = array<i32>} : memref<64xi32, #tpu.memory_space<vmem>>, vector<16xi32>,
        %add3A_150 = vector.broadcast %add3A_46 : i32 to vector<16xi32>
        %add3A_151 = arith.addi %get3A_148, %add3A_150 : vector<16xi32>
        %ge3A = arith.constant 80640 : i32
        %ge3A_152 = vector.broadcast %ge3A : i32 to vector<16xi32>
        %ge3A_153 = arith.cmpi sge, %add3A_151, %ge3A_152 : vector<16xi32>
        %jit3A = arith.constant 640 : i32
        %jit3A_154 = arith.constant 0 : i32
        %broadcast_in_dim3A_155 = vector.broadcast %jit3A : i32 to vector<16xi32>
        %broadcast_in_dim3A_156 = vector.broadcast %jit3A_154 : i32 to vector<16xi32>
        %select_n3A = arith.select %ge3A_153, %broadcast_in_dim3A_155, %broadcast_in_dim3A_156 : vector<16xi1>, vector<16xi32>
        %sub3A_157 = arith.subi %add3A_151, %select_n3A : vector<16xi32>
        %min3A = arith.constant 159999 : i32
        %min3A_158 = vector.broadcast %min3A : i32 to vector<16xi32>
        %min3A_159 = arith.minsi %sub3A_157, %min3A_158 : vector<16xi32>
        %swap3A_160 = arith.constant 0 : index
        %swap3A_161 = tpu.vector_load %arg18[%swap3A_160] {strides = array<i32>} : memref<64xi32, #tpu.memory_space<vmem>>, vector<16xi32>,
        tpu.vector_store %arg18[%swap3A_160], %min3A_159 {strides = array<i32>} : memref<64xi32, #tpu.memory_space<vmem>>, vector<16xi32>,
        %get3A_162 = arith.constant 16 : index
        %get3A_163 = tpu.vector_load %arg14[%get3A_162] {strides = array<i32>} : memref<128xi32, #tpu.memory_space<vmem>>, vector<16xi32>,
        %swap3A_164 = arith.constant 16 : index
        %swap3A_165 = tpu.vector_load %arg17[%swap3A_164] {strides = array<i32>} : memref<64xi32, #tpu.memory_space<vmem>>, vector<16xi32>,
        tpu.vector_store %arg17[%swap3A_164], %get3A_163 {strides = array<i32>} : memref<64xi32, #tpu.memory_space<vmem>>, vector<16xi32>,
        %add3A_166 = vector.broadcast %add3A_46 : i32 to vector<16xi32>
        %add3A_167 = arith.addi %get3A_163, %add3A_166 : vector<16xi32>
        %ge3A_168 = arith.constant 80640 : i32
        %ge3A_169 = vector.broadcast %ge3A_168 : i32 to vector<16xi32>
        %ge3A_170 = arith.cmpi sge, %add3A_167, %ge3A_169 : vector<16xi32>
        %jit3A_171 = arith.constant 640 : i32
        %jit3A_172 = arith.constant 0 : i32
        %broadcast_in_dim3A_173 = vector.broadcast %jit3A_171 : i32 to vector<16xi32>
        %broadcast_in_dim3A_174 = vector.broadcast %jit3A_172 : i32 to vector<16xi32>
        %select_n3A_175 = arith.select %ge3A_170, %broadcast_in_dim3A_173, %broadcast_in_dim3A_174 : vector<16xi1>, vector<16xi32>
        %sub3A_176 = arith.subi %add3A_167, %select_n3A_175 : vector<16xi32>
        %min3A_177 = arith.constant 159999 : i32
        %min3A_178 = vector.broadcast %min3A_177 : i32 to vector<16xi32>
        %min3A_179 = arith.minsi %sub3A_176, %min3A_178 : vector<16xi32>
        %swap3A_180 = arith.constant 16 : index
        %swap3A_181 = tpu.vector_load %arg18[%swap3A_180] {strides = array<i32>} : memref<64xi32, #tpu.memory_space<vmem>>, vector<16xi32>,
        tpu.vector_store %arg18[%swap3A_180], %min3A_179 {strides = array<i32>} : memref<64xi32, #tpu.memory_space<vmem>>, vector<16xi32>,
        %get3A_182 = arith.constant 32 : index
        %get3A_183 = tpu.vector_load %arg14[%get3A_182] {strides = array<i32>} : memref<128xi32, #tpu.memory_space<vmem>>, vector<16xi32>,
        %swap3A_184 = arith.constant 32 : index
        %swap3A_185 = tpu.vector_load %arg17[%swap3A_184] {strides = array<i32>} : memref<64xi32, #tpu.memory_space<vmem>>, vector<16xi32>,
        tpu.vector_store %arg17[%swap3A_184], %get3A_183 {strides = array<i32>} : memref<64xi32, #tpu.memory_space<vmem>>, vector<16xi32>,
        %add3A_186 = vector.broadcast %add3A_46 : i32 to vector<16xi32>
        %add3A_187 = arith.addi %get3A_183, %add3A_186 : vector<16xi32>
        %ge3A_188 = arith.constant 80640 : i32
        %ge3A_189 = vector.broadcast %ge3A_188 : i32 to vector<16xi32>
        %ge3A_190 = arith.cmpi sge, %add3A_187, %ge3A_189 : vector<16xi32>
        %jit3A_191 = arith.constant 640 : i32
        %jit3A_192 = arith.constant 0 : i32
        %broadcast_in_dim3A_193 = vector.broadcast %jit3A_191 : i32 to vector<16xi32>
        %broadcast_in_dim3A_194 = vector.broadcast %jit3A_192 : i32 to vector<16xi32>
        %select_n3A_195 = arith.select %ge3A_190, %broadcast_in_dim3A_193, %broadcast_in_dim3A_194 : vector<16xi1>, vector<16xi32>
        %sub3A_196 = arith.subi %add3A_187, %select_n3A_195 : vector<16xi32>
        %min3A_197 = arith.constant 159999 : i32
        %min3A_198 = vector.broadcast %min3A_197 : i32 to vector<16xi32>
        %min3A_199 = arith.minsi %sub3A_196, %min3A_198 : vector<16xi32>
        %swap3A_200 = arith.constant 32 : index
        %swap3A_201 = tpu.vector_load %arg18[%swap3A_200] {strides = array<i32>} : memref<64xi32, #tpu.memory_space<vmem>>, vector<16xi32>,
        tpu.vector_store %arg18[%swap3A_200], %min3A_199 {strides = array<i32>} : memref<64xi32, #tpu.memory_space<vmem>>, vector<16xi32>,
        %get3A_202 = arith.constant 48 : index
        %get3A_203 = tpu.vector_load %arg14[%get3A_202] {strides = array<i32>} : memref<128xi32, #tpu.memory_space<vmem>>, vector<16xi32>,
        %swap3A_204 = arith.constant 48 : index
        %swap3A_205 = tpu.vector_load %arg17[%swap3A_204] {strides = array<i32>} : memref<64xi32, #tpu.memory_space<vmem>>, vector<16xi32>,
        tpu.vector_store %arg17[%swap3A_204], %get3A_203 {strides = array<i32>} : memref<64xi32, #tpu.memory_space<vmem>>, vector<16xi32>,
        %add3A_206 = vector.broadcast %add3A_46 : i32 to vector<16xi32>
        %add3A_207 = arith.addi %get3A_203, %add3A_206 : vector<16xi32>
        %ge3A_208 = arith.constant 80640 : i32
        %ge3A_209 = vector.broadcast %ge3A_208 : i32 to vector<16xi32>
        %ge3A_210 = arith.cmpi sge, %add3A_207, %ge3A_209 : vector<16xi32>
        %jit3A_211 = arith.constant 640 : i32
        %jit3A_212 = arith.constant 0 : i32
        %broadcast_in_dim3A_213 = vector.broadcast %jit3A_211 : i32 to vector<16xi32>
        %broadcast_in_dim3A_214 = vector.broadcast %jit3A_212 : i32 to vector<16xi32>
        %select_n3A_215 = arith.select %ge3A_210, %broadcast_in_dim3A_213, %broadcast_in_dim3A_214 : vector<16xi1>, vector<16xi32>
        %sub3A_216 = arith.subi %add3A_207, %select_n3A_215 : vector<16xi32>
        %min3A_217 = arith.constant 159999 : i32
        %min3A_218 = vector.broadcast %min3A_217 : i32 to vector<16xi32>
        %min3A_219 = arith.minsi %sub3A_216, %min3A_218 : vector<16xi32>
        %swap3A_220 = arith.constant 48 : index
        %swap3A_221 = tpu.vector_load %arg18[%swap3A_220] {strides = array<i32>} : memref<64xi32, #tpu.memory_space<vmem>>, vector<16xi32>,
        tpu.vector_store %arg18[%swap3A_220], %min3A_219 {strides = array<i32>} : memref<64xi32, #tpu.memory_space<vmem>>, vector<16xi32>,
        %dma_start3A_222 = arith.constant 0 : i32
        %dma_start3A_223 = arith.constant 0 : i32
        %dma_start3A_224 = tpu.memref_slice %arg7[%dma_start3A_222, %dma_start3A_223] : memref<160000x128xf32, #tpu.memory_space<hbm>> -> memref<160000x128xf32, #tpu.memory_space<hbm>>
        tpu.enqueue_indirect_dma source(%dma_start3A_224 : memref<160000x128xf32, #tpu.memory_space<hbm>>) target(%arg21 : memref<64x128xf32, #tpu.memory_space<vmem>>) offsets(%arg18 : memref<64xi32, #tpu.memory_space<vmem>>) semaphore(%arg27 : memref<!tpu.dma_semaphore, #tpu.memory_space<semaphore_mem>>)
        %dma_wait3A = arith.constant 0 : i32
        %dma_wait3A_225 = tpu.memref_slice %arg15[%dma_wait3A] : memref<128xi32, #tpu.memory_space<vmem>> -> memref<64xi32, #tpu.memory_space<vmem>>
        %dma_wait3A_226 = arith.constant 0 : i32
        %dma_wait3A_227 = arith.constant 0 : i32
        %dma_wait3A_228 = tpu.memref_slice %arg5[%dma_wait3A_226, %dma_wait3A_227] : memref<160000x128xf32, #tpu.memory_space<hbm>> -> memref<160000x128xf32, #tpu.memory_space<hbm>>
        tpu.wait_indirect_dma semaphore(%arg27 : memref<!tpu.dma_semaphore, #tpu.memory_space<semaphore_mem>>) src(%dma_wait3A_228 : memref<160000x128xf32, #tpu.memory_space<hbm>>) dst(%arg19 : memref<64x128xf32, #tpu.memory_space<vmem>>)
        %dma_wait3A_229 = arith.constant 0 : i32
        %dma_wait3A_230 = tpu.memref_slice %arg16[%dma_wait3A_229] : memref<128xi32, #tpu.memory_space<vmem>> -> memref<64xi32, #tpu.memory_space<vmem>>
        %dma_wait3A_231 = arith.constant 0 : i32
        %dma_wait3A_232 = arith.constant 0 : i32
        %dma_wait3A_233 = tpu.memref_slice %arg6[%dma_wait3A_231, %dma_wait3A_232] : memref<160000x128xf32, #tpu.memory_space<hbm>> -> memref<160000x128xf32, #tpu.memory_space<hbm>>
        tpu.wait_indirect_dma semaphore(%arg27 : memref<!tpu.dma_semaphore, #tpu.memory_space<semaphore_mem>>) src(%dma_wait3A_233 : memref<160000x128xf32, #tpu.memory_space<hbm>>) dst(%arg20 : memref<64x128xf32, #tpu.memory_space<vmem>>)
        %dma_wait3A_234 = arith.constant 0 : i32
        %dma_wait3A_235 = arith.constant 0 : i32
        %dma_wait3A_236 = tpu.memref_slice %arg7[%dma_wait3A_234, %dma_wait3A_235] : memref<160000x128xf32, #tpu.memory_space<hbm>> -> memref<160000x128xf32, #tpu.memory_space<hbm>>
        tpu.wait_indirect_dma semaphore(%arg27 : memref<!tpu.dma_semaphore, #tpu.memory_space<semaphore_mem>>) src(%dma_wait3A_236 : memref<160000x128xf32, #tpu.memory_space<hbm>>) dst(%arg21 : memref<64x128xf32, #tpu.memory_space<vmem>>)
        %dma_wait3A_237 = arith.constant 0 : i32
        %dma_wait3A_238 = tpu.memref_slice %arg13[%dma_wait3A_237] : memref<128xi32, #tpu.memory_space<vmem>> -> memref<64xi32, #tpu.memory_space<vmem>>
        %dma_wait3A_239 = arith.constant 0 : i32
        %dma_wait3A_240 = arith.constant 0 : i32
        %dma_wait3A_241 = tpu.memref_slice %arg8[%dma_wait3A_239, %dma_wait3A_240] : memref<320000x128xf32, #tpu.memory_space<hbm>> -> memref<320000x128xf32, #tpu.memory_space<hbm>>
        tpu.wait_indirect_dma semaphore(%arg27 : memref<!tpu.dma_semaphore, #tpu.memory_space<semaphore_mem>>) src(%dma_wait3A_241 : memref<320000x128xf32, #tpu.memory_space<hbm>>) dst(%arg22 : memref<64x128xf32, #tpu.memory_space<vmem>>)
        %scan3A_242 = arith.constant 0 : i32
        %scan3A_243 = arith.constant 0 : i32
        %scan3A_244 = arith.constant 64 : i32
        %scan3A_245 = arith.addi %scan3A_243, %scan3A_244 : i32
        %scan3A_246 = arith.constant 1 : i32
        scf.for %scan3A_248 = %scan3A_243 to %scan3A_245 step %scan3A_246  : i32 {
          %get3A_249 = arith.index_cast %scan3A_248 : i32 to index
          %get3A_250 = arith.constant 0 : index
          %get3A_251 = tpu.vector_load %arg19[%get3A_249, %get3A_250] {strides = array<i32>} : memref<64x128xf32, #tpu.memory_space<vmem>>, vector<16xf32>,
          %get3A_252 = arith.index_cast %scan3A_248 : i32 to index
          %get3A_253 = arith.constant 0 : index
          %get3A_254 = tpu.vector_load %arg20[%get3A_252, %get3A_253] {strides = array<i32>} : memref<64x128xf32, #tpu.memory_space<vmem>>, vector<16xf32>,
          %add3A_255 = arith.addf %get3A_251, %get3A_254 : vector<16xf32>
          %get3A_256 = arith.index_cast %scan3A_248 : i32 to index
          %get3A_257 = arith.constant 0 : index
          %get3A_258 = tpu.vector_load %arg21[%get3A_256, %get3A_257] {strides = array<i32>} : memref<64x128xf32, #tpu.memory_space<vmem>>, vector<16xf32>,
          %add3A_259 = arith.addf %add3A_255, %get3A_258 : vector<16xf32>
          %get3A_260 = arith.index_cast %scan3A_248 : i32 to index
          %get3A_261 = arith.constant 0 : index
          %get3A_262 = tpu.vector_load %arg22[%get3A_260, %get3A_261] {strides = array<i32>} : memref<64x128xf32, #tpu.memory_space<vmem>>, vector<16xf32>,
          %add3A_263 = arith.addf %add3A_259, %get3A_262 : vector<16xf32>
          %neg3A = arith.constant 0.000000e+00 : f32
          %neg3A_264 = vector.broadcast %neg3A : f32 to vector<16xf32>
          %neg3A_265 = arith.subf %neg3A_264, %add3A_263 : vector<16xf32>
          %exp3A = math.exp %neg3A_265 : vector<16xf32>
          %add3A_266 = arith.constant 1.000000e+00 : f32
          %add3A_267 = vector.broadcast %add3A_266 : f32 to vector<16xf32>
          %add3A_268 = arith.addf %add3A_267, %exp3A : vector<16xf32>
          %div3A = arith.divf %add3A_263, %add3A_268 : vector<16xf32>
          %swap3A_269 = arith.index_cast %scan3A_248 : i32 to index
          %swap3A_270 = arith.constant 0 : index
          %swap3A_271 = tpu.vector_load %arg19[%swap3A_269, %swap3A_270] {strides = array<i32>} : memref<64x128xf32, #tpu.memory_space<vmem>>, vector<16xf32>,
          tpu.vector_store %arg19[%swap3A_269, %swap3A_270], %div3A {strides = array<i32>} : memref<64x128xf32, #tpu.memory_space<vmem>>, vector<16xf32>,
          %get3A_272 = arith.index_cast %scan3A_248 : i32 to index
          %get3A_273 = arith.constant 16 : index
          %get3A_274 = tpu.vector_load %arg19[%get3A_272, %get3A_273] {strides = array<i32>} : memref<64x128xf32, #tpu.memory_space<vmem>>, vector<16xf32>,
          %get3A_275 = arith.index_cast %scan3A_248 : i32 to index
          %get3A_276 = arith.constant 16 : index
          %get3A_277 = tpu.vector_load %arg20[%get3A_275, %get3A_276] {strides = array<i32>} : memref<64x128xf32, #tpu.memory_space<vmem>>, vector<16xf32>,
          %add3A_278 = arith.addf %get3A_274, %get3A_277 : vector<16xf32>
          %get3A_279 = arith.index_cast %scan3A_248 : i32 to index
          %get3A_280 = arith.constant 16 : index
          %get3A_281 = tpu.vector_load %arg21[%get3A_279, %get3A_280] {strides = array<i32>} : memref<64x128xf32, #tpu.memory_space<vmem>>, vector<16xf32>,
          %add3A_282 = arith.addf %add3A_278, %get3A_281 : vector<16xf32>
          %get3A_283 = arith.index_cast %scan3A_248 : i32 to index
          %get3A_284 = arith.constant 16 : index
          %get3A_285 = tpu.vector_load %arg22[%get3A_283, %get3A_284] {strides = array<i32>} : memref<64x128xf32, #tpu.memory_space<vmem>>, vector<16xf32>,
          %add3A_286 = arith.addf %add3A_282, %get3A_285 : vector<16xf32>
          %neg3A_287 = arith.constant 0.000000e+00 : f32
          %neg3A_288 = vector.broadcast %neg3A_287 : f32 to vector<16xf32>
          %neg3A_289 = arith.subf %neg3A_288, %add3A_286 : vector<16xf32>
          %exp3A_290 = math.exp %neg3A_289 : vector<16xf32>
          %add3A_291 = arith.constant 1.000000e+00 : f32
          %add3A_292 = vector.broadcast %add3A_291 : f32 to vector<16xf32>
          %add3A_293 = arith.addf %add3A_292, %exp3A_290 : vector<16xf32>
          %div3A_294 = arith.divf %add3A_286, %add3A_293 : vector<16xf32>
          %swap3A_295 = arith.index_cast %scan3A_248 : i32 to index
          %swap3A_296 = arith.constant 16 : index
          %swap3A_297 = tpu.vector_load %arg19[%swap3A_295, %swap3A_296] {strides = array<i32>} : memref<64x128xf32, #tpu.memory_space<vmem>>, vector<16xf32>,
          tpu.vector_store %arg19[%swap3A_295, %swap3A_296], %div3A_294 {strides = array<i32>} : memref<64x128xf32, #tpu.memory_space<vmem>>, vector<16xf32>,
          %get3A_298 = arith.index_cast %scan3A_248 : i32 to index
          %get3A_299 = arith.constant 32 : index
          %get3A_300 = tpu.vector_load %arg19[%get3A_298, %get3A_299] {strides = array<i32>} : memref<64x128xf32, #tpu.memory_space<vmem>>, vector<16xf32>,
          %get3A_301 = arith.index_cast %scan3A_248 : i32 to index
          %get3A_302 = arith.constant 32 : index
          %get3A_303 = tpu.vector_load %arg20[%get3A_301, %get3A_302] {strides = array<i32>} : memref<64x128xf32, #tpu.memory_space<vmem>>, vector<16xf32>,
          %add3A_304 = arith.addf %get3A_300, %get3A_303 : vector<16xf32>
          %get3A_305 = arith.index_cast %scan3A_248 : i32 to index
          %get3A_306 = arith.constant 32 : index
          %get3A_307 = tpu.vector_load %arg21[%get3A_305, %get3A_306] {strides = array<i32>} : memref<64x128xf32, #tpu.memory_space<vmem>>, vector<16xf32>,
          %add3A_308 = arith.addf %add3A_304, %get3A_307 : vector<16xf32>
          %get3A_309 = arith.index_cast %scan3A_248 : i32 to index
          %get3A_310 = arith.constant 32 : index
          %get3A_311 = tpu.vector_load %arg22[%get3A_309, %get3A_310] {strides = array<i32>} : memref<64x128xf32, #tpu.memory_space<vmem>>, vector<16xf32>,
          %add3A_312 = arith.addf %add3A_308, %get3A_311 : vector<16xf32>
          %neg3A_313 = arith.constant 0.000000e+00 : f32
          %neg3A_314 = vector.broadcast %neg3A_313 : f32 to vector<16xf32>
          %neg3A_315 = arith.subf %neg3A_314, %add3A_312 : vector<16xf32>
          %exp3A_316 = math.exp %neg3A_315 : vector<16xf32>
          %add3A_317 = arith.constant 1.000000e+00 : f32
          %add3A_318 = vector.broadcast %add3A_317 : f32 to vector<16xf32>
          %add3A_319 = arith.addf %add3A_318, %exp3A_316 : vector<16xf32>
          %div3A_320 = arith.divf %add3A_312, %add3A_319 : vector<16xf32>
          %swap3A_321 = arith.index_cast %scan3A_248 : i32 to index
          %swap3A_322 = arith.constant 32 : index
          %swap3A_323 = tpu.vector_load %arg19[%swap3A_321, %swap3A_322] {strides = array<i32>} : memref<64x128xf32, #tpu.memory_space<vmem>>, vector<16xf32>,
          tpu.vector_store %arg19[%swap3A_321, %swap3A_322], %div3A_320 {strides = array<i32>} : memref<64x128xf32, #tpu.memory_space<vmem>>, vector<16xf32>,
          %get3A_324 = arith.index_cast %scan3A_248 : i32 to index
          %get3A_325 = arith.constant 48 : index
          %get3A_326 = tpu.vector_load %arg19[%get3A_324, %get3A_325] {strides = array<i32>} : memref<64x128xf32, #tpu.memory_space<vmem>>, vector<16xf32>,
          %get3A_327 = arith.index_cast %scan3A_248 : i32 to index
          %get3A_328 = arith.constant 48 : index
          %get3A_329 = tpu.vector_load %arg20[%get3A_327, %get3A_328] {strides = array<i32>} : memref<64x128xf32, #tpu.memory_space<vmem>>, vector<16xf32>,
          %add3A_330 = arith.addf %get3A_326, %get3A_329 : vector<16xf32>
          %get3A_331 = arith.index_cast %scan3A_248 : i32 to index
          %get3A_332 = arith.constant 48 : index
          %get3A_333 = tpu.vector_load %arg21[%get3A_331, %get3A_332] {strides = array<i32>} : memref<64x128xf32, #tpu.memory_space<vmem>>, vector<16xf32>,
          %add3A_334 = arith.addf %add3A_330, %get3A_333 : vector<16xf32>
          %get3A_335 = arith.index_cast %scan3A_248 : i32 to index
          %get3A_336 = arith.constant 48 : index
          %get3A_337 = tpu.vector_load %arg22[%get3A_335, %get3A_336] {strides = array<i32>} : memref<64x128xf32, #tpu.memory_space<vmem>>, vector<16xf32>,
          %add3A_338 = arith.addf %add3A_334, %get3A_337 : vector<16xf32>
          %neg3A_339 = arith.constant 0.000000e+00 : f32
          %neg3A_340 = vector.broadcast %neg3A_339 : f32 to vector<16xf32>
          %neg3A_341 = arith.subf %neg3A_340, %add3A_338 : vector<16xf32>
          %exp3A_342 = math.exp %neg3A_341 : vector<16xf32>
          %add3A_343 = arith.constant 1.000000e+00 : f32
          %add3A_344 = vector.broadcast %add3A_343 : f32 to vector<16xf32>
          %add3A_345 = arith.addf %add3A_344, %exp3A_342 : vector<16xf32>
          %div3A_346 = arith.divf %add3A_338, %add3A_345 : vector<16xf32>
          %swap3A_347 = arith.index_cast %scan3A_248 : i32 to index
          %swap3A_348 = arith.constant 48 : index
          %swap3A_349 = tpu.vector_load %arg19[%swap3A_347, %swap3A_348] {strides = array<i32>} : memref<64x128xf32, #tpu.memory_space<vmem>>, vector<16xf32>,
          tpu.vector_store %arg19[%swap3A_347, %swap3A_348], %div3A_346 {strides = array<i32>} : memref<64x128xf32, #tpu.memory_space<vmem>>, vector<16xf32>,
          %get3A_350 = arith.index_cast %scan3A_248 : i32 to index
          %get3A_351 = arith.constant 64 : index
          %get3A_352 = tpu.vector_load %arg19[%get3A_350, %get3A_351] {strides = array<i32>} : memref<64x128xf32, #tpu.memory_space<vmem>>, vector<16xf32>,
          %get3A_353 = arith.index_cast %scan3A_248 : i32 to index
          %get3A_354 = arith.constant 64 : index
          %get3A_355 = tpu.vector_load %arg20[%get3A_353, %get3A_354] {strides = array<i32>} : memref<64x128xf32, #tpu.memory_space<vmem>>, vector<16xf32>,
          %add3A_356 = arith.addf %get3A_352, %get3A_355 : vector<16xf32>
          %get3A_357 = arith.index_cast %scan3A_248 : i32 to index
          %get3A_358 = arith.constant 64 : index
          %get3A_359 = tpu.vector_load %arg21[%get3A_357, %get3A_358] {strides = array<i32>} : memref<64x128xf32, #tpu.memory_space<vmem>>, vector<16xf32>,
          %add3A_360 = arith.addf %add3A_356, %get3A_359 : vector<16xf32>
          %get3A_361 = arith.index_cast %scan3A_248 : i32 to index
          %get3A_362 = arith.constant 64 : index
          %get3A_363 = tpu.vector_load %arg22[%get3A_361, %get3A_362] {strides = array<i32>} : memref<64x128xf32, #tpu.memory_space<vmem>>, vector<16xf32>,
          %add3A_364 = arith.addf %add3A_360, %get3A_363 : vector<16xf32>
          %neg3A_365 = arith.constant 0.000000e+00 : f32
          %neg3A_366 = vector.broadcast %neg3A_365 : f32 to vector<16xf32>
          %neg3A_367 = arith.subf %neg3A_366, %add3A_364 : vector<16xf32>
          %exp3A_368 = math.exp %neg3A_367 : vector<16xf32>
          %add3A_369 = arith.constant 1.000000e+00 : f32
          %add3A_370 = vector.broadcast %add3A_369 : f32 to vector<16xf32>
          %add3A_371 = arith.addf %add3A_370, %exp3A_368 : vector<16xf32>
          %div3A_372 = arith.divf %add3A_364, %add3A_371 : vector<16xf32>
          %swap3A_373 = arith.index_cast %scan3A_248 : i32 to index
          %swap3A_374 = arith.constant 64 : index
          %swap3A_375 = tpu.vector_load %arg19[%swap3A_373, %swap3A_374] {strides = array<i32>} : memref<64x128xf32, #tpu.memory_space<vmem>>, vector<16xf32>,
          tpu.vector_store %arg19[%swap3A_373, %swap3A_374], %div3A_372 {strides = array<i32>} : memref<64x128xf32, #tpu.memory_space<vmem>>, vector<16xf32>,
          %get3A_376 = arith.index_cast %scan3A_248 : i32 to index
          %get3A_377 = arith.constant 80 : index
          %get3A_378 = tpu.vector_load %arg19[%get3A_376, %get3A_377] {strides = array<i32>} : memref<64x128xf32, #tpu.memory_space<vmem>>, vector<16xf32>,
          %get3A_379 = arith.index_cast %scan3A_248 : i32 to index
          %get3A_380 = arith.constant 80 : index
          %get3A_381 = tpu.vector_load %arg20[%get3A_379, %get3A_380] {strides = array<i32>} : memref<64x128xf32, #tpu.memory_space<vmem>>, vector<16xf32>,
          %add3A_382 = arith.addf %get3A_378, %get3A_381 : vector<16xf32>
          %get3A_383 = arith.index_cast %scan3A_248 : i32 to index
          %get3A_384 = arith.constant 80 : index
          %get3A_385 = tpu.vector_load %arg21[%get3A_383, %get3A_384] {strides = array<i32>} : memref<64x128xf32, #tpu.memory_space<vmem>>, vector<16xf32>,
          %add3A_386 = arith.addf %add3A_382, %get3A_385 : vector<16xf32>
          %get3A_387 = arith.index_cast %scan3A_248 : i32 to index
          %get3A_388 = arith.constant 80 : index
          %get3A_389 = tpu.vector_load %arg22[%get3A_387, %get3A_388] {strides = array<i32>} : memref<64x128xf32, #tpu.memory_space<vmem>>, vector<16xf32>,
          %add3A_390 = arith.addf %add3A_386, %get3A_389 : vector<16xf32>
          %neg3A_391 = arith.constant 0.000000e+00 : f32
          %neg3A_392 = vector.broadcast %neg3A_391 : f32 to vector<16xf32>
          %neg3A_393 = arith.subf %neg3A_392, %add3A_390 : vector<16xf32>
          %exp3A_394 = math.exp %neg3A_393 : vector<16xf32>
          %add3A_395 = arith.constant 1.000000e+00 : f32
          %add3A_396 = vector.broadcast %add3A_395 : f32 to vector<16xf32>
          %add3A_397 = arith.addf %add3A_396, %exp3A_394 : vector<16xf32>
          %div3A_398 = arith.divf %add3A_390, %add3A_397 : vector<16xf32>
          %swap3A_399 = arith.index_cast %scan3A_248 : i32 to index
          %swap3A_400 = arith.constant 80 : index
          %swap3A_401 = tpu.vector_load %arg19[%swap3A_399, %swap3A_400] {strides = array<i32>} : memref<64x128xf32, #tpu.memory_space<vmem>>, vector<16xf32>,
          tpu.vector_store %arg19[%swap3A_399, %swap3A_400], %div3A_398 {strides = array<i32>} : memref<64x128xf32, #tpu.memory_space<vmem>>, vector<16xf32>,
          %get3A_402 = arith.index_cast %scan3A_248 : i32 to index
          %get3A_403 = arith.constant 96 : index
          %get3A_404 = tpu.vector_load %arg19[%get3A_402, %get3A_403] {strides = array<i32>} : memref<64x128xf32, #tpu.memory_space<vmem>>, vector<16xf32>,
          %get3A_405 = arith.index_cast %scan3A_248 : i32 to index
          %get3A_406 = arith.constant 96 : index
          %get3A_407 = tpu.vector_load %arg20[%get3A_405, %get3A_406] {strides = array<i32>} : memref<64x128xf32, #tpu.memory_space<vmem>>, vector<16xf32>,
          %add3A_408 = arith.addf %get3A_404, %get3A_407 : vector<16xf32>
          %get3A_409 = arith.index_cast %scan3A_248 : i32 to index
          %get3A_410 = arith.constant 96 : index
          %get3A_411 = tpu.vector_load %arg21[%get3A_409, %get3A_410] {strides = array<i32>} : memref<64x128xf32, #tpu.memory_space<vmem>>, vector<16xf32>,
          %add3A_412 = arith.addf %add3A_408, %get3A_411 : vector<16xf32>
          %get3A_413 = arith.index_cast %scan3A_248 : i32 to index
          %get3A_414 = arith.constant 96 : index
          %get3A_415 = tpu.vector_load %arg22[%get3A_413, %get3A_414] {strides = array<i32>} : memref<64x128xf32, #tpu.memory_space<vmem>>, vector<16xf32>,
          %add3A_416 = arith.addf %add3A_412, %get3A_415 : vector<16xf32>
          %neg3A_417 = arith.constant 0.000000e+00 : f32
          %neg3A_418 = vector.broadcast %neg3A_417 : f32 to vector<16xf32>
          %neg3A_419 = arith.subf %neg3A_418, %add3A_416 : vector<16xf32>
          %exp3A_420 = math.exp %neg3A_419 : vector<16xf32>
          %add3A_421 = arith.constant 1.000000e+00 : f32
          %add3A_422 = vector.broadcast %add3A_421 : f32 to vector<16xf32>
          %add3A_423 = arith.addf %add3A_422, %exp3A_420 : vector<16xf32>
          %div3A_424 = arith.divf %add3A_416, %add3A_423 : vector<16xf32>
          %swap3A_425 = arith.index_cast %scan3A_248 : i32 to index
          %swap3A_426 = arith.constant 96 : index
          %swap3A_427 = tpu.vector_load %arg19[%swap3A_425, %swap3A_426] {strides = array<i32>} : memref<64x128xf32, #tpu.memory_space<vmem>>, vector<16xf32>,
          tpu.vector_store %arg19[%swap3A_425, %swap3A_426], %div3A_424 {strides = array<i32>} : memref<64x128xf32, #tpu.memory_space<vmem>>, vector<16xf32>,
          %get3A_428 = arith.index_cast %scan3A_248 : i32 to index
          %get3A_429 = arith.constant 112 : index
          %get3A_430 = tpu.vector_load %arg19[%get3A_428, %get3A_429] {strides = array<i32>} : memref<64x128xf32, #tpu.memory_space<vmem>>, vector<16xf32>,
          %get3A_431 = arith.index_cast %scan3A_248 : i32 to index
          %get3A_432 = arith.constant 112 : index
          %get3A_433 = tpu.vector_load %arg20[%get3A_431, %get3A_432] {strides = array<i32>} : memref<64x128xf32, #tpu.memory_space<vmem>>, vector<16xf32>,
          %add3A_434 = arith.addf %get3A_430, %get3A_433 : vector<16xf32>
          %get3A_435 = arith.index_cast %scan3A_248 : i32 to index
          %get3A_436 = arith.constant 112 : index
          %get3A_437 = tpu.vector_load %arg21[%get3A_435, %get3A_436] {strides = array<i32>} : memref<64x128xf32, #tpu.memory_space<vmem>>, vector<16xf32>,
          %add3A_438 = arith.addf %add3A_434, %get3A_437 : vector<16xf32>
          %get3A_439 = arith.index_cast %scan3A_248 : i32 to index
          %get3A_440 = arith.constant 112 : index
          %get3A_441 = tpu.vector_load %arg22[%get3A_439, %get3A_440] {strides = array<i32>} : memref<64x128xf32, #tpu.memory_space<vmem>>, vector<16xf32>,
          %add3A_442 = arith.addf %add3A_438, %get3A_441 : vector<16xf32>
          %neg3A_443 = arith.constant 0.000000e+00 : f32
          %neg3A_444 = vector.broadcast %neg3A_443 : f32 to vector<16xf32>
          %neg3A_445 = arith.subf %neg3A_444, %add3A_442 : vector<16xf32>
          %exp3A_446 = math.exp %neg3A_445 : vector<16xf32>
          %add3A_447 = arith.constant 1.000000e+00 : f32
          %add3A_448 = vector.broadcast %add3A_447 : f32 to vector<16xf32>
          %add3A_449 = arith.addf %add3A_448, %exp3A_446 : vector<16xf32>
          %div3A_450 = arith.divf %add3A_442, %add3A_449 : vector<16xf32>
          %swap3A_451 = arith.index_cast %scan3A_248 : i32 to index
          %swap3A_452 = arith.constant 112 : index
          %swap3A_453 = tpu.vector_load %arg19[%swap3A_451, %swap3A_452] {strides = array<i32>} : memref<64x128xf32, #tpu.memory_space<vmem>>, vector<16xf32>,
          tpu.vector_store %arg19[%swap3A_451, %swap3A_452], %div3A_450 {strides = array<i32>} : memref<64x128xf32, #tpu.memory_space<vmem>>, vector<16xf32>,
        }
        %scan3A_247 = arith.constant 64 : i32
        "tpu.region"() ({
          %run_scoped3A = tpu.sem_alloc : memref<!tpu.dma_semaphore, #tpu.memory_space<semaphore_mem>>
          %dma_start3A_248 = arith.constant 0 : i32
          %dma_start3A_249 = arith.constant 0 : i32
          %dma_start3A_250 = tpu.memref_slice %arg25[%dma_start3A_248, %dma_start3A_249] : memref<8968x128xf32, #tpu.memory_space<vmem_shared>> -> memref<8968x128xf32, #tpu.memory_space<vmem_shared>>
          tpu.enqueue_indirect_dma source(%arg19 : memref<64x128xf32, #tpu.memory_space<vmem>>) target(%dma_start3A_250 : memref<8968x128xf32, #tpu.memory_space<vmem_shared>>) offsets(%arg17 : memref<64xi32, #tpu.memory_space<vmem>>) semaphore(%run_scoped3A : memref<!tpu.dma_semaphore, #tpu.memory_space<semaphore_mem>>) {add = true}
          %dma_wait3A_251 = arith.constant 0 : i32
          %dma_wait3A_252 = arith.constant 0 : i32
          %dma_wait3A_253 = tpu.memref_slice %arg25[%dma_wait3A_251, %dma_wait3A_252] : memref<8968x128xf32, #tpu.memory_space<vmem_shared>> -> memref<8968x128xf32, #tpu.memory_space<vmem_shared>>
          tpu.wait_indirect_dma semaphore(%run_scoped3A : memref<!tpu.dma_semaphore, #tpu.memory_space<semaphore_mem>>) src(%arg19 : memref<64x128xf32, #tpu.memory_space<vmem>>) dst(%dma_wait3A_253 : memref<8968x128xf32, #tpu.memory_space<vmem_shared>>)
          tpu.yield
        }) : () -> ()
      } else {
      }
      %barrier3A_108 = arith.constant 0 : index
      tpu.barrier barrier_id(%barrier3A_108)
      %mul3A_109 = arith.constant 560 : i32
      %mul3A_110 = arith.muli %arg1, %mul3A_109 : i32
      %add3A_111 = arith.addi %add3A_46, %mul3A_110 : i32
      %multiple_of3A_112 = tpu.assume_multiple %add3A_111, 8 : i32
      %mul3A_113 = arith.constant 560 : i32
      %mul3A_114 = arith.muli %arg1, %mul3A_113 : i32
      %multiple_of3A_115 = tpu.assume_multiple %mul3A_114, 8 : i32
      "tpu.region"() ({
        %run_scoped3A = tpu.sem_alloc : memref<!tpu.dma_semaphore, #tpu.memory_space<semaphore_mem>>
        %dma_start3A_117 = arith.constant 0 : i32
        %dma_start3A_118 = tpu.memref_slice %arg9[%multiple_of3A_112, %dma_start3A_117] : memref<161280x128xf32, #tpu.memory_space<hbm>> -> memref<560x128xf32, #tpu.memory_space<hbm>>
        %dma_start3A_119 = arith.constant 0 : i32
        %dma_start3A_120 = tpu.memref_slice %arg25[%multiple_of3A_115, %dma_start3A_119] : memref<8968x128xf32, #tpu.memory_space<vmem_shared>> -> memref<560x128xf32, #tpu.memory_space<vmem_shared>>
        tpu.enqueue_dma source(%dma_start3A_120 : memref<560x128xf32, #tpu.memory_space<vmem_shared>>) target(%dma_start3A_118 : memref<560x128xf32, #tpu.memory_space<hbm>>) target_semaphore(%run_scoped3A : memref<!tpu.dma_semaphore, #tpu.memory_space<semaphore_mem>>)
        %dma_wait3A = arith.constant 0 : i32
        %dma_wait3A_121 = tpu.memref_slice %arg9[%multiple_of3A_112, %dma_wait3A] : memref<161280x128xf32, #tpu.memory_space<hbm>> -> memref<560x128xf32, #tpu.memory_space<hbm>>
        %dma_wait3A_122 = arith.constant 0 : i32
        %dma_wait3A_123 = tpu.memref_slice %arg25[%multiple_of3A_115, %dma_wait3A_122] : memref<8968x128xf32, #tpu.memory_space<vmem_shared>> -> memref<560x128xf32, #tpu.memory_space<vmem_shared>>
        tpu.wait_dma2 semaphore(%run_scoped3A : memref<!tpu.dma_semaphore, #tpu.memory_space<semaphore_mem>>) src(%dma_wait3A_123 : memref<560x128xf32, #tpu.memory_space<vmem_shared>>) dst(%dma_wait3A_121 : memref<560x128xf32, #tpu.memory_space<hbm>>)
        tpu.yield
      }) : () -> ()
      %barrier3A_116 = arith.constant 0 : index
      tpu.barrier barrier_id(%barrier3A_116)
    }
    %scan3A_42 = arith.constant 9 : i32
    return
  }
}

module attributes {stable_mosaic.version = 14 : i64} {
  func.func @_proj_body(%arg0: i32, %arg1: memref<2000x128xf32, #tpu.memory_space<vmem>>, %arg2: memref<128x384xf32, #tpu.memory_space<vmem>>, %arg3: memref<2000x128xf32, #tpu.memory_space<vmem>>, %arg4: memref<2000x128xf32, #tpu.memory_space<vmem>>, %arg5: memref<2000x128xf32, #tpu.memory_space<vmem>>) attributes {dimension_semantics = [#tpu.dimension_semantics<arbitrary>], iteration_bounds = array<i64: 80>, scalar_prefetch = 0 : i64, scratch_operands = 0 : i64, tpu.core_type = #tpu.core_type<tc>, window_params = [{transform_indices = @transform_0, window_bounds = array<i64: 2000, 128>}, {pipeline_mode = #tpu.pipeline_mode<synchronous>, transform_indices = @transform_1, window_bounds = array<i64: 128, 384>}, {transform_indices = @transform_2, window_bounds = array<i64: 2000, 128>}, {transform_indices = @transform_3, window_bounds = array<i64: 2000, 128>}, {transform_indices = @transform_4, window_bounds = array<i64: 2000, 128>}]} {
    %get3A = arith.constant 0 : index
    %get3A_0 = arith.constant 0 : index
    %get3A_1 = vector.load %arg1[%get3A, %get3A_0] : memref<2000x128xf32, #tpu.memory_space<vmem>>, vector<2000x128xf32>
    %get3A_2 = arith.constant 0 : index
    %get3A_3 = arith.constant 0 : index
    %get3A_4 = vector.load %arg2[%get3A_2, %get3A_3] : memref<128x384xf32, #tpu.memory_space<vmem>>, vector<128x384xf32>
    %dot_general3A = arith.constant dense<0.000000e+00> : vector<2000x384xf32>
    %dot_general3A_5 = tpu.matmul %get3A_1, %get3A_4, %dot_general3A {dimension_numbers = #tpu.dot_dimension_numbers<[1], [0], [0], [1], [0, 0, 1, 1], [], []>, transpose_lhs_hint = false} : vector<2000x128xf32>, vector<128x384xf32>, vector<2000x384xf32> -> vector<2000x384xf32>
    %slice3A = vector.extract_strided_slice %dot_general3A_5 {offsets = [0, 0], sizes = [2000, 128], strides = [1, 1]} : vector<2000x384xf32> to vector<2000x128xf32>
    %swap3A = arith.constant 0 : index
    %swap3A_6 = arith.constant 0 : index
    %swap3A_7 = vector.load %arg3[%swap3A, %swap3A_6] : memref<2000x128xf32, #tpu.memory_space<vmem>>, vector<2000x128xf32>
    tpu.vector_store %arg3[%swap3A, %swap3A_6], %slice3A {strides = array<i32>} : memref<2000x128xf32, #tpu.memory_space<vmem>>, vector<2000x128xf32>,
    %slice3A_8 = vector.extract_strided_slice %dot_general3A_5 {offsets = [0, 128], sizes = [2000, 128], strides = [1, 1]} : vector<2000x384xf32> to vector<2000x128xf32>
    %swap3A_9 = arith.constant 0 : index
    %swap3A_10 = arith.constant 0 : index
    %swap3A_11 = vector.load %arg4[%swap3A_9, %swap3A_10] : memref<2000x128xf32, #tpu.memory_space<vmem>>, vector<2000x128xf32>
    tpu.vector_store %arg4[%swap3A_9, %swap3A_10], %slice3A_8 {strides = array<i32>} : memref<2000x128xf32, #tpu.memory_space<vmem>>, vector<2000x128xf32>,
    %slice3A_12 = vector.extract_strided_slice %dot_general3A_5 {offsets = [0, 256], sizes = [2000, 128], strides = [1, 1]} : vector<2000x384xf32> to vector<2000x128xf32>
    %swap3A_13 = arith.constant 0 : index
    %swap3A_14 = arith.constant 0 : index
    %swap3A_15 = vector.load %arg5[%swap3A_13, %swap3A_14] : memref<2000x128xf32, #tpu.memory_space<vmem>>, vector<2000x128xf32>
    tpu.vector_store %arg5[%swap3A_13, %swap3A_14], %slice3A_12 {strides = array<i32>} : memref<2000x128xf32, #tpu.memory_space<vmem>>, vector<2000x128xf32>,
    return
  }
  func.func @transform_0(%arg0: i32) -> (i32, i32) {
    %c0_i32 = arith.constant 0 : i32
    %c0_i32_0 = arith.constant 0 : i32
    return %arg0, %c0_i32 : i32, i32
  }
  func.func @transform_1(%arg0: i32) -> (i32, i32) {
    %c0_i32 = arith.constant 0 : i32
    %c0_i32_0 = arith.constant 0 : i32
    %c0_i32_1 = arith.constant 0 : i32
    return %c0_i32, %c0_i32_0 : i32, i32
  }
  func.func @transform_2(%arg0: i32) -> (i32, i32) {
    %c0_i32 = arith.constant 0 : i32
    %c0_i32_0 = arith.constant 0 : i32
    return %arg0, %c0_i32 : i32, i32
  }
  func.func @transform_3(%arg0: i32) -> (i32, i32) {
    %c0_i32 = arith.constant 0 : i32
    %c0_i32_0 = arith.constant 0 : i32
    return %arg0, %c0_i32 : i32, i32
  }
  func.func @transform_4(%arg0: i32) -> (i32, i32) {
    %c0_i32 = arith.constant 0 : i32
    %c0_i32_0 = arith.constant 0 : i32
    return %arg0, %c0_i32 : i32, i32
  }
}

module attributes {stable_mosaic.version = 14 : i64} {
  func.func @_gp_body(%arg0: i32, %arg1: memref<4000x4xf32, #tpu.memory_space<vmem>>, %arg2: memref<4x128xf32, #tpu.memory_space<vmem>>, %arg3: memref<128xf32, #tpu.memory_space<vmem>>, %arg4: memref<4000x128xf32, #tpu.memory_space<vmem>>) attributes {dimension_semantics = [#tpu.dimension_semantics<arbitrary>], iteration_bounds = array<i64: 80>, scalar_prefetch = 0 : i64, scratch_operands = 0 : i64, tpu.core_type = #tpu.core_type<tc>, window_params = [{transform_indices = @transform_0, window_bounds = array<i64: 4000, 4>}, {pipeline_mode = #tpu.pipeline_mode<synchronous>, transform_indices = @transform_1, window_bounds = array<i64: 4, 128>}, {pipeline_mode = #tpu.pipeline_mode<synchronous>, transform_indices = @transform_2, window_bounds = array<i64: 128>}, {transform_indices = @transform_3, window_bounds = array<i64: 4000, 128>}]} {
    %get3A = arith.constant 0 : index
    %get3A_0 = arith.constant 0 : index
    %get3A_1 = vector.load %arg1[%get3A, %get3A_0] : memref<4000x4xf32, #tpu.memory_space<vmem>>, vector<4000x4xf32>
    %get3A_2 = arith.constant 0 : index
    %get3A_3 = arith.constant 0 : index
    %get3A_4 = vector.load %arg2[%get3A_2, %get3A_3] : memref<4x128xf32, #tpu.memory_space<vmem>>, vector<4x128xf32>
    %dot_general3A = arith.constant dense<0.000000e+00> : vector<4000x128xf32>
    %dot_general3A_5 = tpu.matmul %get3A_1, %get3A_4, %dot_general3A {dimension_numbers = #tpu.dot_dimension_numbers<[1], [0], [0], [1], [0, 0, 1, 1], [], []>, transpose_lhs_hint = false} : vector<4000x4xf32>, vector<4x128xf32>, vector<4000x128xf32> -> vector<4000x128xf32>
    %get3A_6 = arith.constant 0 : index
    %get3A_7 = vector.load %arg3[%get3A_6] : memref<128xf32, #tpu.memory_space<vmem>>, vector<128xf32>
    %broadcast_in_dim3A = vector.shape_cast %get3A_7 : vector<128xf32> to vector<1x128xf32>
    %add3A = vector.broadcast %broadcast_in_dim3A : vector<1x128xf32> to vector<4000x128xf32>
    %add3A_8 = arith.addf %dot_general3A_5, %add3A : vector<4000x128xf32>
    %swap3A = arith.constant 0 : index
    %swap3A_9 = arith.constant 0 : index
    %swap3A_10 = vector.load %arg4[%swap3A, %swap3A_9] : memref<4000x128xf32, #tpu.memory_space<vmem>>, vector<4000x128xf32>
    tpu.vector_store %arg4[%swap3A, %swap3A_9], %add3A_8 {strides = array<i32>} : memref<4000x128xf32, #tpu.memory_space<vmem>>, vector<4000x128xf32>,
    return
  }
  func.func @transform_0(%arg0: i32) -> (i32, i32) {
    %c0_i32 = arith.constant 0 : i32
    %c0_i32_0 = arith.constant 0 : i32
    return %arg0, %c0_i32 : i32, i32
  }
  func.func @transform_1(%arg0: i32) -> (i32, i32) {
    %c0_i32 = arith.constant 0 : i32
    %c0_i32_0 = arith.constant 0 : i32
    %c0_i32_1 = arith.constant 0 : i32
    return %c0_i32, %c0_i32_0 : i32, i32
  }
  func.func @transform_2(%arg0: i32) -> i32 {
    %c0_i32 = arith.constant 0 : i32
    %c0_i32_0 = arith.constant 0 : i32
    return %c0_i32 : i32
  }
  func.func @transform_3(%arg0: i32) -> (i32, i32) {
    %c0_i32 = arith.constant 0 : i32
    %c0_i32_0 = arith.constant 0 : i32
    return %arg0, %c0_i32 : i32, i32
  }
}

module attributes {stable_mosaic.version = 14 : i64} {
  func.func @_final_body(%arg0: i32, %arg1: memref<640x128xf32, #tpu.memory_space<vmem>>, %arg2: memref<640x128xf32, #tpu.memory_space<vmem>>, %arg3: memref<128x128xf32, #tpu.memory_space<vmem>>, %arg4: memref<128x128xf32, #tpu.memory_space<vmem>>, %arg5: memref<128x128xf32, #tpu.memory_space<vmem>>, %arg6: memref<128xf32, #tpu.memory_space<vmem>>, %arg7: memref<128x128xf32, #tpu.memory_space<vmem>>, %arg8: memref<128xf32, #tpu.memory_space<vmem>>, %arg9: memref<640x128xf32, #tpu.memory_space<vmem>>) attributes {dimension_semantics = [#tpu.dimension_semantics<arbitrary>], iteration_bounds = array<i64: 250>, scalar_prefetch = 0 : i64, scratch_operands = 0 : i64, tpu.core_type = #tpu.core_type<tc>, window_params = [{transform_indices = @transform_0, window_bounds = array<i64: 640, 128>}, {transform_indices = @transform_1, window_bounds = array<i64: 640, 128>}, {pipeline_mode = #tpu.pipeline_mode<synchronous>, transform_indices = @transform_2, window_bounds = array<i64: 128, 128>}, {pipeline_mode = #tpu.pipeline_mode<synchronous>, transform_indices = @transform_3, window_bounds = array<i64: 128, 128>}, {pipeline_mode = #tpu.pipeline_mode<synchronous>, transform_indices = @transform_4, window_bounds = array<i64: 128, 128>}, {pipeline_mode = #tpu.pipeline_mode<synchronous>, transform_indices = @transform_5, window_bounds = array<i64: 128>}, {pipeline_mode = #tpu.pipeline_mode<synchronous>, transform_indices = @transform_6, window_bounds = array<i64: 128, 128>}, {pipeline_mode = #tpu.pipeline_mode<synchronous>, transform_indices = @transform_7, window_bounds = array<i64: 128>}, {transform_indices = @transform_8, window_bounds = array<i64: 640, 128>}]} {
    %get3A = arith.constant 0 : index
    %get3A_0 = arith.constant 0 : index
    %get3A_1 = vector.load %arg1[%get3A, %get3A_0] : memref<640x128xf32, #tpu.memory_space<vmem>>, vector<640x128xf32>
    %get3A_2 = arith.constant 0 : index
    %get3A_3 = arith.constant 0 : index
    %get3A_4 = vector.load %arg2[%get3A_2, %get3A_3] : memref<640x128xf32, #tpu.memory_space<vmem>>, vector<640x128xf32>
    %get3A_5 = arith.constant 0 : index
    %get3A_6 = arith.constant 0 : index
    %get3A_7 = vector.load %arg3[%get3A_5, %get3A_6] : memref<128x128xf32, #tpu.memory_space<vmem>>, vector<128x128xf32>
    %dot_general3A = arith.constant dense<0.000000e+00> : vector<640x128xf32>
    %dot_general3A_8 = tpu.matmul %get3A_4, %get3A_7, %dot_general3A {dimension_numbers = #tpu.dot_dimension_numbers<[1], [0], [0], [1], [0, 0, 1, 1], [], []>, transpose_lhs_hint = false} : vector<640x128xf32>, vector<128x128xf32>, vector<640x128xf32> -> vector<640x128xf32>
    %get3A_9 = arith.constant 0 : index
    %get3A_10 = arith.constant 0 : index
    %get3A_11 = vector.load %arg4[%get3A_9, %get3A_10] : memref<128x128xf32, #tpu.memory_space<vmem>>, vector<128x128xf32>
    %dot_general3A_12 = arith.constant dense<0.000000e+00> : vector<640x128xf32>
    %dot_general3A_13 = tpu.matmul %get3A_1, %get3A_11, %dot_general3A_12 {dimension_numbers = #tpu.dot_dimension_numbers<[1], [0], [0], [1], [0, 0, 1, 1], [], []>, transpose_lhs_hint = false} : vector<640x128xf32>, vector<128x128xf32>, vector<640x128xf32> -> vector<640x128xf32>
    %get3A_14 = arith.constant 0 : index
    %get3A_15 = arith.constant 0 : index
    %get3A_16 = vector.load %arg5[%get3A_14, %get3A_15] : memref<128x128xf32, #tpu.memory_space<vmem>>, vector<128x128xf32>
    %dot_general3A_17 = arith.constant dense<0.000000e+00> : vector<640x128xf32>
    %dot_general3A_18 = tpu.matmul %dot_general3A_8, %get3A_16, %dot_general3A_17 {dimension_numbers = #tpu.dot_dimension_numbers<[1], [0], [0], [1], [0, 0, 1, 1], [], []>, transpose_lhs_hint = false} : vector<640x128xf32>, vector<128x128xf32>, vector<640x128xf32> -> vector<640x128xf32>
    %add3A = arith.addf %dot_general3A_13, %dot_general3A_18 : vector<640x128xf32>
    %get3A_19 = arith.constant 0 : index
    %get3A_20 = vector.load %arg6[%get3A_19] : memref<128xf32, #tpu.memory_space<vmem>>, vector<128xf32>
    %broadcast_in_dim3A = vector.shape_cast %get3A_20 : vector<128xf32> to vector<1x128xf32>
    %add3A_21 = vector.broadcast %broadcast_in_dim3A : vector<1x128xf32> to vector<640x128xf32>
    %add3A_22 = arith.addf %add3A, %add3A_21 : vector<640x128xf32>
    %logistic3A = arith.negf %add3A_22 : vector<640x128xf32>
    %logistic3A_23 = math.exp %logistic3A : vector<640x128xf32>
    %logistic3A_24 = arith.constant 1.000000e+00 : f32
    %logistic3A_25 = vector.broadcast %logistic3A_24 : f32 to vector<640x128xf32>
    %logistic3A_26 = arith.addf %logistic3A_25, %logistic3A_23 : vector<640x128xf32>
    %logistic3A_27 = arith.divf %logistic3A_25, %logistic3A_26 : vector<640x128xf32>
    %mul3A = arith.mulf %add3A_22, %logistic3A_27 : vector<640x128xf32>
    %get3A_28 = arith.constant 0 : index
    %get3A_29 = arith.constant 0 : index
    %get3A_30 = vector.load %arg7[%get3A_28, %get3A_29] : memref<128x128xf32, #tpu.memory_space<vmem>>, vector<128x128xf32>
    %dot_general3A_31 = arith.constant dense<0.000000e+00> : vector<640x128xf32>
    %dot_general3A_32 = tpu.matmul %mul3A, %get3A_30, %dot_general3A_31 {dimension_numbers = #tpu.dot_dimension_numbers<[1], [0], [0], [1], [0, 0, 1, 1], [], []>, transpose_lhs_hint = false} : vector<640x128xf32>, vector<128x128xf32>, vector<640x128xf32> -> vector<640x128xf32>
    %get3A_33 = arith.constant 0 : index
    %get3A_34 = vector.load %arg8[%get3A_33] : memref<128xf32, #tpu.memory_space<vmem>>, vector<128xf32>
    %broadcast_in_dim3A_35 = vector.shape_cast %get3A_34 : vector<128xf32> to vector<1x128xf32>
    %add3A_36 = vector.broadcast %broadcast_in_dim3A_35 : vector<1x128xf32> to vector<640x128xf32>
    %add3A_37 = arith.addf %dot_general3A_32, %add3A_36 : vector<640x128xf32>
    %add3A_38 = arith.addf %get3A_1, %add3A_37 : vector<640x128xf32>
    %swap3A = arith.constant 0 : index
    %swap3A_39 = arith.constant 0 : index
    %swap3A_40 = vector.load %arg9[%swap3A, %swap3A_39] : memref<640x128xf32, #tpu.memory_space<vmem>>, vector<640x128xf32>
    tpu.vector_store %arg9[%swap3A, %swap3A_39], %add3A_38 {strides = array<i32>} : memref<640x128xf32, #tpu.memory_space<vmem>>, vector<640x128xf32>,
    return
  }
  func.func @transform_0(%arg0: i32) -> (i32, i32) {
    %c0_i32 = arith.constant 0 : i32
    %c0_i32_0 = arith.constant 0 : i32
    return %arg0, %c0_i32 : i32, i32
  }
  func.func @transform_1(%arg0: i32) -> (i32, i32) {
    %ge3A = arith.constant 125 : i32
    %ge3A_0 = arith.cmpi sge, %arg0, %ge3A : i32
    %add3A = arith.constant 1 : i32
    %add3A_1 = arith.addi %arg0, %add3A : i32
    %select_n3A = arith.select %ge3A_0, %add3A_1, %arg0 : i32
    %c0_i32 = arith.constant 0 : i32
    %c0_i32_2 = arith.constant 0 : i32
    return %select_n3A, %c0_i32 : i32, i32
  }
  func.func @transform_2(%arg0: i32) -> (i32, i32) {
    %c0_i32 = arith.constant 0 : i32
    %c0_i32_0 = arith.constant 0 : i32
    %c0_i32_1 = arith.constant 0 : i32
    return %c0_i32, %c0_i32_0 : i32, i32
  }
  func.func @transform_3(%arg0: i32) -> (i32, i32) {
    %c0_i32 = arith.constant 0 : i32
    %c0_i32_0 = arith.constant 0 : i32
    %c0_i32_1 = arith.constant 0 : i32
    return %c0_i32, %c0_i32_0 : i32, i32
  }
  func.func @transform_4(%arg0: i32) -> (i32, i32) {
    %c0_i32 = arith.constant 0 : i32
    %c0_i32_0 = arith.constant 0 : i32
    %c0_i32_1 = arith.constant 0 : i32
    return %c0_i32, %c0_i32_0 : i32, i32
  }
  func.func @transform_5(%arg0: i32) -> i32 {
    %c0_i32 = arith.constant 0 : i32
    %c0_i32_0 = arith.constant 0 : i32
    return %c0_i32 : i32
  }
  func.func @transform_6(%arg0: i32) -> (i32, i32) {
    %c0_i32 = arith.constant 0 : i32
    %c0_i32_0 = arith.constant 0 : i32
    %c0_i32_1 = arith.constant 0 : i32
    return %c0_i32, %c0_i32_0 : i32, i32
  }
  func.func @transform_7(%arg0: i32) -> i32 {
    %c0_i32 = arith.constant 0 : i32
    %c0_i32_0 = arith.constant 0 : i32
    return %c0_i32 : i32
  }
  func.func @transform_8(%arg0: i32) -> (i32, i32) {
    %c0_i32 = arith.constant 0 : i32
    %c0_i32_0 = arith.constant 0 : i32
    return %arg0, %c0_i32 : i32, i32
  }
}

</mosaic_0001>

<sc_bundles>
// kernel: kernel.6.cloned.1.call-start
scs
__scs_entry_jumppad:
0x0: {  	(pc) =	sbr.rel $0x88, $3  }
0x1: {  	(tag) =	ssettag $0x0;
	lr =	simm.s32 $0x1  }
0x2: {  	[smem:$0x3F95] =	sst lr;
	_ =	strace $0xD0000000  }
0x3: {  	_ = 	snop  }
0x4: {  	_ = 	snop  }
0x5: {  	_ = 	snop  }
0x6: {  	_ = 	snop  }
0x7: {  	_ = 	snop  }
__scs_overlays_trampoline_lowered:
0x8: {  	[smem:$0x3FA4] =	sst s0  }
0x9: {  	[smem:$0x3FA5] =	sst s1  }
0xa: {  	[smem:$0x3FA6] =	sst s2  }
0xb: {  	[smem:$0x3FA7] =	sst s3  }
0xc: {  	[smem:$0x3FA8] =	sst s4  }
0xd: {  	[smem:$0x3FA9] =	sst s5  }
0xe: {  	[smem:$0x3FAA] =	sst s6  }
0xf: {  	[smem:$0x3FAB] =	sst s7  }
0x10: {  	[smem:$0x3FAC] =	sst s8  }
0x11: {  	[smem:$0x3FAD] =	sst s9;
	s0 =	simm.s32 @!p0 $0x0  }
0x12: {  	s1 =	sld [smem:$0x3F93];
	s0 =	simm.s32 @p0 $0x1  }
0x13: {  	[smem:$0x3FAE] =	sst s0;
	s0 =	simm.s32 @!p1 $0x0  }
0x14: {  	s2 =	sld [smem:$0x3F92];
	s0 =	simm.s32 @p1 $0x1  }
0x15: {  	[smem:$0x3FAF] =	sst s0;
	s0 =	simm.s32 @!p2 $0x0  }
0x16: {  	s3 =	sld [smem:$0x3FDB];
	s0 =	simm.s32 @p2 $0x1  }
0x17: {  	s4 =	simm.s32 $0x1BF5;
	[smem:$0x3FB1] =	sst s0  }
0x18: {  	s0 =	sld [smem:$0x3F94];
	_ =	swait.ge [sflag:s4], $0x0  }
0x19: {  	s7 =	sld [smem:$0x3F95]  }
0x1a: {  	s8 =	sadd.s32 $0xFFFFE003, lr  }
0x1b: {  	s9 =	sadd.s32 $0xFFFFFEF7, lr;
	s5 =	simm.s32 $0xFFFFFFFF;
	p2 =	slt.u32 s8, $0xFFFFF086  }
0x1c: {  	p1 =	slt.u32 s9, $0xF7A;
	s5 =	simm.s32 @!p2 $0x0  }
0x1d: {  	s5 =	simm.s32 @p1 $0x1;
	p0 =	seq.s32 s7, s2  }
0x1e: {  	s7 =	smul.u32 @!p0 $0xF7A, s2;
	p2 =	seq.s32 @!p0 s5, $0x0  }
0x1f: {  	s9 =	smul.u32 $0xF7A, s1;
	s8 =	simm.s32 @!p0 $0x1BF5;
	p2 =	por !p2, p0  }
0x20: {  	[sflag:s8] =	ssyncset.s32 @!p0 $0xFFFFF086;
	s6 =	sadd.s32 @!p0 s3, s7;
	s7 =	simm.s32 @!p0 $0x108  }
0x21: {  	s3 =	sadd.s32 s3, s9;
	s6 =	sadd.s32 @!p0 $0x88, s6;
	s7 =	simm.s32 @p2 $0x1082  }
0x22: {  	[simem:s7], [sflag:s8] =	dma.local @!p0 [hbm:s6], $0xF7A  }
0x23: {  	s9 =	sor.u32 $0xD0000000, s2;
	s6 =	simm.s32 $0x108;
	_ =	swait.ge @!p0 [sflag:s8], $0x0  }
0x24: {  	s3 =	sadd.s32 $0x88, s3;
	s6 =	simm.s32 @!p1 $0x1082;
	[sflag:s4] =	ssyncset.s32 $0xFFFFF086  }
0x25: {  	[simem:s6], [sflag:s4] =	dma.local [hbm:s3], $0xF7A  }
0x26: {  	[smem:$0x3F95] =	sst s1;
	(tag) =	ssettag s2;
	_ =	strace s9  }
0x27: {  	s1 =	sld [smem:$0x3FA5]  }
0x28: {  	s2 =	sld [smem:$0x3FA6]  }
0x29: {  	s4 =	sld [smem:$0x3FA8]  }
0x2a: {  	p0 =	seq.s32 s5, $0x0;
	s5 =	sld [smem:$0x3FA9]  }
0x2b: {  	s6 =	sld [smem:$0x3FAA]  }
0x2c: {  	s7 =	sld [smem:$0x3FAB]  }
0x2d: {  	s3 =	simm.s32 $0x108;
	s8 =	sld [smem:$0x3FAC]  }
0x2e: {  	s3 =	simm.s32 @!p0 $0x1082;
	s9 =	sld [smem:$0x3FAD]  }
0x2f: {  	lr =	sadd.s32 s0, s3;
	s0 =	sld [smem:$0x3FA4]  }
0x30: {  	s3 =	sld [smem:$0x3FA7]  }
0x31: {  	[smem:$0x3FB0] =	sst s10  }
0x32: {  	s10 =	sld [smem:$0x3FAE];
	_ =	sdelay $0x3  }
0x33: {  	p0 =	seq.s32 s10, $0x1;
	s10 =	sld [smem:$0x3FB0];
	_ =	sdelay $0x3  }
0x34: {  	[smem:$0x3FB0] =	sst s10  }
0x35: {  	s10 =	sld [smem:$0x3FAF];
	_ =	sdelay $0x3  }
0x36: {  	p1 =	seq.s32 s10, $0x1;
	s10 =	sld [smem:$0x3FB0];
	_ =	sdelay $0x3  }
0x37: {  	[smem:$0x3FB0] =	sst s10  }
0x38: {  	s10 =	sld [smem:$0x3FB1]  }
0x39: {  	_ = 	snop;
	(pc) =	sbr.ind lr, $3  }
0x3a: {  	_ = 	snop  }
0x3b: {  	_ = 	snop  }
0x3c: {  	p2 =	seq.s32 s10, $0x1;
	s10 =	sld [smem:$0x3FB0]  }
0x3d: {  	_ =	shalt  }
0x3e: {  	_ =	shalt  }
0x3f: {  	_ =	shalt  }
0x40: {  	_ =	shalt  }
0x41: {  	_ =	shalt  }
0x42: {  	_ =	shalt  }
0x43: {  	_ =	shalt  }
0x44: {  	_ =	shalt  }
0x45: {  	_ =	shalt  }
0x46: {  	_ =	shalt  }
0x47: {  	_ =	shalt  }
0x48: {  	_ =	shalt  }
0x49: {  	_ =	shalt  }
0x4a: {  	_ =	shalt  }
0x4b: {  	_ =	shalt  }
0x4c: {  	_ =	shalt  }
0x4d: {  	_ =	shalt  }
0x4e: {  	_ =	shalt  }
0x4f: {  	_ =	shalt  }
0x50: {  	_ =	shalt  }
0x51: {  	_ =	shalt  }
0x52: {  	_ =	shalt  }
0x53: {  	_ =	shalt  }
0x54: {  	_ =	shalt  }
0x55: {  	_ =	shalt  }
0x56: {  	_ =	shalt  }
0x57: {  	_ =	shalt  }
0x58: {  	_ =	shalt  }
0x59: {  	_ =	shalt  }
0x5a: {  	_ =	shalt  }
0x5b: {  	_ =	shalt  }
0x5c: {  	_ =	shalt  }
0x5d: {  	_ =	shalt  }
0x5e: {  	_ =	shalt  }
0x5f: {  	_ =	shalt  }
0x60: {  	_ =	shalt  }
0x61: {  	_ =	shalt  }
0x62: {  	_ =	shalt  }
0x63: {  	_ =	shalt  }
0x64: {  	_ =	shalt  }
0x65: {  	_ =	shalt  }
0x66: {  	_ =	shalt  }
0x67: {  	_ =	shalt  }
0x68: {  	_ =	shalt  }
0x69: {  	_ =	shalt  }
0x6a: {  	_ =	shalt  }
0x6b: {  	_ =	shalt  }
0x6c: {  	_ =	shalt  }
0x6d: {  	_ =	shalt  }
0x6e: {  	_ =	shalt  }
0x6f: {  	_ =	shalt  }
0x70: {  	_ =	shalt  }
0x71: {  	_ =	shalt  }
0x72: {  	_ =	shalt  }
0x73: {  	_ =	shalt  }
0x74: {  	_ =	shalt  }
0x75: {  	_ =	shalt  }
0x76: {  	_ =	shalt  }
0x77: {  	_ =	shalt  }
0x78: {  	_ =	shalt  }
0x79: {  	_ =	shalt  }
0x7a: {  	_ =	shalt  }
0x7b: {  	_ =	shalt  }
0x7c: {  	_ =	shalt  }
0x7d: {  	_ =	shalt  }
0x7e: {  	_ =	shalt  }
0x7f: {  	_ =	shalt  }
0x80: {  	_ =	shalt  }
0x81: {  	_ =	shalt  }
0x82: {  	_ =	shalt  }
0x83: {  	_ =	shalt  }
0x84: {  	_ =	shalt  }
0x85: {  	_ =	shalt  }
0x86: {  	_ =	shalt  }
0x87: {  	_ =	shalt  }
.Lfunc_end0:
.L_simem_size_0:
called_computation_lowered:
.L_overlay_start_0:
0x88: {  	s2 =	sld [smem:$0x3FD9]  }
0x89: {  	s3 =	sld [smem:$0x3FFE];
	_ =	sdelay $0x1  }
0x8a: {  	s1 =	srdreg.scid  }
0x8b: {  	s0 =	sand.u32 $0x1, s1  }
0x8c: {  	s17 =	sshll.u32 s0, $0xA;
	s2 =	sadd.s32 s3, s2  }
0x8d: {  	s2 =	sadd.s32 s2, s17  }
0x8e: {  	[smem:$0x3FBC] =	sst s2  }
0x8f: {  	_ = 	snop  }
0x90: {  	s2 =	sld [smem:$0x3FC8]  }
0x91: {  	s18 =	sld [smem:$0x3FC7]  }
0x92: {  	s4 =	sld [smem:$0x3FC6]  }
0x93: {  	s5 =	sld [smem:$0x3FD0];
	(tm) =	ssettm $0x1  }
0x94: {  	s6 =	sld [smem:$0x3FFB];
	_ =	sdelay $0x3  }
0x95: {  	_ =	strace s6  }
0x96: {  	s6 =	sld [smem:$0x3FFC];
	_ =	sdelay $0x3  }
0x97: {  	_ =	strace s6  }
0x98: {  	s6 =	sld [smem:$0x3FFD];
	_ =	sdelay $0x3  }
0x99: {  	_ =	strace s6  }
0x9a: {  	_ =	strace $0x8FFFFFFF  }
0x9b: {  	s19 =	sld [smem:$0x3FDB];
	_ =	sdelay $0x1  }
0x9c: {  	s7 =	simm.s32 $_scs_section_size  }
0x9d: {  	s8 =	simm.s32 $_size__tile_overlayer_lowered;
	s9 =	simm.s32 $_tile_overlayer_lowered  }
0x9e: {  	s22 =	simm.s32 $0x1BFF;
	s21 =	sshll.u32 s9, $0x1;
	s6 =	sadd.s32 s7, s19  }
0x9f: {  	s10 =	simm.s32 $0x0;
	s20 =	sshll.u32 s8, $0x1;
	s8 =	sadd.s32 s21, s6  }
0xa0: {  	[timem:s10], [sflag:s22] =	dma.local [hbm:s8], s20  }
0xa1: {  	_ =	swait.ge [sflag:s22], s20  }
0xa2: {  	s7 =	ssub.s32 $0x0, s20;
	[sflag:s22] =	ssyncset.done $0x0  }
0xa3: {  	[sflag:s22] =	ssyncadd.s32 s7;
	_ =	sdelay $0x1  }
0xa4: {  	s23 =	simm.s32 $0x1B8B  }
0xa5: {  	_ =	swait.ge [sflag:s23], $0x1  }
0xa6: {  	[sflag:s23] =	ssyncset.done $0x0  }
0xa7: {  	s25 =	simm.s32 $0x1B8E;
	s24 =	sld [smem:$0x3FFE];
	[sflag:s23] =	ssyncadd.s32 $0xFFFFFFFF  }
0xa8: {  	s26 =	simm.s32 $execute0_lowered;
	[smem:$0x3FD2] =	sst s25  }
0xa9: {  	s8 =	sshll.u32 s26, $0x1;
	_ =	strace $0x80000046;
	[dreg:$0x1] =	wrdreg $0xFFFFFFFF  }
0xaa: {  	s28 =	simm.s32 $_size_execute0_lowered;
	s6 =	sadd.s32 s6, s8;
	[dreg:$0x0] =	wrdreg $0x0  }
0xab: {  	s8 =	sshll.u32 s28, $0x1;
	[dreg:$0x2] =	wrdreg s6  }
0xac: {  	[dreg:$0x3] =	wrdreg s8  }
0xad: {  	[dreg:$0x4] =	wrdreg $0xC0  }
0xae: {  	_ =	task [dreg:s10], $0x5FFFF  }
0xaf: {  	[dreg:$0x1] =	wrdreg $0xFFFFFFFF  }
0xb0: {  	[dreg:$0x0] =	wrdreg $0x60  }
0xb1: {  	[dreg:$0x2] =	wrdreg s4  }
0xb2: {  	[dreg:$0x3] =	wrdreg s2  }
0xb3: {  	[dreg:$0x4] =	wrdreg s18  }
0xb4: {  	[dreg:$0x5] =	wrdreg s5  }
0xb5: {  	[dreg:$0x6] =	wrdreg s24  }
0xb6: {  	[dreg:$0x7] =	wrdreg $0xBF000  }
0xb7: {  	[dreg:$0x8] =	wrdreg $0x9  }
0xb8: {  	_ =	task.clear_ibuf [dreg:s10], $0x9FFFF;
	_ =	strace $0x90000046  }
0xb9: {  	s29 =	simm.s32 $0x9;
	_ =	strace $0x80000048  }
0xba: {  	_ =	swait.ge [sflag:s29], $0x1  }
0xbb: {  	[sflag:s29] =	ssyncadd.s32 $0xFFFFFFFF  }
0xbc: {  	_ =	strace $0x90000048  }
0xbd: {  	_ =	sfence  }
0xbe: {  	s30 =	sld [smem:$0x0];
	_ =	sdelay $0x2  }
0xbf: {  	s31 =	sshll.u32 s1, $0xD;
	s1 =	sshrl.u32 s1, $0x2  }
0xc0: {  	s3 =	sand.u32 $0x4000, s31;
	s1 =	sadd.s32 s1, s30  }
0xc1: {  	s0 =	sor.u32 s3, s0;
	s1 =	sshll.u32 s1, $0x11  }
0xc2: {  	s0 =	sor.u32 s1, s0  }
0xc3: {  	s0 =	sadd.s32 $0x8F2B, s0  }
0xc4: {  	[sflag:s0] =	ssyncadd.remote.s32 $0x1  }
0xc5: {  	_ =	sfence.sel $0xFFFF  }
0xc6: {  	[dreg:$0x0] =	wrdreg $0xFFFFFFFF;
	(pc) =	sbr.abs _section_cstart, $3  }
0xc7: {  	[dreg:$0x1] =	wrdreg $0xFFFFFFFF  }
0xc8: {  	_ =	task.clear_ibuf [dreg:s10], $0x2FFFF;
	_ =	strace $0x9FFFFFFF  }
0xc9: {  	(tm) =	ssettm $0x7FFFFFFF  }
tec
execute0_lowered:
.L_overlay_start_1:
0x0: {  	(tag) =	ssettag $0x1  }
0x1: {  	v0 =	vimm.s32 $0xEDCBA987  }
0x2: {  	v1 =	vimm.s32 $0x65432100;
	v3 =	vimm.s32 $0x1A191817;
	v5 =	vimm.s32 $0x12111010  }
0x3: {  	s6 =	rddreg [dreg:$0x0];
	v6 =	vimm.s32 $0x16151413;
	vm0 =	vcmask $0x1F10;
	v8 =	vimm.s32 $0x1D1C1B1A  }
0x4: {  	s7 =	rddreg [dreg:$0x1];
	v9 =	vimm.s32 $0x11101010;
	v10 =	vimm.s32 $0x15141312;
	vm1 =	vcmask $0x2314  }
0x5: {  	s11 =	rddreg [dreg:$0x2];
	v11 =	vimm.s32 $0x17161518;
	vm2 =	vcmask $0x3324;
	v13 =	vimm.s32 $0x1B1A1900  }
0x6: {  	s3 =	rddreg [dreg:$0x3];
	vm3 =	vcmask $0x3F34;
	v0 =	vunpack.c.l.s4.s8 v0;
	v1 =	vunpack.c.l.s4.s8 v1  }
0x7: {  	s0 =	rddreg [dreg:$0x4];
	v3 =	vunpack.c.0.s8.s32 v3;
	v5 =	vunpack.c.0.s8.s32 v5;
	v6 =	vunpack.c.0.s8.s32 v6  }
0x8: {  	s5 =	rddreg [dreg:$0x5];
	v8 =	vunpack.c.0.s8.s32 v8;
	v9 =	vunpack.c.0.s8.s32 v9;
	v2 =	vunpack.c.0.s8.s32 v0  }
0x9: {  	s14 =	simm.s32 $0x0;
	s1 =	srdreg.scid;
	s12 =	stileid.u32;
	v10 =	vunpack.c.0.s8.s32 v10;
	v11 =	vunpack.c.0.s8.s32 v11;
	v4 =	vunpack.c.0.s8.s32 v1  }
0xa: {  	s28 =	simm.s32 $0x3;
	s29 =	simm.s32 $0x1500;
	[smem:$0x7FF] =	sst s14;
	v0 =	vimm.f32 $0.0e+00;
	v1 =	vimm.s32 $0x1E1D1C1B;
	v2 =	vand.u32 $0xF, v2  }
0xb: {  	s31 =	simm.s32 $0x1;
	s8 =	sadd.s32 $0x4E3600, s0;
	s9 =	sadd.s32 $0x754600, s0;
	v2 =	vcombine.low v4, v2;
	v4 =	vsel vm0, v6, v5;
	v5 =	vimm.s32 $0xDCBA9876  }
0xc: {  	s1 =	sand.u32 $0x1, s1;
	s2 =	smul.u32 $0x46000, s12;
	s10 =	sadd.s32 $0x9C5600, s0;
	v7 =	vunpack.c.0.s8.s32 v1;
	v6 =	vimm.s32 $0x54321000;
	v5 =	vunpack.c.l.s4.s8 v5  }
0xd: {  	s0 =	sadd.s32 $0x1600, s0;
	s16 =	smul.u32 $0x230, s12;
	_ =	strace $0x80000047;
	v9 =	vsel vm0, v10, v9;
	v10 =	vimm.s32 $0xBA987654;
	v6 =	vunpack.c.l.s4.s8 v6  }
0xe: {  	[dreg:$0x8] =	wrdreg s0;
	s13 =	ssub.s32 $0x2, s1;
	s1 =	smul.u32 $0x13B00, s1;
	v3 =	vsel vm0, v7, v3;
	v7 =	vimm.s32 $0x19181716;
	v5 =	vunpack.c.0.s8.s32 v5  }
0xf: {  	s30 =	simm.s32 $0x40;
	s15 =	sshrl.u32 s2, $0x2;
	[dreg:$0xb] =	wrdreg s16;
	v1 =	vimm.s32 $0x0;
	v7 =	vunpack.c.0.s8.s32 v7;
	v6 =	vunpack.c.0.s8.s32 v6  }
0x10: {  	s4 =	sshrl.u32 s13, $0x1;
	[dreg:$0x9] =	wrdreg s1;
	s20 =	sadd.s32 s15, s5;
	v3 =	vcombine.low v4, v3;
	v4 =	vlaneseq.u32;
	v5 =	vand.u32 $0xF, v5  }
0x11: {  	s16 =	simm.s32 $0x1600;
	s17 =	sadd.s32 $0x2800, s20;
	[dreg:$0xa] =	wrdreg s20;
	v7 =	vsel vm0, v8, v7;
	v8 =	vimm.s32 $0x32100000;
	v5 =	vcombine.low v6, v5  }
0x12: {  	s0 =	ssub.s32 s13, s4;
	s18 =	sadd.s32 $0x5000, s20;
	[dreg:$0xc] =	wrdreg s17;
	v6 =	vcombine.low v9, v7;
	v7 =	vunpack.c.l.s4.s8 v10;
	v9 =	vimm.s32 $0x13121114  }
0x13: {  	s13 =	smul.u32 $0x4E20, s12;
	s19 =	sadd.s32 $0x7800, s20;
	[dreg:$0xd] =	wrdreg s18;
	v8 =	vunpack.c.l.s4.s8 v8;
	v10 =	vunpack.c.0.s8.s32 v9;
	v9 =	vimm.s32 $0xE40000  }
0x14: {  	s4 =	simm.s32 $0xBE80;
	s21 =	sadd.s32 $0xA000, s20;
	[dreg:$0xe] =	wrdreg s19;
	vm0 =	vmmov $0x3;
	v7 =	vunpack.c.0.s8.s32 v7;
	v9 =	vunpack.c.l.s2.s4 v9  }
0x15: {  	s12 =	simm.s32 $0x3680;
	s23 =	sadd.s32 $0xC800, s20;
	[dreg:$0xf] =	wrdreg s21;
	v8 =	vunpack.c.0.s8.s32 v8;
	v12 =	vnsel vm1, $0x10, v10;
	vm1 =	vcmask $0x3F30  }
0x16: {  	s15 =	simm.s32 $0x7680;
	s24 =	sadd.s32 $0xF000, s20;
	[dreg:$0x10] =	wrdreg s23;
	v10 =	vnsel vm2, $0x10, v10;
	v7 =	vand.u32 $0xF, v7;
	v9 =	vunpack.c.l.s4.s8 v9  }
0x17: {  	s0 =	smax.u32 s0, $0x1;
	s22 =	sshrl.u32 s13, $0x3;
	[dreg:$0x11] =	wrdreg s24;
	v7 =	vcombine.low v8, v7;
	v8 =	vsel vm2, v11, v12;
	v11 =	vunpack.c.0.s8.s32 v13  }
.Ltmp0:
0x18: {  	[dreg:$0x15] =	wrdreg s0;
	s17 =	simm.s32 $0x5680;
	v12 =	vimm.s32 $0x7060504;
	vm2 =	vmmov $0xff;
	v9 =	vunpack.c.0.s8.s32 v9;
	(pc) =	sbr.rel .LBB2_1-.Ltmp0, $4  }
0x19: {  	s18 =	simm.s32 $0x2;
	s19 =	simm.s32 $0x1580;
	s25 =	sadd.s32 s6, s22;
	v8 =	vsel vm3, v11, v8;
	v11 =	vunpack.c.0.s8.s32 v12;
	v12 =	vimm.s32 $0x17161500  }
0x1a: {  	s26 =	sadd.s32 s7, s22;
	s1 =	sadd.s32 s11, s22;
	[dreg:$0x12] =	wrdreg s25;
	v13 =	vand.u32 $0x7, v4;
	v9 =	vand.u32 $0x3, v9;
	v12 =	vunpack.c.0.s8.s32 v12  }
0x1b: {  	s6 =	simm.s32 $0x1400;
	s7 =	simm.s32 $0x1480;
	[dreg:$0x13] =	wrdreg s26;
	v13 =	vor.u32 $0x2300, v13;
	v9 =	vsel vm1, v11, v9;
	vm1 =	vmmov $0xf  }
0x1c: {  	s11 =	simm.s32 $0x1680;
	[dreg:$0x14] =	wrdreg s1;
	s25 =	simm.s32 $0x1380;
	v11 =	vor.u32 $0x70, v4;
	v10 =	vsel vm3, v12, v10;
	v12 =	vor.u32 $0x10, v4  }
.LBB2_17:
0x1d: {  	s14 =	rddreg [dreg:$0x7]  }
0x1e: {  	s0 =	rddreg [dreg:$0x15];
	s14 =	sadd.s32 $0x1, s14  }
0x1f: {  	p0 =	sne.s32 s14, s0  }
.Ltmp1:
0x20: {  	_ = 	snop;
	(pc) =	sbr.rel @!p0 .LBB2_18-.Ltmp1, $1  }
0x21: {  	_ =	sdelay $0x3  }
.LBB2_1:
0x22: {  	[dreg:$0x7] =	wrdreg s14;
	s0 =	simm.s32 $0x0;
	s1 =	simm.s32 $0x200  }
.LBB2_2:
0x23: {  	p0 =	sne.s32 s1, $0x9E00;
	[tilespmem:s0+$0x96F0] =	vst v0  }
0x24: {  	[tilespmem:s0+$0x9680] =	vst v0  }
0x25: {  	[tilespmem:s0+$0x9690] =	vst v0  }
.Ltmp2:
0x26: {  	[tilespmem:s0+$0x96A0] =	vst v0;
	(pc) =	sbr.rel @p0 .LBB2_2-.Ltmp2, $4  }
0x27: {  	[tilespmem:s0+$0x96B0] =	vst v0  }
0x28: {  	[tilespmem:s0+$0x96C0] =	vst v0  }
0x29: {  	[tilespmem:s0+$0x96D0] =	vst v0  }
0x2a: {  	[tilespmem:s0+$0x96E0] =	vst v0;
	s0 =	sshra.s32 s1, $0x2;
	s1 =	sadd.s32 $0x200, s1  }
0x2b: {  	[tilespmem:s0+$0x96F0] =	vst v0  }
0x2c: {  	[tilespmem:s0+$0x9680] =	vst v0  }
0x2d: {  	[tilespmem:s0+$0x9690] =	vst v0  }
.Ltmp3:
0x2e: {  	[tilespmem:s0+$0x96A0] =	vst v0;
	(pc) =	sbr.rel .LBB2_4-.Ltmp3, $4  }
0x2f: {  	[tilespmem:s0+$0x96B0] =	vst v0  }
0x30: {  	[tilespmem:s0+$0x96C0] =	vst v0  }
0x31: {  	[tilespmem:s0+$0x96D0] =	vst v0  }
0x32: {  	[tilespmem:s0+$0x96E0] =	vst v0;
	s2 =	simm.s32 $0x0  }
.LBB2_16:
0x33: {  	s0 =	rddreg [dreg:$0xb]  }
0x34: {  	s1 =	rddreg [dreg:$0x17];
	[bflag:$0x0] =	sbarrier.arrive $0xFFFF  }
0x35: {  	s23 =	stileid.u32;
	s0 =	sadd.s32 s0, s1;
	s2 =	rddreg [dreg:$0x8]  }
0x36: {  	s1 =	sshll.u32 s23, $0x6;
	s20 =	rddreg [dreg:$0xa];
	s0 =	sshll.u32 s0, $0x4  }
0x37: {  	s1 =	sor.u32 $0x1C03, s1;
	s24 =	sshrl.u32 s20, $0x3;
	s0 =	sadd.s32 s2, s0  }
0x38: {  	[hbm:s0], [sflag:s1] =	dma.local [spmem:s24], $0x2300  }
0x39: {  	_ =	swait.ge [sflag:s28], $0x2300  }
0x3a: {  	s26 =	rddreg [dreg:$0x16]  }
0x3b: {  	s2 =	sadd.s32 $0x1, s26  }
0x3c: {  	p0 =	sne.s32 s2, $0x9  }
.Ltmp4:
0x3d: {  	_ = 	snop;
	(pc) =	sbr.rel @!p0 .LBB2_17-.Ltmp4, $3  }
0x3e: {  	[sflag:s28] =	ssyncset.done $0x0  }
0x3f: {  	[sflag:s28] =	ssyncadd.s32 $0xFFFFDD00  }
0x40: {  	[bflag:$0x0] =	sbarrier.arrive $0xFFFF;
	_ =	sdelay $0x1  }
.LBB2_4:
0x41: {  	s1 =	simm.s32 $0x9680  }
0x42: {  	[spmem:s20] =	stream.linear.scatter [tilespmem:s1], [sflag:$0x3], $0x2800, $0x38;
	[tilespmem:$0x1D740] =	vst v63  }
0x43: {  	_ =	swait.ge [sflag:s28], $0x2800  }
0x44: {  	[sflag:s28] =	ssyncset.done $0x0  }
0x45: {  	s0 =	rddreg [dreg:$0xc];
	[sflag:s28] =	ssyncadd.s32 $0xFFFFD800  }
0x46: {  	[spmem:s0] =	stream.linear.scatter [tilespmem:s1], [sflag:$0x3], $0x2800, $0x38;
	[tilespmem:$0x1D740] =	vst v63  }
0x47: {  	_ =	swait.ge [sflag:s28], $0x2800  }
0x48: {  	[sflag:s28] =	ssyncset.done $0x0  }
0x49: {  	s21 =	rddreg [dreg:$0xd];
	[sflag:s28] =	ssyncadd.s32 $0xFFFFD800  }
0x4a: {  	[spmem:s21] =	stream.linear.scatter [tilespmem:s1], [sflag:$0x3], $0x2800, $0x38;
	[tilespmem:$0x1D740] =	vst v63  }
0x4b: {  	_ =	swait.ge [sflag:s28], $0x2800  }
0x4c: {  	[sflag:s28] =	ssyncset.done $0x0  }
0x4d: {  	s22 =	rddreg [dreg:$0xe];
	[sflag:s28] =	ssyncadd.s32 $0xFFFFD800  }
0x4e: {  	[spmem:s22] =	stream.linear.scatter [tilespmem:s1], [sflag:$0x3], $0x2800, $0x38;
	[tilespmem:$0x1D740] =	vst v63  }
0x4f: {  	_ =	swait.ge [sflag:s28], $0x2800  }
0x50: {  	[sflag:s28] =	ssyncset.done $0x0  }
0x51: {  	s23 =	rddreg [dreg:$0xf];
	[sflag:s28] =	ssyncadd.s32 $0xFFFFD800  }
0x52: {  	[spmem:s23] =	stream.linear.scatter [tilespmem:s1], [sflag:$0x3], $0x2800, $0x38;
	[tilespmem:$0x1D740] =	vst v63  }
0x53: {  	_ =	swait.ge [sflag:s28], $0x2800  }
0x54: {  	[sflag:s28] =	ssyncset.done $0x0  }
0x55: {  	s24 =	rddreg [dreg:$0x10];
	[sflag:s28] =	ssyncadd.s32 $0xFFFFD800  }
0x56: {  	[spmem:s24] =	stream.linear.scatter [tilespmem:s1], [sflag:$0x3], $0x2800, $0x38;
	[tilespmem:$0x1D740] =	vst v63  }
0x57: {  	_ =	swait.ge [sflag:s28], $0x2800  }
0x58: {  	[sflag:s28] =	ssyncset.done $0x0  }
0x59: {  	s26 =	rddreg [dreg:$0x11];
	[sflag:s28] =	ssyncadd.s32 $0xFFFFD800  }
0x5a: {  	[spmem:s26] =	stream.linear.scatter [tilespmem:s1], [sflag:$0x3], $0x2800, $0x38;
	[tilespmem:$0x1D740] =	vst v63  }
0x5b: {  	_ =	swait.ge [sflag:s28], $0x2800  }
0x5c: {  	[sflag:s28] =	ssyncset.done $0x0  }
0x5d: {  	[sflag:s28] =	ssyncadd.s32 $0xFFFFD800  }
0x5e: {  	[bflag:$0x0] =	sbarrier.arrive $0xFFFF  }
0x5f: {  	s1 =	rddreg [dreg:$0x12]  }
0x60: {  	s20 =	rddreg [dreg:$0x13]  }
0x61: {  	s14 =	simm.s32 $0x0;
	s22 =	smul.u32 $0x2300, s2;
	[dreg:$0x16] =	wrdreg s2  }
0x62: {  	[tilespmem:s14], [sflag:$0x1] =	stream.linear.gather [hbm4b:s1+s14], $0x320, $0x38;
	[tilespmem:$0x1D740] =	vst v63  }
.Ltmp5:
0x63: {  	s21 =	simm.s32 $0x680;
	s26 =	rddreg [dreg:$0x9];
	(pc) =	sbr.rel .LBB2_6-.Ltmp5, $4  }
0x64: {  	[tilespmem:s21], [sflag:$0x1] =	stream.linear.gather [hbm4b:s20+s14], $0x320, $0x38;
	[tilespmem:$0x1D740] =	vst v63  }
0x65: {  	s24 =	simm.s32 $0xD00;
	s23 =	rddreg [dreg:$0x14];
	s0 =	sadd.s32 s26, s22  }
0x66: {  	[tilespmem:s24], [sflag:$0x1] =	stream.linear.gather [hbm4b:s23+s14], $0x320, $0x38;
	[tilespmem:$0x1D740] =	vst v63  }
0x67: {  	[dreg:$0x17] =	wrdreg s0;
	v14 =	vmov s0;
	s23 =	simm.s32 $0x0;
	s24 =	simm.s32 $0x0  }
.LBB2_5:
0x68: {  	p0 =	seq.s32 s24, $0x19  }
.Ltmp6:
0x69: {  	_ = 	snop;
	(pc) =	sbr.rel @p0 .LBB2_12-.Ltmp6, $1  }
0x6a: {  	_ =	sdelay $0x3  }
.LBB2_6:
0x6b: {  	_ =	swait.ge [sflag:s31], $0x320  }
0x6c: {  	[sflag:s31] =	ssyncset.done $0x0  }
0x6d: {  	[sflag:s31] =	ssyncadd.s32 $0xFFFFFCE0  }
0x6e: {  	_ =	swait.ge [sflag:s31], $0x320  }
0x6f: {  	s0 =	smov.u32 s24;
	[sflag:s31] =	ssyncset.done $0x0  }
0x70: {  	s24 =	sadd.s32 $0x1, s24;
	p0 =	seq.s32 s0, $0x18;
	[sflag:s31] =	ssyncadd.s32 $0xFFFFFCE0  }
0x71: {  	s1 =	smul.u32 @!p0 $0x320, s24;
	s2 =	sand.u32 @!p0 $0x1, s24;
	_ =	swait.ge [sflag:s31], $0x320  }
0x72: {  	s20 =	simm.s32 @!p0 $0x0;
	p1 =	seq.s32 @!p0 s2, $0x1;
	[sflag:s31] =	ssyncset.done $0x0  }
0x73: {  	s2 =	simm.s32 @!p0 $0x320;
	s1 =	sadd.s32 @!p0 s13, s1;
	[sflag:s31] =	ssyncadd.s32 $0xFFFFFCE0  }
0x74: {  	p1 =	por !p1, p0;
	s1 =	sshrl.u32 @!p0 s1, $0x3;
	s14 =	rddreg [dreg:$0x0]  }
0x75: {  	s2 =	simm.s32 @p1 $0x0;
	s21 =	rddreg [dreg:$0x1];
	s14 =	sadd.s32 @!p0 s14, s1  }
0x76: {  	[tilespmem:s2], [sflag:$0x1] =	stream.linear.gather @!p0 [hbm4b:s14+s20], $0x320, $0x38;
	[tilespmem:$0x1D740] =	vst v63  }
0x77: {  	s21 =	sadd.s32 @!p0 s21, s1;
	s14 =	sadd.s32 @!p0 $0x680, s2  }
0x78: {  	[tilespmem:s14], [sflag:$0x1] =	stream.linear.gather @!p0 [hbm4b:s21+s20], $0x320, $0x38;
	[tilespmem:$0x1D740] =	vst v63  }
0x79: {  	s26 =	sand.u32 $0x1, s0;
	s21 =	rddreg [dreg:$0x2]  }
.Ltmp7:
0x7a: {  	s2 =	sadd.s32 @!p0 $0xD00, s2;
	s1 =	sadd.s32 @!p0 s21, s1;
	(pc) =	sbr.rel .LBB2_7-.Ltmp7, $4  }
0x7b: {  	[tilespmem:s2], [sflag:$0x1] =	stream.linear.gather @!p0 [hbm4b:s1+s20], $0x320, $0x38;
	[tilespmem:$0x1D740] =	vst v63  }
0x7c: {  	s0 =	smul.u32 $0x320, s0;
	p0 =	seq.s32 s26, $0x1;
	s20 =	simm.s32 $0x320  }
0x7d: {  	s20 =	simm.s32 @!p0 $0x0  }
0x7e: {  	s22 =	simm.s32 $0x0;
	s14 =	sadd.s32 s13, s0;
	v15 =	vmov s20  }
.LBB2_11:
0x7f: {  	s22 =	sadd.s32 $0x1, s22  }
0x80: {  	p1 =	seq.s32 s22, $0x19  }
.Ltmp8:
0x81: {  	_ = 	snop;
	(pc) =	sbr.rel @p1 .LBB2_5-.Ltmp8, $3  }
0x82: {  	_ =	sdelay $0x1  }
0x83: {  	p0 =	sgt.s32 s23, $0x3F;
	s0 =	sadd.s32 $0xFFFFFFC0, s23  }
0x84: {  	s23 =	smov.u32 @p0 s0  }
.LBB2_7:
0x85: {  	_ =	sdelay $0x1  }
0x86: {  	s26 =	sshll.u32 s22, $0x5  }
0x87: {  	s1 =	sadd.s32 s20, s26  }
0x88: {  	v16 =	vld.idx.msk [tilespmem:v15+s26+$0x0 ss:$0x1], $0xffff;
	s0 =	sor.u32 $0x10, s1  }
0x89: {  	v18 =	vld [tilespmem:s0+$0x0];
	_ =	sdelay $0x3  }
0x8a: {  	vm3 =	vgt.s32 v16, $0x1387F  }
0x8b: {  	v16 =	vsub.s32 v16, v14;
	v17 =	vsel vm3, $0x280, v1;
	vm3 =	vgt.s32 v18, $0x1387F  }
0x8c: {  	v17 =	vadd.s32 v17, v16;
	v18 =	vsub.s32 v18, v14;
	v16 =	vsel vm3, $0x280, v1  }
0x8d: {  	vm4 =	vlt.u32 v17, $0x2300;
	v16 =	vadd.s32 v16, v18  }
0x8e: {  	v63 =	vmpcnt.ones.xlane vm4;
	vm3 =	vlt.u32 v16, $0x2300  }
0x8f: {  	v19 =	vmpcnt.ones.xlane vm3  }
0x90: {  	(v2sf) =	vpush v63, $0x0  }
0x91: {  	(v2sf) =	vpush v19, $0x0;
	_ =	sdelay $0xd  }
0x92: {  	s2 =	spop (v2sf)  }
0x93: {  	s21 =	spop (v2sf)  }
0x94: {  	s21 =	sadd.s32 s2, s21  }
0x95: {  	p0 =	slt.s32 s21, $0x1  }
0x96: {  	v18 =	vsel @!p0 vm4, $0x1, v1  }
0x97: {  	v19 =	vsel @!p0 vm3, $0x1, v1;
	[tilespmem:$0xBE80] =	vst @!p0 v18  }
0x98: {  	[tilespmem:$0xBE90] =	vst @!p0 v19  }
0x99: {  	v20 =	vld.idx.msk @!p0 [tilespmem:v2+s4+$0x0], $0xffff  }
0x9a: {  	v21 =	vld.idx.msk @!p0 [tilespmem:v3+s4+$0x0], $0xffff;
	_ =	sdelay $0x2  }
0x9b: {  	vm5 =	veq.s32 @!p0 v4, $0x0  }
0x9c: {  	v20 =	vsel @!p0 vm5, $0x0, v20  }
0x9d: {  	v18 =	vadd.s32 @!p0 v18, v20;
	v20 =	vsel @!p0 vm5, $0x0, v21  }
0x9e: {  	v19 =	vadd.s32 @!p0 v19, v20;
	[tilespmem:$0xBE80] =	vst @!p0 v18  }
0x9f: {  	[tilespmem:$0xBE90] =	vst @!p0 v19  }
0xa0: {  	v20 =	vld.idx.msk @!p0 [tilespmem:v5+s4+$0x0], $0xffff  }
0xa1: {  	v21 =	vld.idx.msk @!p0 [tilespmem:v6+s4+$0x0], $0xffff;
	_ =	sdelay $0x3  }
0xa2: {  	v20 =	vsel @!p0 vm0, $0x0, v20  }
0xa3: {  	v18 =	vadd.s32 @!p0 v18, v20;
	v20 =	vsel @!p0 vm0, $0x0, v21  }
0xa4: {  	v19 =	vadd.s32 @!p0 v19, v20;
	[tilespmem:$0xBE80] =	vst @!p0 v18  }
0xa5: {  	[tilespmem:$0xBE90] =	vst @!p0 v19  }
0xa6: {  	v20 =	vld.idx.msk @!p0 [tilespmem:v7+s4+$0x0], $0xffff  }
0xa7: {  	v21 =	vld.idx.msk @!p0 [tilespmem:v8+s4+$0x0], $0xffff;
	_ =	sdelay $0x3  }
0xa8: {  	v20 =	vsel @!p0 vm1, $0x0, v20  }
0xa9: {  	v18 =	vadd.s32 @!p0 v18, v20;
	v20 =	vsel @!p0 vm1, $0x0, v21  }
0xaa: {  	v19 =	vadd.s32 @!p0 v19, v20;
	[tilespmem:$0xBE80] =	vst @!p0 v18  }
0xab: {  	[tilespmem:$0xBE90] =	vst @!p0 v19  }
0xac: {  	v20 =	vld.idx.msk @!p0 [tilespmem:v9+s4+$0x0], $0xffff  }
0xad: {  	v21 =	vmov @!p0 s23  }
0xae: {  	v21 =	vadd.s32 @!p0 $0xFFFFFFFF, v21  }
0xaf: {  	v21 =	vbroadcast @!p0 v21, $0x0;
	_ =	sdelay $0x1  }
0xb0: {  	v18 =	vadd.s32 @!p0 v18, v21;
	v20 =	vsel @!p0 vm2, $0x0, v20  }
0xb1: {  	v18 =	vadd.s32 @!p0 v20, v18  }
0xb2: {  	v18 =	vsel @!p0 vm4, v18, v11;
	_ =	sdelay $0x2  }
0xb3: {  	s26 =	sadd.s32 @!p0 s26, s14  }
0xb4: {  	v21 =	vor.u32 @!p0 s26, v4  }
0xb5: {  	v20 =	vld.idx.msk @!p0 [tilespmem:v10+s4+$0x0], $0xffff;
	[tilespmem:v18+s25+$0x0] =	vst.idx.msk @!p0 $0xffff, v21  }
0xb6: {  	[tilespmem:v18+s6+$0x0] =	vst.idx.msk @!p0 $0xffff, v17  }
0xb7: {  	s2 =	sadd.s32 @!p0 s23, s2;
	v17 =	vld @!p0 [tilespmem:s1+$0x680]  }
0xb8: {  	v21 =	vmov @!p0 s2  }
0xb9: {  	v21 =	vadd.s32 @!p0 $0xFFFFFFFF, v21  }
0xba: {  	v21 =	vbroadcast @!p0 v21, $0x0;
	_ =	sdelay $0x1  }
0xbb: {  	v20 =	vsel @!p0 vm2, $0x0, v20;
	v19 =	vadd.s32 @!p0 v19, v21;
	[tilespmem:v18+s7+$0x0] =	vst.idx.msk @!p0 $0xffff, v17  }
0xbc: {  	v17 =	vadd.s32 @!p0 v20, v19;
	v19 =	vld @!p0 [tilespmem:s1+$0xD00]  }
0xbd: {  	v17 =	vsel @!p0 vm3, v17, v11;
	_ =	sdelay $0x3  }
0xbe: {  	[tilespmem:v18+s29+$0x0] =	vst.idx.msk @!p0 $0xffff, v19;
	v18 =	vor.u32 @!p0 s26, v12  }
0xbf: {  	[tilespmem:v17+s25+$0x0] =	vst.idx.msk @!p0 $0xffff, v18  }
0xc0: {  	[tilespmem:v17+s6+$0x0] =	vst.idx.msk @!p0 $0xffff, v16  }
0xc1: {  	v16 =	vld @!p0 [tilespmem:s0+$0x680];
	_ =	sdelay $0x4  }
0xc2: {  	[tilespmem:v17+s7+$0x0] =	vst.idx.msk @!p0 $0xffff, v16  }
0xc3: {  	v16 =	vld @!p0 [tilespmem:s0+$0xD00];
	_ =	sdelay $0x3  }
0xc4: {  	s23 =	sadd.s32 s23, s21  }
0xc5: {  	[tilespmem:v17+s29+$0x0] =	vst.idx.msk @!p0 $0xffff, v16;
	p0 =	slt.s32 s23, $0x40  }
.Ltmp9:
0xc6: {  	_ = 	snop;
	(pc) =	sbr.rel @p0 .LBB2_11-.Ltmp9, $1  }
0xc7: {  	_ =	sdelay $0x3  }
0xc8: {  	[tilespmem:s11], [sflag:$0x2] =	stream.indirect.gather [hbm4b:s3+s30], $0x80, s7, s30, $0xb8;
	[tilespmem:$0x1D740] =	vst v63  }
0xc9: {  	_ = 	snop  }
0xca: {  	[tilespmem:s12], [sflag:$0x2] =	stream.indirect.gather [hbm4b:s8+s30], $0x80, s29, s30, $0xb8;
	[tilespmem:$0x1D740] =	vst v63  }
0xcb: {  	_ = 	snop  }
0xcc: {  	[tilespmem:s15], [sflag:$0x2] =	stream.indirect.gather [hbm4b:s10+s30], $0x80, s25, s30, $0xb8;
	[tilespmem:$0x1D740] =	vst v63  }
0xcd: {  	v16 =	vld [tilespmem:$0x1400];
	_ =	sdelay $0x1  }
0xce: {  	v17 =	vld [tilespmem:$0x1410];
	_ =	sdelay $0x1  }
0xcf: {  	v18 =	vld [tilespmem:$0x1420]  }
0xd0: {  	v19 =	vadd.s32 v14, v16  }
0xd1: {  	v20 =	vld [tilespmem:$0x1430];
	vm3 =	vgt.s32 v19, $0x13AFF  }
0xd2: {  	v22 =	vadd.s32 v14, v17;
	v21 =	vsel vm3, $0xFFFFFD80, v1  }
0xd3: {  	vm3 =	vgt.s32 v22, $0x13AFF;
	v19 =	vadd.s32 v19, v21  }
0xd4: {  	v23 =	vadd.s32 v14, v18;
	v21 =	vsel vm3, $0xFFFFFD80, v1;
	vm3 =	vlt.s32 v19, $0x270FF  }
0xd5: {  	[tilespmem:$0x1580] =	vst v16;
	v16 =	vnsel vm3, $0x270FF, v19;
	v19 =	vadd.s32 v22, v21;
	vm3 =	vgt.s32 v23, $0x13AFF  }
0xd6: {  	v21 =	vadd.s32 v14, v20;
	[tilespmem:$0x1600] =	vst v16;
	v16 =	vsel vm3, $0xFFFFFD80, v1;
	vm3 =	vlt.s32 v19, $0x270FF  }
0xd7: {  	[tilespmem:$0x1590] =	vst v17;
	v17 =	vnsel vm3, $0x270FF, v19;
	vm3 =	vgt.s32 v21, $0x13AFF  }
0xd8: {  	v16 =	vadd.s32 v23, v16;
	[tilespmem:$0x1610] =	vst v17;
	v17 =	vsel vm3, $0xFFFFFD80, v1  }
0xd9: {  	[tilespmem:$0x15A0] =	vst v18;
	vm3 =	vlt.s32 v16, $0x270FF;
	v17 =	vadd.s32 v21, v17  }
0xda: {  	[tilespmem:$0x15B0] =	vst v20;
	v16 =	vnsel vm3, $0x270FF, v16;
	vm3 =	vlt.s32 v17, $0x270FF  }
0xdb: {  	[tilespmem:$0x1620] =	vst v16;
	v16 =	vnsel vm3, $0x270FF, v17  }
0xdc: {  	[tilespmem:$0x1630] =	vst v16  }
0xdd: {  	[tilespmem:s17], [sflag:$0x2] =	stream.indirect.gather [hbm4b:s9+s30], $0x80, s16, s30, $0xb8;
	[tilespmem:$0x1D740] =	vst v63  }
0xde: {  	_ =	swait.ge [sflag:s18], $0x2000  }
0xdf: {  	[sflag:s18] =	ssyncset.done $0x0  }
0xe0: {  	[sflag:s18] =	ssyncadd.s32 $0xFFFFE000  }
0xe1: {  	_ =	swait.ge [sflag:s18], $0x2000  }
0xe2: {  	[sflag:s18] =	ssyncset.done $0x0  }
0xe3: {  	[sflag:s18] =	ssyncadd.s32 $0xFFFFE000  }
0xe4: {  	_ =	swait.ge [sflag:s18], $0x2000  }
0xe5: {  	[sflag:s18] =	ssyncset.done $0x0  }
0xe6: {  	[sflag:s18] =	ssyncadd.s32 $0xFFFFE000  }
0xe7: {  	_ =	swait.ge [sflag:s18], $0x2000  }
0xe8: {  	[sflag:s18] =	ssyncset.done $0x0  }
0xe9: {  	s26 =	simm.s32 $0x0;
	[sflag:s18] =	ssyncadd.s32 $0xFFFFE000  }
0xea: {  	v16 =	vld [tilespmem:s26+$0x3680]  }
0xeb: {  	v18 =	vld [tilespmem:s26+$0x36D0]  }
0xec: {  	v17 =	vld [tilespmem:s26+$0x36B0]  }
0xed: {  	v19 =	vld [tilespmem:s26+$0x56B0]  }
0xee: {  	v20 =	vld [tilespmem:s26+$0x36C0]  }
0xef: {  	v21 =	vld [tilespmem:s26+$0x36E0]  }
0xf0: {  	v24 =	vld [tilespmem:s26+$0x7680]  }
0xf1: {  	v22 =	vld [tilespmem:s26+$0x16B0]  }
0xf2: {  	v25 =	vld [tilespmem:s26+$0x3690]  }
0xf3: {  	v26 =	vld [tilespmem:s26+$0x1690]  }
0xf4: {  	v27 =	vld [tilespmem:s26+$0x7690]  }
0xf5: {  	v28 =	vld [tilespmem:s26+$0x76B0]  }
0xf6: {  	v29 =	vld [tilespmem:s26+$0x5690]  }
0xf7: {  	v30 =	vld [tilespmem:s26+$0x56C0];
	v17 =	vadd.f32 v17, v22  }
0xf8: {  	v22 =	vld [tilespmem:s26+$0x16C0]  }
0xf9: {  	v25 =	vadd.f32 v25, v26;
	v26 =	vld [tilespmem:s26+$0x1680];
	v17 =	vadd.f32 v19, v17  }
0xfa: {  	v31 =	vld [tilespmem:s26+$0x5680]  }
0xfb: {  	v19 =	vadd.f32 v28, v17;
	v17 =	vadd.f32 v29, v25;
	v25 =	vld [tilespmem:s26+$0x16D0]  }
0xfc: {  	v29 =	vld [tilespmem:s26+$0x16E0]  }
0xfd: {  	v32 =	vld [tilespmem:s26+$0x76C0];
	v20 =	vadd.f32 v20, v22;
	v28 =	vsub.f32 $0.0e+00, v19  }
0xfe: {  	v23 =	vld [tilespmem:s26+$0x56D0];
	v16 =	vadd.f32 v16, v26;
	v17 =	vadd.f32 v27, v17  }
0xff: {  	v27 =	vld [tilespmem:s26+$0x56E0];
	v20 =	vadd.f32 v30, v20;
	v22 =	vmul.f32 $1.442695020e+00, v28  }
0x100: {  	v26 =	vld [tilespmem:s26+$0x76D0];
	v16 =	vadd.f32 v31, v16;
	v28 =	vsub.f32 $0.0e+00, v17  }
0x101: {  	v18 =	vadd.f32 v18, v25;
	v21 =	vadd.f32 v21, v29;
	(erf) = vpow2.f32 v22  }
0x102: {  	v33 =	vld [tilespmem:s26+$0x76E0];
	v22 =	vadd.f32 v32, v20;
	v20 =	vadd.f32 v24, v16;
	v24 =	vmul.f32 $1.442695020e+00, v28  }
0x103: {  	v25 =	vld [tilespmem:s26+$0x36A0];
	v18 =	vadd.f32 v23, v18  }
0x104: {  	v29 =	vld [tilespmem:s26+$0x16A0];
	v16 =	vadd.f32 v27, v21;
	v27 =	vsub.f32 $0.0e+00, v22;
	(erf) = vpow2.f32 v24  }
0x105: {  	v18 =	vadd.f32 v26, v18  }
0x106: {  	v28 =	vld [tilespmem:s26+$0x56A0];
	v26 =	vsub.f32 $0.0e+00, v20;
	v24 =	vmul.f32 $1.442695020e+00, v27  }
0x107: {  	v23 =	vld [tilespmem:s26+$0x36F0];
	v16 =	vadd.f32 v33, v16;
	v30 =	vsub.f32 $0.0e+00, v18  }
0x108: {  	v27 =	vld [tilespmem:s26+$0x76A0];
	(erf) = vpow2.f32 v24  }
0x109: {  	v25 =	vadd.f32 v25, v29;
	v31 =	vmul.f32 $1.442695020e+00, v26;
	v63 =	vsub.f32 $0.0e+00, v16;
	v26 =	vld [tilespmem:s26+$0x16F0]  }
0x10a: {  	v21 =	vld [tilespmem:s26+$0x76F0];
	v24 =	vmul.f32 $1.442695020e+00, v30  }
0x10b: {  	s0 =	simm.s32 $0x200;
	s21 =	simm.s32 $0x400;
	v29 =	vadd.f32 v28, v25;
	v25 =	vld [tilespmem:s26+$0x56F0];
	(erf) = vpow2.f32 v31;
	v28 =	vmul.f32 $1.442695020e+00, v63;
	v30 =	vpop (erf)  }
.LBB2_9:
0x10c: {  	p0 =	sne.s32 s21, $0x7E00  }
0x10d: {  	s1 =	sshra.s32 s0, $0x2;
	v27 =	vadd.f32 v27, v29;
	v29 =	vadd.f32 $1.000000000e+00, v30;
	v30 =	vpop (erf);
	(erf) = vpow2.f32 v24;
	s0 =	smov.u32 s21;
	s21 =	sadd.s32 $0x200, s21  }
0x10e: {  	v24 =	vld [tilespmem:s1+$0x76E0];
	v32 =	vadd.f32 $1.000000000e+00, v30;
	v26 =	vadd.f32 v23, v26;
	(erf) = vpow2.f32 v28  }
0x10f: {  	v28 =	vld [tilespmem:s1+$0x3680];
	v31 =	vsub.f32 $0.0e+00, v27;
	(erf) = vrcp.f32 v29  }
0x110: {  	v23 =	vld [tilespmem:s1+$0x36F0];
	v25 =	vadd.f32 v25, v26;
	(erf) = vrcp.f32 v32  }
0x111: {  	v26 =	vld [tilespmem:s1+$0x36D0];
	v29 =	vmul.f32 $1.442695020e+00, v31;
	v30 =	vpop (erf)  }
0x112: {  	v31 =	vld [tilespmem:s1+$0x36B0];
	v30 =	vadd.f32 $1.000000000e+00, v30;
	v25 =	vadd.f32 v21, v25  }
0x113: {  	v32 =	vld [tilespmem:s1+$0x56B0];
	(erf) = vpow2.f32 v29  }
0x114: {  	v29 =	vld [tilespmem:s1+$0x36C0];
	v33 =	vsub.f32 $0.0e+00, v25;
	v34 =	vpop (erf);
	(erf) = vrcp.f32 v30  }
0x115: {  	v21 =	vld [tilespmem:s1+$0x76F0];
	v35 =	vadd.f32 $1.000000000e+00, v34  }
0x116: {  	v33 =	vmul.f32 $1.442695020e+00, v33;
	v34 =	vpop (erf)  }
0x117: {  	v34 =	vadd.f32 $1.000000000e+00, v34;
	(erf) = vrcp.f32 v35;
	v30 =	vpop (erf)  }
0x118: {  	v35 =	vld [tilespmem:s1+$0x36E0];
	v30 =	vadd.f32 $1.000000000e+00, v30;
	v36 =	vpop (erf);
	(erf) = vpow2.f32 v33  }
0x119: {  	v33 =	vld [tilespmem:s1+$0x56D0];
	v19 =	vmul.f32 v36, v19;
	v36 =	vpop (erf);
	(erf) = vrcp.f32 v34  }
0x11a: {  	v34 =	vld [tilespmem:s1+$0x7680];
	v36 =	vmul.f32 v36, v17;
	(erf) = vrcp.f32 v30  }
0x11b: {  	v30 =	vld [tilespmem:s1+$0x3690];
	[tilespmem:s26+$0x16B0] =	vst v19  }
0x11c: {  	v19 =	vld [tilespmem:s1+$0x16B0];
	[tilespmem:s26+$0x1690] =	vst v36;
	v17 =	vpop (erf)  }
0x11d: {  	v36 =	vld [tilespmem:s1+$0x1690];
	v17 =	vadd.f32 $1.000000000e+00, v17;
	v37 =	vpop (erf)  }
0x11e: {  	v38 =	vld [tilespmem:s1+$0x7690];
	v39 =	vmul.f32 v37, v22  }
0x11f: {  	v37 =	vld [tilespmem:s1+$0x5690];
	(erf) = vrcp.f32 v17  }
0x120: {  	v17 =	vld [tilespmem:s1+$0x76B0];
	[tilespmem:s26+$0x16C0] =	vst v39;
	v22 =	vpop (erf)  }
0x121: {  	v19 =	vadd.f32 v31, v19;
	v31 =	vld [tilespmem:s1+$0x16C0];
	v40 =	vmul.f32 v22, v20;
	v22 =	vpop (erf)  }
0x122: {  	v30 =	vadd.f32 v30, v36;
	v36 =	vld [tilespmem:s1+$0x76C0];
	v22 =	vadd.f32 $1.000000000e+00, v22;
	v39 =	vpop (erf)  }
0x123: {  	v19 =	vadd.f32 v32, v19;
	v32 =	vld [tilespmem:s1+$0x56C0];
	[tilespmem:s26+$0x1680] =	vst v40;
	v18 =	vmul.f32 v39, v18;
	v20 =	vpop (erf)  }
0x124: {  	v39 =	vld [tilespmem:s1+$0x1680];
	v30 =	vadd.f32 v37, v30;
	v16 =	vmul.f32 v20, v16;
	(erf) = vrcp.f32 v22  }
0x125: {  	v20 =	vld [tilespmem:s1+$0x5680];
	v19 =	vadd.f32 v17, v19;
	[tilespmem:s26+$0x16D0] =	vst v18  }
0x126: {  	v17 =	vadd.f32 v38, v30;
	v18 =	vadd.f32 v29, v31;
	v29 =	vld [tilespmem:s1+$0x16D0];
	[tilespmem:s26+$0x16E0] =	vst v16  }
0x127: {  	v16 =	vsub.f32 $0.0e+00, v19;
	v30 =	vld [tilespmem:s1+$0x16E0]  }
0x128: {  	v22 =	vsub.f32 $0.0e+00, v17;
	v18 =	vadd.f32 v32, v18;
	v31 =	vld [tilespmem:s1+$0x56E0];
	v32 =	vpop (erf)  }
0x129: {  	v28 =	vadd.f32 v28, v39;
	v16 =	vmul.f32 $1.442695020e+00, v16;
	v37 =	vld [tilespmem:s1+$0x76D0];
	v27 =	vmul.f32 v32, v27  }
0x12a: {  	v32 =	vmul.f32 $1.442695020e+00, v22;
	v22 =	vadd.f32 v36, v18  }
0x12b: {  	v18 =	vadd.f32 v20, v28;
	v28 =	vld [tilespmem:s1+$0x36A0];
	v36 =	vadd.f32 v26, v29;
	(erf) = vpow2.f32 v16;
	[tilespmem:s26+$0x16A0] =	vst v27  }
0x12c: {  	v29 =	vld [tilespmem:s1+$0x16A0];
	v16 =	vsub.f32 $0.0e+00, v22;
	v27 =	vadd.f32 v35, v30;
	(erf) = vpow2.f32 v32  }
0x12d: {  	v20 =	vadd.f32 v34, v18;
	v18 =	vadd.f32 v33, v36;
	v26 =	vpop (erf)  }
0x12e: {  	v30 =	vld [tilespmem:s1+$0x56A0];
	v32 =	vmul.f32 $1.442695020e+00, v16;
	v16 =	vadd.f32 v31, v27;
	v25 =	vmul.f32 v26, v25  }
0x12f: {  	v26 =	vsub.f32 $0.0e+00, v20;
	v18 =	vadd.f32 v37, v18  }
.Ltmp10:
0x130: {  	v27 =	vld [tilespmem:s1+$0x76A0];
	v16 =	vadd.f32 v24, v16;
	(erf) = vpow2.f32 v32;
	[tilespmem:s26+$0x16F0] =	vst v25;
	s26 =	smov.u32 s1;
	(pc) =	sbr.rel @p0 .LBB2_9-.Ltmp10, $4  }
0x131: {  	v31 =	vmul.f32 $1.442695020e+00, v26;
	v24 =	vadd.f32 v28, v29;
	v25 =	vsub.f32 $0.0e+00, v18;
	v26 =	vld [tilespmem:s26+$0x16F0]  }
0x132: {  	v28 =	vsub.f32 $0.0e+00, v16  }
0x133: {  	v29 =	vadd.f32 v30, v24;
	v24 =	vmul.f32 $1.442695020e+00, v25;
	v25 =	vld [tilespmem:s26+$0x56F0];
	(erf) = vpow2.f32 v31  }
0x134: {  	v28 =	vmul.f32 $1.442695020e+00, v28;
	v30 =	vpop (erf)  }
0x135: {  	v30 =	vadd.f32 $1.000000000e+00, v30;
	(erf) = vpow2.f32 v24;
	v45 =	vpop (erf)  }
0x136: {  	(erf) = vpow2.f32 v28;
	v24 =	vadd.f32 $1.000000000e+00, v45  }
0x137: {  	v27 =	vadd.f32 v27, v29;
	(erf) = vrcp.f32 v30  }
0x138: {  	v23 =	vadd.f32 v23, v26;
	(erf) = vrcp.f32 v24  }
0x139: {  	s21 =	sshra.s32 s0, $0x2;
	v46 =	vsub.f32 $0.0e+00, v27  }
0x13a: {  	v28 =	vld [tilespmem:s21+$0x76E0];
	v23 =	vadd.f32 v25, v23  }
0x13b: {  	v29 =	vld [tilespmem:s21+$0x3680];
	v47 =	vmul.f32 $1.442695020e+00, v46;
	v48 =	vpop (erf)  }
0x13c: {  	v31 =	vld [tilespmem:s21+$0x36F0];
	v49 =	vadd.f32 $1.000000000e+00, v48;
	v21 =	vadd.f32 v21, v23  }
0x13d: {  	v32 =	vld [tilespmem:s21+$0x36B0];
	(erf) = vpow2.f32 v47;
	v33 =	vpop (erf)  }
0x13e: {  	v50 =	vld [tilespmem:s21+$0x56B0];
	(erf) = vrcp.f32 v49;
	v36 =	vsub.f32 $0.0e+00, v21;
	v52 =	vpop (erf)  }
0x13f: {  	v51 =	vld [tilespmem:s21+$0x36C0];
	v33 =	vadd.f32 $1.000000000e+00, v33;
	v34 =	vpop (erf)  }
0x140: {  	v35 =	vld [tilespmem:s21+$0x36E0];
	v36 =	vmul.f32 $1.442695020e+00, v36;
	v37 =	vpop (erf)  }
0x141: {  	v38 =	vld [tilespmem:s21+$0x56D0];
	(erf) = vrcp.f32 v33;
	v53 =	vpop (erf)  }
0x142: {  	v39 =	vld [tilespmem:s21+$0x3690];
	v25 =	vadd.f32 $1.000000000e+00, v52;
	(erf) = vpow2.f32 v36;
	v17 =	vmul.f32 v53, v17  }
0x143: {  	v24 =	vld [tilespmem:s21+$0x36D0];
	v19 =	vmul.f32 v37, v19  }
0x144: {  	v23 =	vld [tilespmem:s21+$0x76F0];
	v54 =	vadd.f32 $1.000000000e+00, v34;
	(erf) = vrcp.f32 v25  }
0x145: {  	v37 =	vld [tilespmem:s21+$0x7680];
	[tilespmem:s26+$0x16B0] =	vst v19  }
0x146: {  	v19 =	vld [tilespmem:s21+$0x16B0];
	[tilespmem:s26+$0x1690] =	vst v17;
	v17 =	vpop (erf);
	(erf) = vrcp.f32 v54  }
0x147: {  	v55 =	vld [tilespmem:s21+$0x1690];
	v56 =	vpop (erf)  }
0x148: {  	v57 =	vld [tilespmem:s21+$0x7690];
	v22 =	vmul.f32 v56, v22  }
0x149: {  	v58 =	vld [tilespmem:s21+$0x5690];
	v17 =	vadd.f32 $1.000000000e+00, v17  }
0x14a: {  	v59 =	vld [tilespmem:s21+$0x76B0];
	v60 =	vpop (erf);
	[tilespmem:s26+$0x16C0] =	vst v22  }
0x14b: {  	(erf) = vrcp.f32 v17;
	v17 =	vmul.f32 v60, v20;
	v62 =	vpop (erf);
	v40 =	vld [tilespmem:s21+$0x16C0]  }
0x14c: {  	v61 =	vld [tilespmem:s21+$0x76C0];
	v22 =	vadd.f32 $1.000000000e+00, v62  }
0x14d: {  	v41 =	vld [tilespmem:s21+$0x56C0];
	v42 =	vpop (erf);
	[tilespmem:s26+$0x1680] =	vst v17  }
0x14e: {  	v17 =	vmul.f32 v42, v18;
	v63 =	vld [tilespmem:s21+$0x1680];
	(erf) = vrcp.f32 v22  }
0x14f: {  	v19 =	vadd.f32 v32, v19;
	v45 =	vpop (erf)  }
0x150: {  	v46 =	vld [tilespmem:s21+$0x5680];
	[tilespmem:s26+$0x16D0] =	vst v17;
	v17 =	vadd.f32 v39, v55;
	v16 =	vmul.f32 v45, v16  }
0x151: {  	v19 =	vadd.f32 v50, v19  }
0x152: {  	v47 =	vld [tilespmem:s21+$0x16D0];
	[tilespmem:s26+$0x16E0] =	vst v16;
	v16 =	vadd.f32 v58, v17;
	v17 =	vadd.f32 v51, v40  }
0x153: {  	v19 =	vadd.f32 v59, v19;
	v18 =	vadd.f32 v29, v63  }
0x154: {  	v50 =	vpop (erf);
	v48 =	vld [tilespmem:s21+$0x16E0];
	v16 =	vadd.f32 v57, v16;
	v17 =	vadd.f32 v41, v17  }
0x155: {  	v52 =	vsub.f32 $0.0e+00, v19;
	v49 =	vld [tilespmem:s21+$0x56E0];
	v27 =	vmul.f32 v50, v27;
	v18 =	vadd.f32 v46, v18  }
0x156: {  	v51 =	vld [tilespmem:s21+$0x76D0];
	v54 =	vsub.f32 $0.0e+00, v16;
	v17 =	vadd.f32 v61, v17  }
0x157: {  	v55 =	vmul.f32 $1.442695020e+00, v52;
	v53 =	vld [tilespmem:s21+$0x36A0];
	[tilespmem:s26+$0x16A0] =	vst v27;
	v18 =	vadd.f32 v37, v18;
	v56 =	vpop (erf)  }
0x158: {  	v27 =	vld [tilespmem:s21+$0x16A0];
	v21 =	vmul.f32 v56, v21;
	v33 =	vmul.f32 $1.442695020e+00, v54;
	v57 =	vsub.f32 $0.0e+00, v17  }
0x159: {  	(erf) = vpow2.f32 v55;
	v24 =	vadd.f32 v24, v47;
	v58 =	vld [tilespmem:s21+$0x56A0];
	v59 =	vsub.f32 $0.0e+00, v18  }
0x15a: {  	v60 =	vld [tilespmem:s21+$0x76A0];
	v26 =	vadd.f32 v35, v48;
	[tilespmem:s26+$0x16F0] =	vst v21;
	(erf) = vpow2.f32 v33;
	v61 =	vmul.f32 $1.442695020e+00, v57  }
0x15b: {  	v62 =	vadd.f32 v38, v24;
	v20 =	vmul.f32 $1.442695020e+00, v59;
	v63 =	vld [tilespmem:s21+$0x16F0]  }
0x15c: {  	v26 =	vadd.f32 v49, v26;
	(erf) = vpow2.f32 v61  }
0x15d: {  	v21 =	vadd.f32 v51, v62;
	v32 =	vld [tilespmem:s21+$0x56F0];
	v22 =	vadd.f32 v53, v27;
	(erf) = vpow2.f32 v20  }
0x15e: {  	v33 =	vadd.f32 v28, v26  }
0x15f: {  	v34 =	vsub.f32 $0.0e+00, v21;
	v22 =	vadd.f32 v58, v22  }
0x160: {  	v28 =	vsub.f32 $0.0e+00, v33;
	v24 =	vadd.f32 v31, v63  }
0x161: {  	v26 =	vmul.f32 $1.442695020e+00, v34;
	v22 =	vadd.f32 v60, v22  }
0x162: {  	v36 =	vpop (erf);
	v35 =	vmul.f32 $1.442695020e+00, v28;
	v24 =	vadd.f32 v32, v24  }
0x163: {  	v37 =	vadd.f32 $1.000000000e+00, v36;
	(erf) = vpow2.f32 v26;
	v39 =	vsub.f32 $0.0e+00, v22;
	v38 =	vpop (erf)  }
0x164: {  	(erf) = vpow2.f32 v35;
	v23 =	vadd.f32 v23, v24;
	v28 =	vadd.f32 $1.000000000e+00, v38  }
0x165: {  	(erf) = vrcp.f32 v37;
	v40 =	vmul.f32 $1.442695020e+00, v39;
	v41 =	vpop (erf)  }
0x166: {  	v42 =	vsub.f32 $0.0e+00, v23;
	(erf) = vrcp.f32 v28;
	v25 =	vadd.f32 $1.000000000e+00, v41;
	v43 =	vpop (erf)  }
0x167: {  	(erf) = vpow2.f32 v40;
	v44 =	vadd.f32 $1.000000000e+00, v43  }
0x168: {  	v45 =	vmul.f32 $1.442695020e+00, v42;
	(erf) = vrcp.f32 v25  }
0x169: {  	(erf) = vrcp.f32 v44  }
0x16a: {  	(erf) = vpow2.f32 v45;
	_ =	sdelay $0x1  }
0x16b: {  	v46 =	vpop (erf)  }
0x16c: {  	v47 =	vpop (erf)  }
0x16d: {  	v48 =	vpop (erf)  }
0x16e: {  	v49 =	vpop (erf)  }
0x16f: {  	v50 =	vpop (erf)  }
0x170: {  	v24 =	vadd.f32 $1.000000000e+00, v46;
	v51 =	vpop (erf)  }
0x171: {  	v25 =	vadd.f32 $1.000000000e+00, v47;
	v52 =	vpop (erf)  }
0x172: {  	(erf) = vrcp.f32 v24;
	v53 =	vadd.f32 $1.000000000e+00, v50;
	v54 =	vpop (erf)  }
0x173: {  	(erf) = vrcp.f32 v25;
	v55 =	vadd.f32 $1.000000000e+00, v54  }
0x174: {  	(erf) = vrcp.f32 v53  }
0x175: {  	(erf) = vrcp.f32 v55;
	_ =	sdelay $0x2  }
0x176: {  	v19 =	vmul.f32 v48, v19  }
0x177: {  	v16 =	vmul.f32 v49, v16  }
0x178: {  	[tilespmem:s21+$0x16B0] =	vst v19;
	v17 =	vmul.f32 v51, v17  }
0x179: {  	[tilespmem:s21+$0x1690] =	vst v16;
	v16 =	vmul.f32 v52, v18;
	v56 =	vpop (erf)  }
0x17a: {  	[tilespmem:s21+$0x16C0] =	vst v17;
	v17 =	vmul.f32 v56, v21;
	v57 =	vpop (erf)  }
0x17b: {  	[tilespmem:s21+$0x1680] =	vst v16;
	v16 =	vmul.f32 v57, v33;
	v58 =	vpop (erf)  }
0x17c: {  	[tilespmem:s21+$0x16D0] =	vst v17;
	v17 =	vmul.f32 v58, v22;
	v59 =	vpop (erf)  }
0x17d: {  	[tilespmem:s21+$0x16E0] =	vst v16;
	v16 =	vmul.f32 v59, v23  }
0x17e: {  	[tilespmem:s21+$0x16A0] =	vst v17  }
0x17f: {  	[tilespmem:s21+$0x16F0] =	vst v16  }
0x180: {  	[spmem:s5] =	stream.indirect.scatter.add.f32 [tilespmem:s11], [sflag:$0x3], $0x80, s19, s30, $0xb8;
	[tilespmem:$0x1D740] =	vst v63  }
0x181: {  	_ =	swait.ge [sflag:s28], $0x2000  }
0x182: {  	[sflag:s28] =	ssyncset.done $0x0  }
0x183: {  	[sflag:s28] =	ssyncadd.s32 $0xFFFFE000  }
0x184: {  	v16 =	vld [tilespmem:$0x13C0]  }
0x185: {  	v17 =	vld [tilespmem:$0x13D0]  }
0x186: {  	v60 =	vld [tilespmem:$0x1440]  }
0x187: {  	v61 =	vld [tilespmem:$0x1450]  }
0x188: {  	v62 =	vld [tilespmem:$0x14C0]  }
0x189: {  	v63 =	vld [tilespmem:$0x1550];
	[tilespmem:$0x1380] =	vst v16  }
0x18a: {  	v16 =	vld [tilespmem:$0x14D0];
	[tilespmem:$0x1390] =	vst v17  }
0x18b: {  	v17 =	vld [tilespmem:$0x1540];
	[tilespmem:$0x1400] =	vst v60  }
.Ltmp11:
0x18c: {  	[tilespmem:$0x1410] =	vst v61;
	(pc) =	sbr.rel .LBB2_11-.Ltmp11, $4  }
0x18d: {  	[tilespmem:$0x1480] =	vst v62  }
0x18e: {  	[tilespmem:$0x1510] =	vst v63  }
0x18f: {  	[tilespmem:$0x1490] =	vst v16  }
0x190: {  	[tilespmem:$0x1500] =	vst v17  }
.LBB2_12:
0x191: {  	p0 =	slt.s32 s23, $0x1  }
.Ltmp12:
0x192: {  	_ = 	snop;
	(pc) =	sbr.rel @p0 .LBB2_16-.Ltmp12, $1  }
0x193: {  	_ =	sdelay $0x3  }
0x194: {  	v15 =	vadd.s32 s23, v4;
	_ =	sdelay $0x2  }
0x195: {  	s0 =	sadd.s32 $0x10, s23  }
0x196: {  	v16 =	vadd.s32 s0, v4  }
0x197: {  	[tilespmem:v15+s25+$0x0] =	vst.idx.msk $0xffff, v1  }
0x198: {  	[tilespmem:v15+s6+$0x0] =	vst.idx.msk $0xffff, v13  }
0x199: {  	s24 =	sadd.s32 $0x20, s23;
	[tilespmem:v15+s7+$0x0] =	vst.idx.msk $0xffff, v1  }
0x19a: {  	[tilespmem:v15+s29+$0x0] =	vst.idx.msk $0xffff, v1;
	v15 =	vadd.s32 s24, v4  }
0x19b: {  	[tilespmem:v16+s25+$0x0] =	vst.idx.msk $0xffff, v1  }
0x19c: {  	[tilespmem:v16+s6+$0x0] =	vst.idx.msk $0xffff, v13  }
0x19d: {  	s26 =	sadd.s32 $0x30, s23;
	[tilespmem:v16+s7+$0x0] =	vst.idx.msk $0xffff, v1  }
0x19e: {  	[tilespmem:v16+s29+$0x0] =	vst.idx.msk $0xffff, v1;
	v16 =	vadd.s32 s26, v4  }
0x19f: {  	[tilespmem:v15+s25+$0x0] =	vst.idx.msk $0xffff, v1  }
0x1a0: {  	[tilespmem:v15+s6+$0x0] =	vst.idx.msk $0xffff, v13  }
0x1a1: {  	[tilespmem:v15+s7+$0x0] =	vst.idx.msk $0xffff, v1  }
0x1a2: {  	[tilespmem:v15+s29+$0x0] =	vst.idx.msk $0xffff, v1  }
0x1a3: {  	[tilespmem:v16+s25+$0x0] =	vst.idx.msk $0xffff, v1  }
0x1a4: {  	[tilespmem:v16+s6+$0x0] =	vst.idx.msk $0xffff, v13  }
0x1a5: {  	[tilespmem:v16+s7+$0x0] =	vst.idx.msk $0xffff, v1  }
0x1a6: {  	[tilespmem:v16+s29+$0x0] =	vst.idx.msk $0xffff, v1  }
0x1a7: {  	[tilespmem:s11], [sflag:$0x2] =	stream.indirect.gather [hbm4b:s3+s30], $0x80, s7, s30, $0xb8;
	[tilespmem:$0x1D740] =	vst v63  }
0x1a8: {  	_ = 	snop  }
0x1a9: {  	[tilespmem:s12], [sflag:$0x2] =	stream.indirect.gather [hbm4b:s8+s30], $0x80, s29, s30, $0xb8;
	[tilespmem:$0x1D740] =	vst v63  }
0x1aa: {  	_ = 	snop  }
0x1ab: {  	[tilespmem:s15], [sflag:$0x2] =	stream.indirect.gather [hbm4b:s10+s30], $0x80, s25, s30, $0xb8;
	[tilespmem:$0x1D740] =	vst v63  }
0x1ac: {  	v15 =	vld [tilespmem:$0x1400];
	_ =	sdelay $0x1  }
0x1ad: {  	v16 =	vld [tilespmem:$0x1410];
	_ =	sdelay $0x1  }
0x1ae: {  	v17 =	vld [tilespmem:$0x1420]  }
0x1af: {  	v18 =	vadd.s32 v14, v15  }
0x1b0: {  	v19 =	vld [tilespmem:$0x1430];
	vm3 =	vgt.s32 v18, $0x13AFF  }
0x1b1: {  	v21 =	vadd.s32 v14, v16;
	v20 =	vsel vm3, $0xFFFFFD80, v1  }
0x1b2: {  	vm3 =	vgt.s32 v21, $0x13AFF;
	v18 =	vadd.s32 v18, v20  }
0x1b3: {  	v22 =	vadd.s32 v14, v17;
	v20 =	vsel vm3, $0xFFFFFD80, v1;
	vm3 =	vlt.s32 v18, $0x270FF  }
0x1b4: {  	[tilespmem:$0x1580] =	vst v15;
	v15 =	vnsel vm3, $0x270FF, v18;
	v18 =	vadd.s32 v21, v20;
	vm3 =	vgt.s32 v22, $0x13AFF  }
0x1b5: {  	v14 =	vadd.s32 v14, v19;
	[tilespmem:$0x1600] =	vst v15;
	v15 =	vsel vm3, $0xFFFFFD80, v1;
	vm3 =	vlt.s32 v18, $0x270FF  }
0x1b6: {  	[tilespmem:$0x1590] =	vst v16;
	v16 =	vnsel vm3, $0x270FF, v18;
	vm3 =	vgt.s32 v14, $0x13AFF  }
0x1b7: {  	v15 =	vadd.s32 v22, v15;
	[tilespmem:$0x1610] =	vst v16;
	v16 =	vsel vm3, $0xFFFFFD80, v1  }
0x1b8: {  	[tilespmem:$0x15A0] =	vst v17;
	vm3 =	vlt.s32 v15, $0x270FF;
	v14 =	vadd.s32 v14, v16  }
0x1b9: {  	[tilespmem:$0x15B0] =	vst v19;
	v15 =	vnsel vm3, $0x270FF, v15;
	vm3 =	vlt.s32 v14, $0x270FF  }
0x1ba: {  	[tilespmem:$0x1620] =	vst v15;
	v14 =	vnsel vm3, $0x270FF, v14  }
0x1bb: {  	[tilespmem:$0x1630] =	vst v14  }
0x1bc: {  	[tilespmem:s17], [sflag:$0x2] =	stream.indirect.gather [hbm4b:s9+s30], $0x80, s16, s30, $0xb8;
	[tilespmem:$0x1D740] =	vst v63  }
0x1bd: {  	_ =	swait.ge [sflag:s18], $0x2000  }
0x1be: {  	[sflag:s18] =	ssyncset.done $0x0  }
0x1bf: {  	[sflag:s18] =	ssyncadd.s32 $0xFFFFE000  }
0x1c0: {  	_ =	swait.ge [sflag:s18], $0x2000  }
0x1c1: {  	[sflag:s18] =	ssyncset.done $0x0  }
0x1c2: {  	[sflag:s18] =	ssyncadd.s32 $0xFFFFE000  }
0x1c3: {  	_ =	swait.ge [sflag:s18], $0x2000  }
0x1c4: {  	[sflag:s18] =	ssyncset.done $0x0  }
0x1c5: {  	[sflag:s18] =	ssyncadd.s32 $0xFFFFE000  }
0x1c6: {  	_ =	swait.ge [sflag:s18], $0x2000  }
0x1c7: {  	[sflag:s18] =	ssyncset.done $0x0  }
0x1c8: {  	s14 =	simm.s32 $0x0;
	[sflag:s18] =	ssyncadd.s32 $0xFFFFE000  }
0x1c9: {  	v14 =	vld [tilespmem:s14+$0x3680]  }
0x1ca: {  	v16 =	vld [tilespmem:s14+$0x36D0]  }
0x1cb: {  	v15 =	vld [tilespmem:s14+$0x36B0]  }
0x1cc: {  	v17 =	vld [tilespmem:s14+$0x56B0]  }
0x1cd: {  	v18 =	vld [tilespmem:s14+$0x36C0]  }
0x1ce: {  	v19 =	vld [tilespmem:s14+$0x36E0]  }
0x1cf: {  	v22 =	vld [tilespmem:s14+$0x7680]  }
0x1d0: {  	v20 =	vld [tilespmem:s14+$0x16B0]  }
0x1d1: {  	v23 =	vld [tilespmem:s14+$0x3690]  }
0x1d2: {  	v24 =	vld [tilespmem:s14+$0x1690]  }
0x1d3: {  	v25 =	vld [tilespmem:s14+$0x7690]  }
0x1d4: {  	v26 =	vld [tilespmem:s14+$0x76B0]  }
0x1d5: {  	v27 =	vld [tilespmem:s14+$0x5690]  }
0x1d6: {  	v28 =	vld [tilespmem:s14+$0x56C0];
	v15 =	vadd.f32 v15, v20  }
0x1d7: {  	v20 =	vld [tilespmem:s14+$0x16C0]  }
0x1d8: {  	v23 =	vadd.f32 v23, v24;
	v24 =	vld [tilespmem:s14+$0x1680];
	v15 =	vadd.f32 v17, v15  }
0x1d9: {  	v29 =	vld [tilespmem:s14+$0x5680]  }
0x1da: {  	v17 =	vadd.f32 v26, v15;
	v15 =	vadd.f32 v27, v23;
	v23 =	vld [tilespmem:s14+$0x16D0]  }
0x1db: {  	v27 =	vld [tilespmem:s14+$0x16E0]  }
0x1dc: {  	v30 =	vld [tilespmem:s14+$0x76C0];
	v18 =	vadd.f32 v18, v20;
	v26 =	vsub.f32 $0.0e+00, v17  }
0x1dd: {  	v21 =	vld [tilespmem:s14+$0x56D0];
	v14 =	vadd.f32 v14, v24;
	v15 =	vadd.f32 v25, v15  }
0x1de: {  	v25 =	vld [tilespmem:s14+$0x56E0];
	v18 =	vadd.f32 v28, v18;
	v20 =	vmul.f32 $1.442695020e+00, v26  }
0x1df: {  	v24 =	vld [tilespmem:s14+$0x76D0];
	v14 =	vadd.f32 v29, v14;
	v26 =	vsub.f32 $0.0e+00, v15  }
0x1e0: {  	v16 =	vadd.f32 v16, v23;
	v19 =	vadd.f32 v19, v27;
	(erf) = vpow2.f32 v20  }
0x1e1: {  	v31 =	vld [tilespmem:s14+$0x76E0];
	v20 =	vadd.f32 v30, v18;
	v18 =	vadd.f32 v22, v14;
	v22 =	vmul.f32 $1.442695020e+00, v26  }
0x1e2: {  	v23 =	vld [tilespmem:s14+$0x36A0];
	v16 =	vadd.f32 v21, v16  }
0x1e3: {  	v27 =	vld [tilespmem:s14+$0x16A0];
	v14 =	vadd.f32 v25, v19;
	v25 =	vsub.f32 $0.0e+00, v20;
	(erf) = vpow2.f32 v22  }
0x1e4: {  	v16 =	vadd.f32 v24, v16  }
0x1e5: {  	v26 =	vld [tilespmem:s14+$0x56A0];
	v24 =	vsub.f32 $0.0e+00, v18;
	v22 =	vmul.f32 $1.442695020e+00, v25  }
0x1e6: {  	v21 =	vld [tilespmem:s14+$0x36F0];
	v14 =	vadd.f32 v31, v14;
	v28 =	vsub.f32 $0.0e+00, v16  }
0x1e7: {  	v25 =	vld [tilespmem:s14+$0x76A0];
	(erf) = vpow2.f32 v22  }
0x1e8: {  	v23 =	vadd.f32 v23, v27;
	v29 =	vmul.f32 $1.442695020e+00, v24;
	v30 =	vsub.f32 $0.0e+00, v14;
	v24 =	vld [tilespmem:s14+$0x16F0]  }
0x1e9: {  	v19 =	vld [tilespmem:s14+$0x76F0];
	v22 =	vmul.f32 $1.442695020e+00, v28  }
0x1ea: {  	s20 =	simm.s32 $0x400;
	s0 =	simm.s32 $0x200;
	v27 =	vadd.f32 v26, v23;
	v23 =	vld [tilespmem:s14+$0x56F0];
	(erf) = vpow2.f32 v29;
	v26 =	vmul.f32 $1.442695020e+00, v30;
	v28 =	vpop (erf)  }
.LBB2_14:
0x1eb: {  	p0 =	sne.s32 s20, $0x7E00  }
0x1ec: {  	s1 =	sshra.s32 s0, $0x2;
	v25 =	vadd.f32 v25, v27;
	v27 =	vadd.f32 $1.000000000e+00, v28;
	v28 =	vpop (erf);
	(erf) = vpow2.f32 v22;
	s0 =	smov.u32 s20;
	s20 =	sadd.s32 $0x200, s20  }
0x1ed: {  	v22 =	vld [tilespmem:s1+$0x76E0];
	v30 =	vadd.f32 $1.000000000e+00, v28;
	v24 =	vadd.f32 v21, v24;
	(erf) = vpow2.f32 v26  }
0x1ee: {  	v26 =	vld [tilespmem:s1+$0x3680];
	v29 =	vsub.f32 $0.0e+00, v25;
	(erf) = vrcp.f32 v27  }
0x1ef: {  	v21 =	vld [tilespmem:s1+$0x36F0];
	v23 =	vadd.f32 v23, v24;
	(erf) = vrcp.f32 v30  }
0x1f0: {  	v24 =	vld [tilespmem:s1+$0x36D0];
	v27 =	vmul.f32 $1.442695020e+00, v29;
	v28 =	vpop (erf)  }
0x1f1: {  	v29 =	vld [tilespmem:s1+$0x36B0];
	v28 =	vadd.f32 $1.000000000e+00, v28;
	v23 =	vadd.f32 v19, v23  }
0x1f2: {  	v30 =	vld [tilespmem:s1+$0x56B0];
	(erf) = vpow2.f32 v27  }
0x1f3: {  	v27 =	vld [tilespmem:s1+$0x36C0];
	v31 =	vsub.f32 $0.0e+00, v23;
	v32 =	vpop (erf);
	(erf) = vrcp.f32 v28  }
0x1f4: {  	v19 =	vld [tilespmem:s1+$0x76F0];
	v33 =	vadd.f32 $1.000000000e+00, v32  }
0x1f5: {  	v31 =	vmul.f32 $1.442695020e+00, v31;
	v32 =	vpop (erf)  }
0x1f6: {  	v32 =	vadd.f32 $1.000000000e+00, v32;
	(erf) = vrcp.f32 v33;
	v28 =	vpop (erf)  }
0x1f7: {  	v33 =	vld [tilespmem:s1+$0x36E0];
	v28 =	vadd.f32 $1.000000000e+00, v28;
	v34 =	vpop (erf);
	(erf) = vpow2.f32 v31  }
0x1f8: {  	v31 =	vld [tilespmem:s1+$0x56D0];
	v17 =	vmul.f32 v34, v17;
	v34 =	vpop (erf);
	(erf) = vrcp.f32 v32  }
0x1f9: {  	v32 =	vld [tilespmem:s1+$0x7680];
	v34 =	vmul.f32 v34, v15;
	(erf) = vrcp.f32 v28  }
0x1fa: {  	v28 =	vld [tilespmem:s1+$0x3690];
	[tilespmem:s14+$0x16B0] =	vst v17  }
0x1fb: {  	v17 =	vld [tilespmem:s1+$0x16B0];
	[tilespmem:s14+$0x1690] =	vst v34;
	v15 =	vpop (erf)  }
0x1fc: {  	v34 =	vld [tilespmem:s1+$0x1690];
	v15 =	vadd.f32 $1.000000000e+00, v15;
	v35 =	vpop (erf)  }
0x1fd: {  	v36 =	vld [tilespmem:s1+$0x7690];
	v37 =	vmul.f32 v35, v20  }
0x1fe: {  	v35 =	vld [tilespmem:s1+$0x5690];
	(erf) = vrcp.f32 v15  }
0x1ff: {  	v15 =	vld [tilespmem:s1+$0x76B0];
	[tilespmem:s14+$0x16C0] =	vst v37;
	v20 =	vpop (erf)  }
0x200: {  	v17 =	vadd.f32 v29, v17;
	v29 =	vld [tilespmem:s1+$0x16C0];
	v38 =	vmul.f32 v20, v18;
	v20 =	vpop (erf)  }
0x201: {  	v28 =	vadd.f32 v28, v34;
	v34 =	vld [tilespmem:s1+$0x76C0];
	v20 =	vadd.f32 $1.000000000e+00, v20;
	v37 =	vpop (erf)  }
0x202: {  	v17 =	vadd.f32 v30, v17;
	v30 =	vld [tilespmem:s1+$0x56C0];
	[tilespmem:s14+$0x1680] =	vst v38;
	v16 =	vmul.f32 v37, v16;
	v18 =	vpop (erf)  }
0x203: {  	v37 =	vld [tilespmem:s1+$0x1680];
	v28 =	vadd.f32 v35, v28;
	v14 =	vmul.f32 v18, v14;
	(erf) = vrcp.f32 v20  }
0x204: {  	v18 =	vld [tilespmem:s1+$0x5680];
	v17 =	vadd.f32 v15, v17;
	[tilespmem:s14+$0x16D0] =	vst v16  }
0x205: {  	v15 =	vadd.f32 v36, v28;
	v16 =	vadd.f32 v27, v29;
	v27 =	vld [tilespmem:s1+$0x16D0];
	[tilespmem:s14+$0x16E0] =	vst v14  }
0x206: {  	v14 =	vsub.f32 $0.0e+00, v17;
	v28 =	vld [tilespmem:s1+$0x16E0]  }
0x207: {  	v20 =	vsub.f32 $0.0e+00, v15;
	v16 =	vadd.f32 v30, v16;
	v29 =	vld [tilespmem:s1+$0x56E0];
	v30 =	vpop (erf)  }
0x208: {  	v26 =	vadd.f32 v26, v37;
	v14 =	vmul.f32 $1.442695020e+00, v14;
	v35 =	vld [tilespmem:s1+$0x76D0];
	v25 =	vmul.f32 v30, v25  }
0x209: {  	v30 =	vmul.f32 $1.442695020e+00, v20;
	v20 =	vadd.f32 v34, v16  }
0x20a: {  	v16 =	vadd.f32 v18, v26;
	v26 =	vld [tilespmem:s1+$0x36A0];
	v34 =	vadd.f32 v24, v27;
	(erf) = vpow2.f32 v14;
	[tilespmem:s14+$0x16A0] =	vst v25  }
0x20b: {  	v27 =	vld [tilespmem:s1+$0x16A0];
	v14 =	vsub.f32 $0.0e+00, v20;
	v25 =	vadd.f32 v33, v28;
	(erf) = vpow2.f32 v30  }
0x20c: {  	v18 =	vadd.f32 v32, v16;
	v16 =	vadd.f32 v31, v34;
	v24 =	vpop (erf)  }
0x20d: {  	v28 =	vld [tilespmem:s1+$0x56A0];
	v30 =	vmul.f32 $1.442695020e+00, v14;
	v14 =	vadd.f32 v29, v25;
	v23 =	vmul.f32 v24, v23  }
0x20e: {  	v24 =	vsub.f32 $0.0e+00, v18;
	v16 =	vadd.f32 v35, v16  }
.Ltmp13:
0x20f: {  	v25 =	vld [tilespmem:s1+$0x76A0];
	v14 =	vadd.f32 v22, v14;
	(erf) = vpow2.f32 v30;
	[tilespmem:s14+$0x16F0] =	vst v23;
	s14 =	smov.u32 s1;
	(pc) =	sbr.rel @p0 .LBB2_14-.Ltmp13, $4  }
0x210: {  	v29 =	vmul.f32 $1.442695020e+00, v24;
	v22 =	vadd.f32 v26, v27;
	v23 =	vsub.f32 $0.0e+00, v16;
	v24 =	vld [tilespmem:s14+$0x16F0]  }
0x211: {  	v26 =	vsub.f32 $0.0e+00, v14  }
0x212: {  	v27 =	vadd.f32 v28, v22;
	v22 =	vmul.f32 $1.442695020e+00, v23;
	v23 =	vld [tilespmem:s14+$0x56F0];
	(erf) = vpow2.f32 v29  }
0x213: {  	v26 =	vmul.f32 $1.442695020e+00, v26;
	v28 =	vpop (erf)  }
0x214: {  	v28 =	vadd.f32 $1.000000000e+00, v28;
	(erf) = vpow2.f32 v22;
	v49 =	vpop (erf)  }
0x215: {  	(erf) = vpow2.f32 v26;
	v22 =	vadd.f32 $1.000000000e+00, v49  }
0x216: {  	v25 =	vadd.f32 v25, v27;
	(erf) = vrcp.f32 v28  }
0x217: {  	v21 =	vadd.f32 v21, v24;
	(erf) = vrcp.f32 v22  }
0x218: {  	s20 =	sshra.s32 s0, $0x2;
	v50 =	vsub.f32 $0.0e+00, v25  }
0x219: {  	v26 =	vld [tilespmem:s20+$0x76E0];
	v21 =	vadd.f32 v23, v21  }
0x21a: {  	v27 =	vld [tilespmem:s20+$0x3680];
	v51 =	vmul.f32 $1.442695020e+00, v50;
	v52 =	vpop (erf)  }
0x21b: {  	v29 =	vld [tilespmem:s20+$0x36F0];
	v53 =	vadd.f32 $1.000000000e+00, v52;
	v19 =	vadd.f32 v19, v21  }
0x21c: {  	v30 =	vld [tilespmem:s20+$0x36B0];
	(erf) = vpow2.f32 v51;
	v31 =	vpop (erf)  }
0x21d: {  	v54 =	vld [tilespmem:s20+$0x56B0];
	(erf) = vrcp.f32 v53;
	v34 =	vsub.f32 $0.0e+00, v19;
	v56 =	vpop (erf)  }
0x21e: {  	v55 =	vld [tilespmem:s20+$0x36C0];
	v31 =	vadd.f32 $1.000000000e+00, v31;
	v32 =	vpop (erf)  }
0x21f: {  	v33 =	vld [tilespmem:s20+$0x36E0];
	v34 =	vmul.f32 $1.442695020e+00, v34;
	v35 =	vpop (erf)  }
0x220: {  	v36 =	vld [tilespmem:s20+$0x56D0];
	(erf) = vrcp.f32 v31;
	v57 =	vpop (erf)  }
0x221: {  	v37 =	vld [tilespmem:s20+$0x3690];
	v23 =	vadd.f32 $1.000000000e+00, v56;
	(erf) = vpow2.f32 v34;
	v15 =	vmul.f32 v57, v15  }
0x222: {  	v22 =	vld [tilespmem:s20+$0x36D0];
	v17 =	vmul.f32 v35, v17  }
0x223: {  	v21 =	vld [tilespmem:s20+$0x76F0];
	v58 =	vadd.f32 $1.000000000e+00, v32;
	(erf) = vrcp.f32 v23  }
0x224: {  	v35 =	vld [tilespmem:s20+$0x7680];
	[tilespmem:s14+$0x16B0] =	vst v17  }
0x225: {  	v17 =	vld [tilespmem:s20+$0x16B0];
	[tilespmem:s14+$0x1690] =	vst v15;
	v15 =	vpop (erf);
	(erf) = vrcp.f32 v58  }
0x226: {  	v59 =	vld [tilespmem:s20+$0x1690];
	v60 =	vpop (erf)  }
0x227: {  	v61 =	vld [tilespmem:s20+$0x7690];
	v20 =	vmul.f32 v60, v20  }
0x228: {  	v62 =	vld [tilespmem:s20+$0x5690];
	v15 =	vadd.f32 $1.000000000e+00, v15  }
0x229: {  	v63 =	vld [tilespmem:s20+$0x76B0];
	v43 =	vpop (erf);
	[tilespmem:s14+$0x16C0] =	vst v20  }
0x22a: {  	(erf) = vrcp.f32 v15;
	v15 =	vmul.f32 v43, v18;
	v45 =	vpop (erf);
	v38 =	vld [tilespmem:s20+$0x16C0]  }
0x22b: {  	v44 =	vld [tilespmem:s20+$0x76C0];
	v20 =	vadd.f32 $1.000000000e+00, v45  }
0x22c: {  	v39 =	vld [tilespmem:s20+$0x56C0];
	v40 =	vpop (erf);
	[tilespmem:s14+$0x1680] =	vst v15  }
0x22d: {  	v15 =	vmul.f32 v40, v16;
	v46 =	vld [tilespmem:s20+$0x1680];
	(erf) = vrcp.f32 v20  }
0x22e: {  	v17 =	vadd.f32 v30, v17;
	v47 =	vpop (erf)  }
0x22f: {  	v48 =	vld [tilespmem:s20+$0x5680];
	[tilespmem:s14+$0x16D0] =	vst v15;
	v15 =	vadd.f32 v37, v59;
	v14 =	vmul.f32 v47, v14  }
0x230: {  	v17 =	vadd.f32 v54, v17  }
0x231: {  	v49 =	vld [tilespmem:s20+$0x16D0];
	[tilespmem:s14+$0x16E0] =	vst v14;
	v14 =	vadd.f32 v62, v15;
	v15 =	vadd.f32 v55, v38  }
0x232: {  	v17 =	vadd.f32 v63, v17;
	v16 =	vadd.f32 v27, v46  }
0x233: {  	v52 =	vpop (erf);
	v50 =	vld [tilespmem:s20+$0x16E0];
	v14 =	vadd.f32 v61, v14;
	v15 =	vadd.f32 v39, v15  }
0x234: {  	v54 =	vsub.f32 $0.0e+00, v17;
	v51 =	vld [tilespmem:s20+$0x56E0];
	v25 =	vmul.f32 v52, v25;
	v16 =	vadd.f32 v48, v16  }
0x235: {  	v53 =	vld [tilespmem:s20+$0x76D0];
	v56 =	vsub.f32 $0.0e+00, v14;
	v15 =	vadd.f32 v44, v15  }
0x236: {  	v57 =	vmul.f32 $1.442695020e+00, v54;
	v55 =	vld [tilespmem:s20+$0x36A0];
	[tilespmem:s14+$0x16A0] =	vst v25;
	v16 =	vadd.f32 v35, v16;
	v58 =	vpop (erf)  }
0x237: {  	v25 =	vld [tilespmem:s20+$0x16A0];
	v19 =	vmul.f32 v58, v19;
	v31 =	vmul.f32 $1.442695020e+00, v56;
	v59 =	vsub.f32 $0.0e+00, v15  }
0x238: {  	(erf) = vpow2.f32 v57;
	v22 =	vadd.f32 v22, v49;
	v60 =	vld [tilespmem:s20+$0x56A0];
	v61 =	vsub.f32 $0.0e+00, v16  }
0x239: {  	v62 =	vld [tilespmem:s20+$0x76A0];
	v24 =	vadd.f32 v33, v50;
	[tilespmem:s14+$0x16F0] =	vst v19;
	(erf) = vpow2.f32 v31;
	v63 =	vmul.f32 $1.442695020e+00, v59  }
0x23a: {  	v33 =	vadd.f32 v36, v22;
	v18 =	vmul.f32 $1.442695020e+00, v61;
	v35 =	vld [tilespmem:s20+$0x16F0]  }
0x23b: {  	v24 =	vadd.f32 v51, v24;
	(erf) = vpow2.f32 v63  }
0x23c: {  	v19 =	vadd.f32 v53, v33;
	v36 =	vld [tilespmem:s20+$0x56F0];
	v20 =	vadd.f32 v55, v25;
	(erf) = vpow2.f32 v18  }
0x23d: {  	v37 =	vadd.f32 v26, v24  }
0x23e: {  	v38 =	vsub.f32 $0.0e+00, v19;
	v20 =	vadd.f32 v60, v20  }
0x23f: {  	v26 =	vsub.f32 $0.0e+00, v37;
	v22 =	vadd.f32 v29, v35  }
0x240: {  	v24 =	vmul.f32 $1.442695020e+00, v38;
	v20 =	vadd.f32 v62, v20  }
0x241: {  	v40 =	vpop (erf);
	v39 =	vmul.f32 $1.442695020e+00, v26;
	v22 =	vadd.f32 v36, v22  }
0x242: {  	v41 =	vadd.f32 $1.000000000e+00, v40;
	(erf) = vpow2.f32 v24;
	v43 =	vsub.f32 $0.0e+00, v20;
	v42 =	vpop (erf)  }
0x243: {  	(erf) = vpow2.f32 v39;
	v21 =	vadd.f32 v21, v22;
	v26 =	vadd.f32 $1.000000000e+00, v42  }
0x244: {  	(erf) = vrcp.f32 v41;
	v44 =	vmul.f32 $1.442695020e+00, v43;
	v45 =	vpop (erf)  }
0x245: {  	v46 =	vsub.f32 $0.0e+00, v21;
	(erf) = vrcp.f32 v26;
	v23 =	vadd.f32 $1.000000000e+00, v45;
	v47 =	vpop (erf)  }
0x246: {  	(erf) = vpow2.f32 v44;
	v48 =	vadd.f32 $1.000000000e+00, v47  }
0x247: {  	v49 =	vmul.f32 $1.442695020e+00, v46;
	(erf) = vrcp.f32 v23  }
0x248: {  	(erf) = vrcp.f32 v48  }
0x249: {  	(erf) = vpow2.f32 v49;
	_ =	sdelay $0x1  }
0x24a: {  	v50 =	vpop (erf)  }
0x24b: {  	v51 =	vpop (erf)  }
0x24c: {  	v52 =	vpop (erf)  }
0x24d: {  	v53 =	vpop (erf)  }
0x24e: {  	v54 =	vpop (erf)  }
0x24f: {  	v22 =	vadd.f32 $1.000000000e+00, v50;
	v55 =	vpop (erf)  }
0x250: {  	v23 =	vadd.f32 $1.000000000e+00, v51;
	v56 =	vpop (erf)  }
0x251: {  	(erf) = vrcp.f32 v22;
	v57 =	vadd.f32 $1.000000000e+00, v54;
	v58 =	vpop (erf)  }
0x252: {  	(erf) = vrcp.f32 v23;
	v59 =	vadd.f32 $1.000000000e+00, v58  }
0x253: {  	(erf) = vrcp.f32 v57  }
0x254: {  	(erf) = vrcp.f32 v59;
	_ =	sdelay $0x2  }
0x255: {  	v17 =	vmul.f32 v52, v17  }
0x256: {  	v14 =	vmul.f32 v53, v14  }
0x257: {  	[tilespmem:s20+$0x16B0] =	vst v17;
	v15 =	vmul.f32 v55, v15  }
0x258: {  	[tilespmem:s20+$0x1690] =	vst v14;
	v14 =	vmul.f32 v56, v16;
	v60 =	vpop (erf)  }
0x259: {  	[tilespmem:s20+$0x16C0] =	vst v15;
	v15 =	vmul.f32 v60, v19;
	v61 =	vpop (erf)  }
0x25a: {  	[tilespmem:s20+$0x1680] =	vst v14;
	v14 =	vmul.f32 v61, v37;
	v62 =	vpop (erf)  }
0x25b: {  	[tilespmem:s20+$0x16D0] =	vst v15;
	v15 =	vmul.f32 v62, v20;
	v63 =	vpop (erf)  }
0x25c: {  	[tilespmem:s20+$0x16E0] =	vst v14;
	v14 =	vmul.f32 v63, v21  }
0x25d: {  	[tilespmem:s20+$0x16A0] =	vst v15  }
.Ltmp14:
0x25e: {  	[tilespmem:s20+$0x16F0] =	vst v14;
	(pc) =	sbr.rel .LBB2_16-.Ltmp14, $4  }
0x25f: {  	[spmem:s5] =	stream.indirect.scatter.add.f32 [tilespmem:s11], [sflag:$0x3], $0x80, s19, s30, $0xb8;
	[tilespmem:$0x1D740] =	vst v63  }
0x260: {  	_ =	swait.ge [sflag:s28], $0x2000  }
0x261: {  	[sflag:s28] =	ssyncset.done $0x0  }
0x262: {  	[sflag:s28] =	ssyncadd.s32 $0xFFFFE000  }
.LBB2_18:
0x263: {  	_ =	sfence.sel $0x180000  }
0x264: {  	[bflag:$0x0] =	sbarrier.arrive $0xFFFF  }
0x265: {  	_ =	strace $0x90000047  }
0x266: {  	s0 =	stileid.u32;
	[bflag:$0x2] =	sbarrier.arrive $0xFFFF  }
0x267: {  	p0 =	sne.s32 s0, $0x0;
	s0 =	rddreg [dreg:$0x6]  }
0x268: {  	s0 =	sadd.s32 @!p0 $0x100000, s0  }
0x269: {  	[sflag:s0] =	ssyncadd.tile.s32 @!p0 $0x1;
	_ =	shalt  }
.Lfunc_end2:
_tile_overlayer_lowered:
.L_overlay_start_2:
0x26a: {  	(tag) =	ssettag $0x2  }
0x26b: {  	s0 =	rddreg [dreg:$0x0];
	s2 =	stileid.u32  }
0x26c: {  	s1 =	rddreg [dreg:$0x1];
	p0 =	sne.s32 s2, $0x0  }
0x26d: {  	s3 =	rddreg [dreg:$0x2];
	[bflag:$0x3] =	sbarrier.arrive $0xFFFF;
	s2 =	simm.s32 @!p0 $0x1C03  }
0x26e: {  	[timem:s3], [sflag:s2] =	dma.local @!p0 [hbm:s0], s1  }
0x26f: {  	s0 =	simm.s32 @!p0 $0x3  }
0x270: {  	_ =	swait.ge @!p0 [sflag:s0], s1  }
0x271: {  	s1 =	ssub.s32 @!p0 $0x0, s1;
	[sflag:s0] =	ssyncset.done @!p0 $0x0  }
0x272: {  	[sflag:s0] =	ssyncadd.s32 @!p0 s1  }
0x273: {  	[bflag:$0x3] =	sbarrier.arrive $0xFFFF  }
0x274: {  	_ =	shalt  }

</sc_bundles>
